<compile_context>
chip_gen: v7x
topology: tpu7x:2x2x1
jax: 0.10.2.dev20260603
libtpu: 0.0.44.dev20260713+nightly
codegen_flags: <defaults>
</compile_context>

<pallas_src>
import jax
import jax.numpy as jnp
from jax import lax
from jax.experimental import pallas as pl
from jax.experimental.pallas import tpu as pltpu
from jax.experimental.pallas import tpu_sc as plsc

D_MODEL = 256
N_HEADS = 8
N_LEVELS = 3
N_POINTS = 2
D_HEAD = 32
BS, NQ, FL = 2, 900, 3
H = W = 100
HW = H * W
NQF = NQ * FL
NHLP = N_HEADS * N_LEVELS * N_POINTS
R_ROWS = BS * NQF * N_HEADS
NCON = N_LEVELS * N_POINTS * 4

NW = 32
R_PAD = 45056
ROWS_W = R_PAD // NW
CHUNK = 128
NCHUNK = ROWS_W // CHUNK
IDX_ROWS_W = CHUNK * NCON // 128


def _value_kernel(x_ref, wv_ref, bv_ref, out_ref):
    v = jnp.dot(x_ref[0], wv_ref[...], preferred_element_type=jnp.float32)
    out_ref[0] = v + bv_ref[...][None, :]


def _value_table(input_flatten, Wv, bv):
    thw = 2000
    out = pl.pallas_call(
        _value_kernel,
        grid=(BS, HW // thw),
        in_specs=[
            pl.BlockSpec((1, thw, D_MODEL), lambda b, i: (b, i, 0)),
            pl.BlockSpec((D_MODEL, D_MODEL), lambda b, i: (0, 0)),
            pl.BlockSpec((D_MODEL,), lambda b, i: (0,)),
        ],
        out_specs=pl.BlockSpec((1, thw, D_MODEL), lambda b, i: (b, i, 0)),
        out_shape=jax.ShapeDtypeStruct((BS, HW, D_MODEL), jnp.float32),
    )(input_flatten, Wv, bv)
    return out.reshape(BS * HW * N_HEADS, D_HEAD)


def _prep_kernel(qt_ref, rpt_ref, wst_ref, bst_ref, wat_ref, bat_ref,
                 idx_ref, w_ref):
    b = pl.program_id(0)
    qt = qt_ref[0]
    off = jnp.dot(wst_ref[...], qt, preferred_element_type=jnp.float32)
    off = off + bst_ref[...]
    a = jnp.dot(wat_ref[...], qt, preferred_element_type=jnp.float32)
    a = a + bat_ref[...]
    a3 = a.reshape(N_HEADS, N_LEVELS * N_POINTS, NQF)
    m = jnp.max(a3, axis=1, keepdims=True)
    e = jnp.exp(a3 - m)
    aw = (e / jnp.sum(e, axis=1, keepdims=True)).reshape(NHLP, NQF)

    rpx = rpt_ref[0, 0:1]
    rpy = rpt_ref[0, 1:2]
    x = (rpx + off[0:NHLP] / 100.0) * 100.0 - 0.5
    y = (rpy + off[NHLP:2 * NHLP] / 100.0) * 100.0 - 0.5
    x0 = jnp.floor(x)
    y0 = jnp.floor(y)
    wx1 = x - x0
    wx0 = 1.0 - wx1
    wy1 = y - y0
    wy0 = 1.0 - wy1

    h_arr = lax.broadcasted_iota(jnp.int32, (NHLP, NQF), 0) // (N_LEVELS * N_POINTS)
    for c, (cy, wy, cx, wx) in enumerate(
            ((0, wy0, 0, wx0), (0, wy0, 1, wx1), (1, wy1, 0, wx0), (1, wy1, 1, wx1))):
        yy = y0 + cy
        xx = x0 + cx
        yi = jnp.clip(yy.astype(jnp.int32), 0, H - 1)
        xi = jnp.clip(xx.astype(jnp.int32), 0, W - 1)
        valid = (yy >= 0) & (yy <= float(H - 1)) & (xx >= 0) & (xx <= float(W - 1))
        idx_ref[0, c] = (b * HW + yi * W + xi) * N_HEADS + h_arr
        w_ref[0, c] = wy * wx * valid.astype(jnp.float32) * aw


def _prep(q_t, rp_t, WsT, bsT, WaT, baT):
    idx, w = pl.pallas_call(
        _prep_kernel,
        grid=(BS,),
        in_specs=[
            pl.BlockSpec((1, D_MODEL, NQF), lambda b: (b, 0, 0)),
            pl.BlockSpec((1, 2, NQF), lambda b: (b, 0, 0)),
            pl.BlockSpec((2 * NHLP, D_MODEL), lambda b: (0, 0)),
            pl.BlockSpec((2 * NHLP, 1), lambda b: (0, 0)),
            pl.BlockSpec((NHLP, D_MODEL), lambda b: (0, 0)),
            pl.BlockSpec((NHLP, 1), lambda b: (0, 0)),
        ],
        out_specs=[
            pl.BlockSpec((1, 4, NHLP, NQF), lambda b: (b, 0, 0, 0)),
            pl.BlockSpec((1, 4, NHLP, NQF), lambda b: (b, 0, 0, 0)),
        ],
        out_shape=[
            jax.ShapeDtypeStruct((BS, 4, NHLP, NQF), jnp.int32),
            jax.ShapeDtypeStruct((BS, 4, NHLP, NQF), jnp.float32),
        ],
    )(q_t, rp_t, WsT, bsT, WaT, baT)
    return idx, w


HALF = IDX_ROWS_W // 2
HROWS = CHUNK // 2


def _sc_gather_kernel(val_hbm, idx_hbm, w_hbm, out_hbm, idx_v, w_v, rows_v,
                      out_v, gsemA, gsemB, iwsem):
    wid = lax.axis_index("s") * 2 + lax.axis_index("c")

    def start_iw(c, buf):
        base = pl.multiple_of(wid * ROWS_W + c * CHUNK, 128)
        irow = pl.multiple_of(base * NCON // 128, 8)
        pltpu.async_copy(idx_hbm.at[pl.ds(irow, IDX_ROWS_W)], idx_v.at[buf],
                         iwsem)
        pltpu.async_copy(w_hbm.at[pl.ds(base * NCON, CHUNK * NCON)],
                         w_v.at[buf], iwsem)

    def drain_iw():
        pltpu.make_async_copy(idx_hbm.at[pl.ds(0, IDX_ROWS_W)], idx_v.at[0],
                              iwsem).wait()
        pltpu.make_async_copy(w_hbm.at[pl.ds(0, CHUNK * NCON)], w_v.at[0],
                              iwsem).wait()

    def fire_half(buf, half, sem):
        for j in range(half * HALF, (half + 1) * HALF):
            pltpu.async_copy(val_hbm.at[idx_v.at[buf, j]],
                             rows_v.at[pl.ds(j * 128, 128)], sem)

    def drain_half(buf, half, sem):
        for j in range(half * HALF, (half + 1) * HALF):
            pltpu.make_async_copy(val_hbm.at[idx_v.at[buf, j]],
                                  rows_v.at[pl.ds(j * 128, 128)], sem).wait()

    def accum_half(p, half):
        def row_body(j, _):
            s = j * NCON
            wv0 = w_v[p, pl.ds(s, 16)]
            wv1 = w_v[p, pl.ds(s + 8, 16)]
            acc0 = jnp.zeros((16,), jnp.float32)
            acc1 = jnp.zeros((16,), jnp.float32)
            for k in range(NCON):
                wk = wv0[k] if k < 16 else wv1[k - 8]
                acc0 = acc0 + wk * rows_v[s + k, pl.ds(0, 16)]
                acc1 = acc1 + wk * rows_v[s + k, pl.ds(16, 16)]
            out_v[j, pl.ds(0, 16)] = acc0
            out_v[j, pl.ds(16, 16)] = acc1
            return 0

        lax.fori_loop(half * HROWS, (half + 1) * HROWS, row_body, 0)

    pltpu.sync_copy(idx_hbm.at[pl.ds(pl.multiple_of(wid * ROWS_W * NCON // 128, 8),
                                     IDX_ROWS_W)], idx_v.at[0])
    pltpu.sync_copy(w_hbm.at[pl.ds(wid * ROWS_W * NCON, CHUNK * NCON)],
                    w_v.at[0])
    fire_half(0, 0, gsemA)
    fire_half(0, 1, gsemB)
    start_iw(1, 1)

    def chunk_body(c, _):
        p = jnp.bitwise_and(c, 1)
        q = 1 - p
        base = pl.multiple_of(wid * ROWS_W + c * CHUNK, 128)

        drain_half(p, 0, gsemA)

        @pl.when(c + 1 < NCHUNK)
        def _():
            drain_iw()

        accum_half(p, 0)

        @pl.when(c + 1 < NCHUNK)
        def _():
            fire_half(q, 0, gsemA)

        drain_half(p, 1, gsemB)
        accum_half(p, 1)
        pltpu.sync_copy(out_v, out_hbm.at[pl.ds(base, CHUNK)])

        @pl.when(c + 1 < NCHUNK)
        def _():
            fire_half(q, 1, gsemB)

        @pl.when(c + 2 < NCHUNK)
        def _():
            start_iw(c + 2, p)

        return 0

    lax.fori_loop(0, NCHUNK, chunk_body, 0)


def _sc_gather(val_t, idx_pad2d, w_pad):
    mesh = plsc.VectorSubcoreMesh(core_axis_name="c", subcore_axis_name="s")
    run = pl.kernel(
        _sc_gather_kernel,
        mesh=mesh,
        compiler_params=pltpu.CompilerParams(use_tc_tiling_on_sc=False),
        out_type=jax.ShapeDtypeStruct((R_PAD, D_HEAD), jnp.float32),
        scratch_types=[
            pltpu.VMEM((2, IDX_ROWS_W, 128), jnp.int32),
            pltpu.VMEM((2, CHUNK * NCON), jnp.float32),
            pltpu.VMEM((CHUNK * NCON, D_HEAD), jnp.float32),
            pltpu.VMEM((CHUNK, D_HEAD), jnp.float32),
            pltpu.SemaphoreType.DMA,
            pltpu.SemaphoreType.DMA,
            pltpu.SemaphoreType.DMA,
        ],
    )
    return run(val_t, idx_pad2d, w_pad)


def _final_kernel(s_ref, wo_ref, bo_ref, out_ref):
    out_ref[0] = (jnp.dot(s_ref[0], wo_ref[...], preferred_element_type=jnp.float32)
                  + bo_ref[...][None, :])


def _final(out_rows, Wo, bo):
    out = pl.pallas_call(
        _final_kernel,
        grid=(BS,),
        in_specs=[
            pl.BlockSpec((1, NQF, D_MODEL), lambda b: (b, 0, 0)),
            pl.BlockSpec((D_MODEL, D_MODEL), lambda b: (0, 0)),
            pl.BlockSpec((D_MODEL,), lambda b: (0,)),
        ],
        out_specs=pl.BlockSpec((1, NQF, D_MODEL), lambda b: (b, 0, 0)),
        out_shape=jax.ShapeDtypeStruct((BS, NQF, D_MODEL), jnp.float32),
    )(out_rows, Wo, bo)
    return out.reshape(BS, NQ, FL, D_MODEL)


@jax.jit
def _run(query, reference_points, input_flatten, Wv, bv, Ws, bs_off, Wa, ba,
         Wo, bo):
    q_t = query.reshape(BS, NQF, D_MODEL).transpose(0, 2, 1)
    rp_t = reference_points.reshape(BS, NQF, 2).transpose(0, 2, 1)
    WsT = (Ws.T.reshape(N_HEADS, N_LEVELS, N_POINTS, 2, D_MODEL)
           .transpose(3, 0, 1, 2, 4).reshape(2 * NHLP, D_MODEL))
    bsT = (bs_off.reshape(N_HEADS, N_LEVELS, N_POINTS, 2)
           .transpose(3, 0, 1, 2).reshape(2 * NHLP, 1))
    WaT = Wa.T
    baT = ba.reshape(NHLP, 1)

    val_t = _value_table(input_flatten, Wv, bv)
    idx, w = _prep(q_t, rp_t, WsT, bsT, WaT, baT)

    perm = (0, 4, 2, 3, 1)
    idx_r = (idx.reshape(BS, 4, N_HEADS, N_LEVELS * N_POINTS, NQF)
             .transpose(perm).reshape(R_ROWS * NCON))
    w_r = (w.reshape(BS, 4, N_HEADS, N_LEVELS * N_POINTS, NQF)
           .transpose(perm).reshape(R_ROWS * NCON))
    npad = (R_PAD - R_ROWS) * NCON
    idx_flat = jnp.concatenate([idx_r, jnp.zeros((npad,), jnp.int32)])
    w_flat = jnp.concatenate([w_r, jnp.zeros((npad,), jnp.float32)])

    out_rows = _sc_gather(val_t, idx_flat.reshape(-1, 128), w_flat)
    return _final(out_rows[:R_ROWS].reshape(BS, NQF, D_MODEL), Wo, bo)


def kernel(query, reference_points, input_flatten, input_spatial_shapes,
           Wv, bv, Ws, bs_off, Wa, ba, Wo, bo):
    del input_spatial_shapes
    return _run(query, reference_points, input_flatten, Wv, bv, Ws, bs_off,
                Wa, ba, Wo, bo)

# --- scband reference (transcript-rebuilt; emitter-appended) ---
"""Pipeline reference for scband-single-scale-deform-attn-21672404976132 (READ-ONLY COPY).

The authoritative reference and input builder live on the scoring server;
editing this copy changes nothing except your own understanding.
"""

import jax, jax.numpy as jnp
import numpy as np

D_MODEL = 256
N_HEADS = 8
N_LEVELS = 3
N_POINTS = 2
D_HEAD = D_MODEL // N_HEADS
BS, NQ, FL = 2, 900, 3
H = W = 100


def setup_inputs(seed: int = 0) -> dict:
    key = jax.random.key(seed)
    ks = jax.random.split(key, 12)
    s = 0.02
    inp = {}
    inp["query"] = jax.random.normal(ks[0], (BS, NQ, FL, D_MODEL), jnp.float32)
    inp["reference_points"] = jax.random.uniform(ks[1], (BS, NQ, FL, 2), dtype=jnp.float32)
    inp["input_flatten"] = jax.random.normal(ks[2], (BS, H * W, D_MODEL), jnp.float32)
    inp["input_spatial_shapes"] = jnp.full((N_LEVELS, 2), 100, dtype=jnp.int32)
    inp["Wv"] = jax.random.normal(ks[3], (D_MODEL, D_MODEL), jnp.float32) * s
    inp["bv"] = jnp.zeros((D_MODEL,), jnp.float32)
    inp["Ws"] = jax.random.normal(ks[4], (D_MODEL, N_HEADS * N_LEVELS * N_POINTS * 2), jnp.float32) * s
    inp["bs_off"] = jax.random.normal(ks[5], (N_HEADS * N_LEVELS * N_POINTS * 2,), jnp.float32) * s
    inp["Wa"] = jax.random.normal(ks[6], (D_MODEL, N_HEADS * N_LEVELS * N_POINTS), jnp.float32) * s
    inp["ba"] = jnp.zeros((N_HEADS * N_LEVELS * N_POINTS,), jnp.float32)
    inp["Wo"] = jax.random.normal(ks[7], (D_MODEL, D_MODEL), jnp.float32) * s
    inp["bo"] = jnp.zeros((D_MODEL,), jnp.float32)
    return inp


def _forward(query, reference_points, input_flatten, input_spatial_shapes, Wv, bv, Ws, bs_off, Wa, ba, Wo, bo):
    bs, nq, fl, _ = query.shape
    Hh = input_spatial_shapes[0, 0]
    Ww = input_spatial_shapes[0, 1]
    # value projection (loop over levels in original is loop-invariant with no padding mask)
    value = input_flatten @ Wv + bv
    vg = value.reshape(bs, H, W, N_HEADS, D_HEAD).transpose(0, 3, 1, 2, 4)  # [bs, nh, H, W, dh]
    offsets = (query @ Ws + bs_off).reshape(bs, nq, fl, N_HEADS, N_LEVELS, N_POINTS, 2)
    aw = (query @ Wa + ba).reshape(bs, nq, fl, N_HEADS, N_LEVELS * N_POINTS)
    aw = jax.nn.softmax(aw, axis=-1).reshape(bs, nq, fl, N_HEADS, N_LEVELS, N_POINTS)
    normalizer = jnp.stack([input_spatial_shapes[:, 1], input_spatial_shapes[:, 0]], -1).astype(jnp.float32)
    locs = reference_points[:, :, :, None, None, None, :] + offsets / normalizer[None, None, None, None, :, None, :]
    locs_t = locs.transpose(0, 3, 1, 2, 4, 5, 6).reshape(bs, N_HEADS, -1, 2)
    x = locs_t[..., 0] * Ww.astype(jnp.float32) - 0.5
    y = locs_t[..., 1] * Hh.astype(jnp.float32) - 0.5
    x0 = jnp.floor(x)
    y0 = jnp.floor(y)
    wx1 = x - x0
    wx0 = 1.0 - wx1
    wy1 = y - y0
    wy0 = 1.0 - wy1
    b_idx = jnp.arange(bs)[:, None, None]
    h_idx = jnp.arange(N_HEADS)[None, :, None]

    def gather(yy, xx):
        yi = jnp.clip(yy.astype(jnp.int32), 0, Hh - 1)
        xi = jnp.clip(xx.astype(jnp.int32), 0, Ww - 1)
        valid = (yy >= 0) & (yy <= (Hh - 1).astype(jnp.float32)) & (xx >= 0) & (xx <= (Ww - 1).astype(jnp.float32))
        v = vg[b_idx, h_idx, yi, xi]
        return v * valid[..., None].astype(v.dtype)

    samp = (gather(y0, x0) * (wy0 * wx0)[..., None]
            + gather(y0, x0 + 1.0) * (wy0 * wx1)[..., None]
            + gather(y0 + 1.0, x0) * (wy1 * wx0)[..., None]
            + gather(y0 + 1.0, x0 + 1.0) * (wy1 * wx1)[..., None])
    samp = samp.reshape(bs, N_HEADS, nq, fl, N_LEVELS, N_POINTS, D_HEAD)
    aw_t = aw.transpose(0, 3, 1, 2, 4, 5)
    out = (samp * aw_t[..., None]).sum(axis=(4, 5))  # [bs, nh, nq, fl, dh]
    out = out.transpose(0, 2, 3, 1, 4).reshape(bs, nq, fl, D_MODEL)
    return out @ Wo + bo


def reference(query, reference_points, input_flatten, input_spatial_shapes, Wv, bv, Ws, bs_off, Wa, ba, Wo, bo):
    return _forward(query, reference_points, input_flatten, input_spatial_shapes, Wv, bv, Ws, bs_off, Wa, ba, Wo, bo)

if __name__ == "__main__":
    import jax
    _d = setup_inputs()
    print(jax.jit(kernel)(*tuple(_d.values())))

</pallas_src>

<mosaic_0001>
#map = affine_map<(d0, d1) -> (0, 0)>
#map1 = affine_map<(d0, d1) -> (0)>
module attributes {stable_mosaic.version = 14 : i64} {
  func.func @_sc_gather_kernel(%arg0: i32, %arg1: i32, %arg2: memref<160000x32xf32, #tpu.memory_space<hbm>>, %arg3: memref<8448x128xi32, #tpu.memory_space<hbm>>, %arg4: memref<1081344xf32, #tpu.memory_space<hbm>>, %arg5: memref<45056x32xf32, #tpu.memory_space<hbm>>, %arg6: memref<2x24x128xi32, #tpu.memory_space<vmem>>, %arg7: memref<2x3072xf32, #tpu.memory_space<vmem>>, %arg8: memref<3072x32xf32, #tpu.memory_space<vmem>>, %arg9: memref<128x32xf32, #tpu.memory_space<vmem>>, %arg10: memref<!tpu.dma_semaphore, #tpu.memory_space<semaphore_mem>>, %arg11: memref<!tpu.dma_semaphore, #tpu.memory_space<semaphore_mem>>, %arg12: memref<!tpu.dma_semaphore, #tpu.memory_space<semaphore_mem>>) attributes {dimension_semantics = [#tpu.dimension_semantics<core_parallel>, #tpu.dimension_semantics<subcore_parallel>], iteration_bounds = array<i64: 2, 16>, scalar_prefetch = 0 : i64, scratch_operands = 7 : i64, tpu.core_type = #tpu.core_type<sc_vector_subcore>, window_params = [{transform_indices = #map}, {transform_indices = #map}, {transform_indices = #map1}, {transform_indices = #map}]} {
    %mul3A = arith.constant 2 : i32
    %mul3A_0 = arith.muli %arg1, %mul3A : i32
    %add3A = arith.addi %mul3A_0, %arg0 : i32
    %mul3A_1 = arith.constant 1408 : i32
    %mul3A_2 = arith.muli %add3A, %mul3A_1 : i32
    %mul3A_3 = arith.constant 24 : i32
    %mul3A_4 = arith.muli %mul3A_2, %mul3A_3 : i32
    %jit3A = arith.constant 128 : i32
    %div3A = arith.divsi %mul3A_4, %jit3A : i32
    %sign3A = arith.constant 0 : i32
    %sign3A_5 = arith.cmpi sgt, %mul3A_4, %sign3A : i32
    %sign3A_6 = arith.extui %sign3A_5 : i1 to i32
    %sign3A_7 = arith.constant 0 : i32
    %sign3A_8 = arith.cmpi slt, %mul3A_4, %sign3A_7 : i32
    %sign3A_9 = arith.extui %sign3A_8 : i1 to i32
    %sign3A_10 = arith.subi %sign3A_6, %sign3A_9 : i32
    %sign3A_11 = arith.constant 0 : i32
    %sign3A_12 = arith.cmpi sgt, %jit3A, %sign3A_11 : i32
    %sign3A_13 = arith.extui %sign3A_12 : i1 to i32
    %sign3A_14 = arith.constant 0 : i32
    %sign3A_15 = arith.cmpi slt, %jit3A, %sign3A_14 : i32
    %sign3A_16 = arith.extui %sign3A_15 : i1 to i32
    %sign3A_17 = arith.subi %sign3A_13, %sign3A_16 : i32
    %ne3A = arith.cmpi ne, %sign3A_10, %sign3A_17 : i32
    %rem3A = arith.remsi %mul3A_4, %jit3A : i32
    %ne3A_18 = arith.constant 0 : i32
    %ne3A_19 = arith.cmpi ne, %rem3A, %ne3A_18 : i32
    %and3A = arith.andi %ne3A, %ne3A_19 : i1
    %sub3A = arith.constant 1 : i32
    %sub3A_20 = arith.subi %div3A, %sub3A : i32
    %select_n3A = arith.select %and3A, %sub3A_20, %div3A : i32
    %multiple_of3A = tpu.assume_multiple %select_n3A, 8 : i32
    %run_scoped3A = arith.constant 0 : i32
    "tpu.region"() ({
      %run_scoped3A_351 = tpu.sem_alloc : memref<!tpu.dma_semaphore, #tpu.memory_space<semaphore_mem>>
      %dma_start3A_352 = arith.constant 0 : i32
      %dma_start3A_353 = arith.constant 0 : i32
      %dma_start3A_354 = tpu.memref_slice %arg6[%run_scoped3A, %dma_start3A_352, %dma_start3A_353] : memref<2x24x128xi32, #tpu.memory_space<vmem>> -> memref<1x24x128xi32, #tpu.memory_space<vmem>>
      %dma_start3A_355 = tpu.memref_squeeze %dma_start3A_354 : memref<1x24x128xi32, #tpu.memory_space<vmem>> -> memref<24x128xi32, #tpu.memory_space<vmem>>
      %dma_start3A_356 = arith.constant 0 : i32
      %dma_start3A_357 = tpu.memref_slice %arg3[%multiple_of3A, %dma_start3A_356] : memref<8448x128xi32, #tpu.memory_space<hbm>> -> memref<24x128xi32, #tpu.memory_space<hbm>>
      %dma_start3A_358 = arith.constant 0 : i32
      %dma_start3A_359 = arith.constant 0 : i32
      %dma_start3A_360 = tpu.memref_slice %arg6[%run_scoped3A, %dma_start3A_358, %dma_start3A_359] : memref<2x24x128xi32, #tpu.memory_space<vmem>> -> memref<1x24x128xi32, #tpu.memory_space<vmem>>
      %dma_start3A_361 = tpu.memref_squeeze %dma_start3A_360 : memref<1x24x128xi32, #tpu.memory_space<vmem>> -> memref<24x128xi32, #tpu.memory_space<vmem>>
      %dma_start3A_362 = arith.constant 0 : i32
      %dma_start3A_363 = tpu.memref_slice %arg3[%multiple_of3A, %dma_start3A_362] : memref<8448x128xi32, #tpu.memory_space<hbm>> -> memref<24x128xi32, #tpu.memory_space<hbm>>
      tpu.enqueue_dma source(%dma_start3A_363 : memref<24x128xi32, #tpu.memory_space<hbm>>) target(%dma_start3A_361 : memref<24x128xi32, #tpu.memory_space<vmem>>) target_semaphore(%run_scoped3A_351 : memref<!tpu.dma_semaphore, #tpu.memory_space<semaphore_mem>>)
      %dma_wait3A = arith.constant 0 : i32
      %dma_wait3A_364 = arith.constant 0 : i32
      %dma_wait3A_365 = tpu.memref_slice %arg6[%run_scoped3A, %dma_wait3A, %dma_wait3A_364] : memref<2x24x128xi32, #tpu.memory_space<vmem>> -> memref<1x24x128xi32, #tpu.memory_space<vmem>>
      %dma_wait3A_366 = tpu.memref_squeeze %dma_wait3A_365 : memref<1x24x128xi32, #tpu.memory_space<vmem>> -> memref<24x128xi32, #tpu.memory_space<vmem>>
      %dma_wait3A_367 = arith.constant 0 : i32
      %dma_wait3A_368 = tpu.memref_slice %arg3[%multiple_of3A, %dma_wait3A_367] : memref<8448x128xi32, #tpu.memory_space<hbm>> -> memref<24x128xi32, #tpu.memory_space<hbm>>
      %dma_wait3A_369 = arith.constant 0 : i32
      %dma_wait3A_370 = arith.constant 0 : i32
      %dma_wait3A_371 = tpu.memref_slice %arg6[%run_scoped3A, %dma_wait3A_369, %dma_wait3A_370] : memref<2x24x128xi32, #tpu.memory_space<vmem>> -> memref<1x24x128xi32, #tpu.memory_space<vmem>>
      %dma_wait3A_372 = tpu.memref_squeeze %dma_wait3A_371 : memref<1x24x128xi32, #tpu.memory_space<vmem>> -> memref<24x128xi32, #tpu.memory_space<vmem>>
      %dma_wait3A_373 = arith.constant 0 : i32
      %dma_wait3A_374 = tpu.memref_slice %arg3[%multiple_of3A, %dma_wait3A_373] : memref<8448x128xi32, #tpu.memory_space<hbm>> -> memref<24x128xi32, #tpu.memory_space<hbm>>
      tpu.wait_dma2 semaphore(%run_scoped3A_351 : memref<!tpu.dma_semaphore, #tpu.memory_space<semaphore_mem>>) src(%dma_wait3A_374 : memref<24x128xi32, #tpu.memory_space<hbm>>) dst(%dma_wait3A_372 : memref<24x128xi32, #tpu.memory_space<vmem>>)
      tpu.yield
    }) : () -> ()
    %mul3A_21 = arith.constant 1408 : i32
    %mul3A_22 = arith.muli %add3A, %mul3A_21 : i32
    %mul3A_23 = arith.constant 24 : i32
    %mul3A_24 = arith.muli %mul3A_22, %mul3A_23 : i32
    %run_scoped3A_25 = arith.constant 0 : i32
    "tpu.region"() ({
      %run_scoped3A_351 = tpu.sem_alloc : memref<!tpu.dma_semaphore, #tpu.memory_space<semaphore_mem>>
      %dma_start3A_352 = arith.constant 0 : i32
      %dma_start3A_353 = tpu.memref_slice %arg7[%run_scoped3A_25, %dma_start3A_352] : memref<2x3072xf32, #tpu.memory_space<vmem>> -> memref<1x3072xf32, #tpu.memory_space<vmem>>
      %dma_start3A_354 = tpu.memref_squeeze %dma_start3A_353 : memref<1x3072xf32, #tpu.memory_space<vmem>> -> memref<3072xf32, #tpu.memory_space<vmem>>
      %dma_start3A_355 = tpu.memref_slice %arg4[%mul3A_24] : memref<1081344xf32, #tpu.memory_space<hbm>> -> memref<3072xf32, #tpu.memory_space<hbm>>
      %dma_start3A_356 = arith.constant 0 : i32
      %dma_start3A_357 = tpu.memref_slice %arg7[%run_scoped3A_25, %dma_start3A_356] : memref<2x3072xf32, #tpu.memory_space<vmem>> -> memref<1x3072xf32, #tpu.memory_space<vmem>>
      %dma_start3A_358 = tpu.memref_squeeze %dma_start3A_357 : memref<1x3072xf32, #tpu.memory_space<vmem>> -> memref<3072xf32, #tpu.memory_space<vmem>>
      %dma_start3A_359 = tpu.memref_slice %arg4[%mul3A_24] : memref<1081344xf32, #tpu.memory_space<hbm>> -> memref<3072xf32, #tpu.memory_space<hbm>>
      tpu.enqueue_dma source(%dma_start3A_359 : memref<3072xf32, #tpu.memory_space<hbm>>) target(%dma_start3A_358 : memref<3072xf32, #tpu.memory_space<vmem>>) target_semaphore(%run_scoped3A_351 : memref<!tpu.dma_semaphore, #tpu.memory_space<semaphore_mem>>)
      %dma_wait3A = arith.constant 0 : i32
      %dma_wait3A_360 = tpu.memref_slice %arg7[%run_scoped3A_25, %dma_wait3A] : memref<2x3072xf32, #tpu.memory_space<vmem>> -> memref<1x3072xf32, #tpu.memory_space<vmem>>
      %dma_wait3A_361 = tpu.memref_squeeze %dma_wait3A_360 : memref<1x3072xf32, #tpu.memory_space<vmem>> -> memref<3072xf32, #tpu.memory_space<vmem>>
      %dma_wait3A_362 = tpu.memref_slice %arg4[%mul3A_24] : memref<1081344xf32, #tpu.memory_space<hbm>> -> memref<3072xf32, #tpu.memory_space<hbm>>
      %dma_wait3A_363 = arith.constant 0 : i32
      %dma_wait3A_364 = tpu.memref_slice %arg7[%run_scoped3A_25, %dma_wait3A_363] : memref<2x3072xf32, #tpu.memory_space<vmem>> -> memref<1x3072xf32, #tpu.memory_space<vmem>>
      %dma_wait3A_365 = tpu.memref_squeeze %dma_wait3A_364 : memref<1x3072xf32, #tpu.memory_space<vmem>> -> memref<3072xf32, #tpu.memory_space<vmem>>
      %dma_wait3A_366 = tpu.memref_slice %arg4[%mul3A_24] : memref<1081344xf32, #tpu.memory_space<hbm>> -> memref<3072xf32, #tpu.memory_space<hbm>>
      tpu.wait_dma2 semaphore(%run_scoped3A_351 : memref<!tpu.dma_semaphore, #tpu.memory_space<semaphore_mem>>) src(%dma_wait3A_366 : memref<3072xf32, #tpu.memory_space<hbm>>) dst(%dma_wait3A_365 : memref<3072xf32, #tpu.memory_space<vmem>>)
      tpu.yield
    }) : () -> ()
    %dma_start3A = arith.constant 0 : i32
    %dma_start3A_26 = arith.constant 0 : i32
    %dma_start3A_27 = arith.constant 0 : i32
    %dma_start3A_28 = arith.constant 0 : i32
    %dma_start3A_29 = tpu.memref_slice %arg8[%dma_start3A_27, %dma_start3A_28] : memref<3072x32xf32, #tpu.memory_space<vmem>> -> memref<128x32xf32, #tpu.memory_space<vmem>>
    %dma_start3A_30 = arith.constant 0 : i32
    %dma_start3A_31 = tpu.memref_slice %arg6[%dma_start3A, %dma_start3A_26, %dma_start3A_30] : memref<2x24x128xi32, #tpu.memory_space<vmem>> -> memref<1x1x128xi32, #tpu.memory_space<vmem>>
    %dma_start3A_32 = tpu.memref_squeeze %dma_start3A_31 : memref<1x1x128xi32, #tpu.memory_space<vmem>> -> memref<128xi32, #tpu.memory_space<vmem>>
    %dma_start3A_33 = arith.constant 0 : i32
    %dma_start3A_34 = arith.constant 0 : i32
    %dma_start3A_35 = tpu.memref_slice %arg2[%dma_start3A_33, %dma_start3A_34] : memref<160000x32xf32, #tpu.memory_space<hbm>> -> memref<160000x32xf32, #tpu.memory_space<hbm>>
    tpu.enqueue_indirect_dma source(%dma_start3A_35 : memref<160000x32xf32, #tpu.memory_space<hbm>>) target(%dma_start3A_29 : memref<128x32xf32, #tpu.memory_space<vmem>>) offsets(%dma_start3A_32 : memref<128xi32, #tpu.memory_space<vmem>>) semaphore(%arg10 : memref<!tpu.dma_semaphore, #tpu.memory_space<semaphore_mem>>)
    %dma_start3A_36 = arith.constant 0 : i32
    %dma_start3A_37 = arith.constant 1 : i32
    %dma_start3A_38 = arith.constant 128 : i32
    %dma_start3A_39 = arith.constant 0 : i32
    %dma_start3A_40 = tpu.memref_slice %arg8[%dma_start3A_38, %dma_start3A_39] : memref<3072x32xf32, #tpu.memory_space<vmem>> -> memref<128x32xf32, #tpu.memory_space<vmem>>
    %dma_start3A_41 = arith.constant 0 : i32
    %dma_start3A_42 = tpu.memref_slice %arg6[%dma_start3A_36, %dma_start3A_37, %dma_start3A_41] : memref<2x24x128xi32, #tpu.memory_space<vmem>> -> memref<1x1x128xi32, #tpu.memory_space<vmem>>
    %dma_start3A_43 = tpu.memref_squeeze %dma_start3A_42 : memref<1x1x128xi32, #tpu.memory_space<vmem>> -> memref<128xi32, #tpu.memory_space<vmem>>
    %dma_start3A_44 = arith.constant 0 : i32
    %dma_start3A_45 = arith.constant 0 : i32
    %dma_start3A_46 = tpu.memref_slice %arg2[%dma_start3A_44, %dma_start3A_45] : memref<160000x32xf32, #tpu.memory_space<hbm>> -> memref<160000x32xf32, #tpu.memory_space<hbm>>
    tpu.enqueue_indirect_dma source(%dma_start3A_46 : memref<160000x32xf32, #tpu.memory_space<hbm>>) target(%dma_start3A_40 : memref<128x32xf32, #tpu.memory_space<vmem>>) offsets(%dma_start3A_43 : memref<128xi32, #tpu.memory_space<vmem>>) semaphore(%arg10 : memref<!tpu.dma_semaphore, #tpu.memory_space<semaphore_mem>>)
    %dma_start3A_47 = arith.constant 0 : i32
    %dma_start3A_48 = arith.constant 2 : i32
    %dma_start3A_49 = arith.constant 256 : i32
    %dma_start3A_50 = arith.constant 0 : i32
    %dma_start3A_51 = tpu.memref_slice %arg8[%dma_start3A_49, %dma_start3A_50] : memref<3072x32xf32, #tpu.memory_space<vmem>> -> memref<128x32xf32, #tpu.memory_space<vmem>>
    %dma_start3A_52 = arith.constant 0 : i32
    %dma_start3A_53 = tpu.memref_slice %arg6[%dma_start3A_47, %dma_start3A_48, %dma_start3A_52] : memref<2x24x128xi32, #tpu.memory_space<vmem>> -> memref<1x1x128xi32, #tpu.memory_space<vmem>>
    %dma_start3A_54 = tpu.memref_squeeze %dma_start3A_53 : memref<1x1x128xi32, #tpu.memory_space<vmem>> -> memref<128xi32, #tpu.memory_space<vmem>>
    %dma_start3A_55 = arith.constant 0 : i32
    %dma_start3A_56 = arith.constant 0 : i32
    %dma_start3A_57 = tpu.memref_slice %arg2[%dma_start3A_55, %dma_start3A_56] : memref<160000x32xf32, #tpu.memory_space<hbm>> -> memref<160000x32xf32, #tpu.memory_space<hbm>>
    tpu.enqueue_indirect_dma source(%dma_start3A_57 : memref<160000x32xf32, #tpu.memory_space<hbm>>) target(%dma_start3A_51 : memref<128x32xf32, #tpu.memory_space<vmem>>) offsets(%dma_start3A_54 : memref<128xi32, #tpu.memory_space<vmem>>) semaphore(%arg10 : memref<!tpu.dma_semaphore, #tpu.memory_space<semaphore_mem>>)
    %dma_start3A_58 = arith.constant 0 : i32
    %dma_start3A_59 = arith.constant 3 : i32
    %dma_start3A_60 = arith.constant 384 : i32
    %dma_start3A_61 = arith.constant 0 : i32
    %dma_start3A_62 = tpu.memref_slice %arg8[%dma_start3A_60, %dma_start3A_61] : memref<3072x32xf32, #tpu.memory_space<vmem>> -> memref<128x32xf32, #tpu.memory_space<vmem>>
    %dma_start3A_63 = arith.constant 0 : i32
    %dma_start3A_64 = tpu.memref_slice %arg6[%dma_start3A_58, %dma_start3A_59, %dma_start3A_63] : memref<2x24x128xi32, #tpu.memory_space<vmem>> -> memref<1x1x128xi32, #tpu.memory_space<vmem>>
    %dma_start3A_65 = tpu.memref_squeeze %dma_start3A_64 : memref<1x1x128xi32, #tpu.memory_space<vmem>> -> memref<128xi32, #tpu.memory_space<vmem>>
    %dma_start3A_66 = arith.constant 0 : i32
    %dma_start3A_67 = arith.constant 0 : i32
    %dma_start3A_68 = tpu.memref_slice %arg2[%dma_start3A_66, %dma_start3A_67] : memref<160000x32xf32, #tpu.memory_space<hbm>> -> memref<160000x32xf32, #tpu.memory_space<hbm>>
    tpu.enqueue_indirect_dma source(%dma_start3A_68 : memref<160000x32xf32, #tpu.memory_space<hbm>>) target(%dma_start3A_62 : memref<128x32xf32, #tpu.memory_space<vmem>>) offsets(%dma_start3A_65 : memref<128xi32, #tpu.memory_space<vmem>>) semaphore(%arg10 : memref<!tpu.dma_semaphore, #tpu.memory_space<semaphore_mem>>)
    %dma_start3A_69 = arith.constant 0 : i32
    %dma_start3A_70 = arith.constant 4 : i32
    %dma_start3A_71 = arith.constant 512 : i32
    %dma_start3A_72 = arith.constant 0 : i32
    %dma_start3A_73 = tpu.memref_slice %arg8[%dma_start3A_71, %dma_start3A_72] : memref<3072x32xf32, #tpu.memory_space<vmem>> -> memref<128x32xf32, #tpu.memory_space<vmem>>
    %dma_start3A_74 = arith.constant 0 : i32
    %dma_start3A_75 = tpu.memref_slice %arg6[%dma_start3A_69, %dma_start3A_70, %dma_start3A_74] : memref<2x24x128xi32, #tpu.memory_space<vmem>> -> memref<1x1x128xi32, #tpu.memory_space<vmem>>
    %dma_start3A_76 = tpu.memref_squeeze %dma_start3A_75 : memref<1x1x128xi32, #tpu.memory_space<vmem>> -> memref<128xi32, #tpu.memory_space<vmem>>
    %dma_start3A_77 = arith.constant 0 : i32
    %dma_start3A_78 = arith.constant 0 : i32
    %dma_start3A_79 = tpu.memref_slice %arg2[%dma_start3A_77, %dma_start3A_78] : memref<160000x32xf32, #tpu.memory_space<hbm>> -> memref<160000x32xf32, #tpu.memory_space<hbm>>
    tpu.enqueue_indirect_dma source(%dma_start3A_79 : memref<160000x32xf32, #tpu.memory_space<hbm>>) target(%dma_start3A_73 : memref<128x32xf32, #tpu.memory_space<vmem>>) offsets(%dma_start3A_76 : memref<128xi32, #tpu.memory_space<vmem>>) semaphore(%arg10 : memref<!tpu.dma_semaphore, #tpu.memory_space<semaphore_mem>>)
    %dma_start3A_80 = arith.constant 0 : i32
    %dma_start3A_81 = arith.constant 5 : i32
    %dma_start3A_82 = arith.constant 640 : i32
    %dma_start3A_83 = arith.constant 0 : i32
    %dma_start3A_84 = tpu.memref_slice %arg8[%dma_start3A_82, %dma_start3A_83] : memref<3072x32xf32, #tpu.memory_space<vmem>> -> memref<128x32xf32, #tpu.memory_space<vmem>>
    %dma_start3A_85 = arith.constant 0 : i32
    %dma_start3A_86 = tpu.memref_slice %arg6[%dma_start3A_80, %dma_start3A_81, %dma_start3A_85] : memref<2x24x128xi32, #tpu.memory_space<vmem>> -> memref<1x1x128xi32, #tpu.memory_space<vmem>>
    %dma_start3A_87 = tpu.memref_squeeze %dma_start3A_86 : memref<1x1x128xi32, #tpu.memory_space<vmem>> -> memref<128xi32, #tpu.memory_space<vmem>>
    %dma_start3A_88 = arith.constant 0 : i32
    %dma_start3A_89 = arith.constant 0 : i32
    %dma_start3A_90 = tpu.memref_slice %arg2[%dma_start3A_88, %dma_start3A_89] : memref<160000x32xf32, #tpu.memory_space<hbm>> -> memref<160000x32xf32, #tpu.memory_space<hbm>>
    tpu.enqueue_indirect_dma source(%dma_start3A_90 : memref<160000x32xf32, #tpu.memory_space<hbm>>) target(%dma_start3A_84 : memref<128x32xf32, #tpu.memory_space<vmem>>) offsets(%dma_start3A_87 : memref<128xi32, #tpu.memory_space<vmem>>) semaphore(%arg10 : memref<!tpu.dma_semaphore, #tpu.memory_space<semaphore_mem>>)
    %dma_start3A_91 = arith.constant 0 : i32
    %dma_start3A_92 = arith.constant 6 : i32
    %dma_start3A_93 = arith.constant 768 : i32
    %dma_start3A_94 = arith.constant 0 : i32
    %dma_start3A_95 = tpu.memref_slice %arg8[%dma_start3A_93, %dma_start3A_94] : memref<3072x32xf32, #tpu.memory_space<vmem>> -> memref<128x32xf32, #tpu.memory_space<vmem>>
    %dma_start3A_96 = arith.constant 0 : i32
    %dma_start3A_97 = tpu.memref_slice %arg6[%dma_start3A_91, %dma_start3A_92, %dma_start3A_96] : memref<2x24x128xi32, #tpu.memory_space<vmem>> -> memref<1x1x128xi32, #tpu.memory_space<vmem>>
    %dma_start3A_98 = tpu.memref_squeeze %dma_start3A_97 : memref<1x1x128xi32, #tpu.memory_space<vmem>> -> memref<128xi32, #tpu.memory_space<vmem>>
    %dma_start3A_99 = arith.constant 0 : i32
    %dma_start3A_100 = arith.constant 0 : i32
    %dma_start3A_101 = tpu.memref_slice %arg2[%dma_start3A_99, %dma_start3A_100] : memref<160000x32xf32, #tpu.memory_space<hbm>> -> memref<160000x32xf32, #tpu.memory_space<hbm>>
    tpu.enqueue_indirect_dma source(%dma_start3A_101 : memref<160000x32xf32, #tpu.memory_space<hbm>>) target(%dma_start3A_95 : memref<128x32xf32, #tpu.memory_space<vmem>>) offsets(%dma_start3A_98 : memref<128xi32, #tpu.memory_space<vmem>>) semaphore(%arg10 : memref<!tpu.dma_semaphore, #tpu.memory_space<semaphore_mem>>)
    %dma_start3A_102 = arith.constant 0 : i32
    %dma_start3A_103 = arith.constant 7 : i32
    %dma_start3A_104 = arith.constant 896 : i32
    %dma_start3A_105 = arith.constant 0 : i32
    %dma_start3A_106 = tpu.memref_slice %arg8[%dma_start3A_104, %dma_start3A_105] : memref<3072x32xf32, #tpu.memory_space<vmem>> -> memref<128x32xf32, #tpu.memory_space<vmem>>
    %dma_start3A_107 = arith.constant 0 : i32
    %dma_start3A_108 = tpu.memref_slice %arg6[%dma_start3A_102, %dma_start3A_103, %dma_start3A_107] : memref<2x24x128xi32, #tpu.memory_space<vmem>> -> memref<1x1x128xi32, #tpu.memory_space<vmem>>
    %dma_start3A_109 = tpu.memref_squeeze %dma_start3A_108 : memref<1x1x128xi32, #tpu.memory_space<vmem>> -> memref<128xi32, #tpu.memory_space<vmem>>
    %dma_start3A_110 = arith.constant 0 : i32
    %dma_start3A_111 = arith.constant 0 : i32
    %dma_start3A_112 = tpu.memref_slice %arg2[%dma_start3A_110, %dma_start3A_111] : memref<160000x32xf32, #tpu.memory_space<hbm>> -> memref<160000x32xf32, #tpu.memory_space<hbm>>
    tpu.enqueue_indirect_dma source(%dma_start3A_112 : memref<160000x32xf32, #tpu.memory_space<hbm>>) target(%dma_start3A_106 : memref<128x32xf32, #tpu.memory_space<vmem>>) offsets(%dma_start3A_109 : memref<128xi32, #tpu.memory_space<vmem>>) semaphore(%arg10 : memref<!tpu.dma_semaphore, #tpu.memory_space<semaphore_mem>>)
    %dma_start3A_113 = arith.constant 0 : i32
    %dma_start3A_114 = arith.constant 8 : i32
    %dma_start3A_115 = arith.constant 1024 : i32
    %dma_start3A_116 = arith.constant 0 : i32
    %dma_start3A_117 = tpu.memref_slice %arg8[%dma_start3A_115, %dma_start3A_116] : memref<3072x32xf32, #tpu.memory_space<vmem>> -> memref<128x32xf32, #tpu.memory_space<vmem>>
    %dma_start3A_118 = arith.constant 0 : i32
    %dma_start3A_119 = tpu.memref_slice %arg6[%dma_start3A_113, %dma_start3A_114, %dma_start3A_118] : memref<2x24x128xi32, #tpu.memory_space<vmem>> -> memref<1x1x128xi32, #tpu.memory_space<vmem>>
    %dma_start3A_120 = tpu.memref_squeeze %dma_start3A_119 : memref<1x1x128xi32, #tpu.memory_space<vmem>> -> memref<128xi32, #tpu.memory_space<vmem>>
    %dma_start3A_121 = arith.constant 0 : i32
    %dma_start3A_122 = arith.constant 0 : i32
    %dma_start3A_123 = tpu.memref_slice %arg2[%dma_start3A_121, %dma_start3A_122] : memref<160000x32xf32, #tpu.memory_space<hbm>> -> memref<160000x32xf32, #tpu.memory_space<hbm>>
    tpu.enqueue_indirect_dma source(%dma_start3A_123 : memref<160000x32xf32, #tpu.memory_space<hbm>>) target(%dma_start3A_117 : memref<128x32xf32, #tpu.memory_space<vmem>>) offsets(%dma_start3A_120 : memref<128xi32, #tpu.memory_space<vmem>>) semaphore(%arg10 : memref<!tpu.dma_semaphore, #tpu.memory_space<semaphore_mem>>)
    %dma_start3A_124 = arith.constant 0 : i32
    %dma_start3A_125 = arith.constant 9 : i32
    %dma_start3A_126 = arith.constant 1152 : i32
    %dma_start3A_127 = arith.constant 0 : i32
    %dma_start3A_128 = tpu.memref_slice %arg8[%dma_start3A_126, %dma_start3A_127] : memref<3072x32xf32, #tpu.memory_space<vmem>> -> memref<128x32xf32, #tpu.memory_space<vmem>>
    %dma_start3A_129 = arith.constant 0 : i32
    %dma_start3A_130 = tpu.memref_slice %arg6[%dma_start3A_124, %dma_start3A_125, %dma_start3A_129] : memref<2x24x128xi32, #tpu.memory_space<vmem>> -> memref<1x1x128xi32, #tpu.memory_space<vmem>>
    %dma_start3A_131 = tpu.memref_squeeze %dma_start3A_130 : memref<1x1x128xi32, #tpu.memory_space<vmem>> -> memref<128xi32, #tpu.memory_space<vmem>>
    %dma_start3A_132 = arith.constant 0 : i32
    %dma_start3A_133 = arith.constant 0 : i32
    %dma_start3A_134 = tpu.memref_slice %arg2[%dma_start3A_132, %dma_start3A_133] : memref<160000x32xf32, #tpu.memory_space<hbm>> -> memref<160000x32xf32, #tpu.memory_space<hbm>>
    tpu.enqueue_indirect_dma source(%dma_start3A_134 : memref<160000x32xf32, #tpu.memory_space<hbm>>) target(%dma_start3A_128 : memref<128x32xf32, #tpu.memory_space<vmem>>) offsets(%dma_start3A_131 : memref<128xi32, #tpu.memory_space<vmem>>) semaphore(%arg10 : memref<!tpu.dma_semaphore, #tpu.memory_space<semaphore_mem>>)
    %dma_start3A_135 = arith.constant 0 : i32
    %dma_start3A_136 = arith.constant 10 : i32
    %dma_start3A_137 = arith.constant 1280 : i32
    %dma_start3A_138 = arith.constant 0 : i32
    %dma_start3A_139 = tpu.memref_slice %arg8[%dma_start3A_137, %dma_start3A_138] : memref<3072x32xf32, #tpu.memory_space<vmem>> -> memref<128x32xf32, #tpu.memory_space<vmem>>
    %dma_start3A_140 = arith.constant 0 : i32
    %dma_start3A_141 = tpu.memref_slice %arg6[%dma_start3A_135, %dma_start3A_136, %dma_start3A_140] : memref<2x24x128xi32, #tpu.memory_space<vmem>> -> memref<1x1x128xi32, #tpu.memory_space<vmem>>
    %dma_start3A_142 = tpu.memref_squeeze %dma_start3A_141 : memref<1x1x128xi32, #tpu.memory_space<vmem>> -> memref<128xi32, #tpu.memory_space<vmem>>
    %dma_start3A_143 = arith.constant 0 : i32
    %dma_start3A_144 = arith.constant 0 : i32
    %dma_start3A_145 = tpu.memref_slice %arg2[%dma_start3A_143, %dma_start3A_144] : memref<160000x32xf32, #tpu.memory_space<hbm>> -> memref<160000x32xf32, #tpu.memory_space<hbm>>
    tpu.enqueue_indirect_dma source(%dma_start3A_145 : memref<160000x32xf32, #tpu.memory_space<hbm>>) target(%dma_start3A_139 : memref<128x32xf32, #tpu.memory_space<vmem>>) offsets(%dma_start3A_142 : memref<128xi32, #tpu.memory_space<vmem>>) semaphore(%arg10 : memref<!tpu.dma_semaphore, #tpu.memory_space<semaphore_mem>>)
    %dma_start3A_146 = arith.constant 0 : i32
    %dma_start3A_147 = arith.constant 11 : i32
    %dma_start3A_148 = arith.constant 1408 : i32
    %dma_start3A_149 = arith.constant 0 : i32
    %dma_start3A_150 = tpu.memref_slice %arg8[%dma_start3A_148, %dma_start3A_149] : memref<3072x32xf32, #tpu.memory_space<vmem>> -> memref<128x32xf32, #tpu.memory_space<vmem>>
    %dma_start3A_151 = arith.constant 0 : i32
    %dma_start3A_152 = tpu.memref_slice %arg6[%dma_start3A_146, %dma_start3A_147, %dma_start3A_151] : memref<2x24x128xi32, #tpu.memory_space<vmem>> -> memref<1x1x128xi32, #tpu.memory_space<vmem>>
    %dma_start3A_153 = tpu.memref_squeeze %dma_start3A_152 : memref<1x1x128xi32, #tpu.memory_space<vmem>> -> memref<128xi32, #tpu.memory_space<vmem>>
    %dma_start3A_154 = arith.constant 0 : i32
    %dma_start3A_155 = arith.constant 0 : i32
    %dma_start3A_156 = tpu.memref_slice %arg2[%dma_start3A_154, %dma_start3A_155] : memref<160000x32xf32, #tpu.memory_space<hbm>> -> memref<160000x32xf32, #tpu.memory_space<hbm>>
    tpu.enqueue_indirect_dma source(%dma_start3A_156 : memref<160000x32xf32, #tpu.memory_space<hbm>>) target(%dma_start3A_150 : memref<128x32xf32, #tpu.memory_space<vmem>>) offsets(%dma_start3A_153 : memref<128xi32, #tpu.memory_space<vmem>>) semaphore(%arg10 : memref<!tpu.dma_semaphore, #tpu.memory_space<semaphore_mem>>)
    %dma_start3A_157 = arith.constant 0 : i32
    %dma_start3A_158 = arith.constant 12 : i32
    %dma_start3A_159 = arith.constant 1536 : i32
    %dma_start3A_160 = arith.constant 0 : i32
    %dma_start3A_161 = tpu.memref_slice %arg8[%dma_start3A_159, %dma_start3A_160] : memref<3072x32xf32, #tpu.memory_space<vmem>> -> memref<128x32xf32, #tpu.memory_space<vmem>>
    %dma_start3A_162 = arith.constant 0 : i32
    %dma_start3A_163 = tpu.memref_slice %arg6[%dma_start3A_157, %dma_start3A_158, %dma_start3A_162] : memref<2x24x128xi32, #tpu.memory_space<vmem>> -> memref<1x1x128xi32, #tpu.memory_space<vmem>>
    %dma_start3A_164 = tpu.memref_squeeze %dma_start3A_163 : memref<1x1x128xi32, #tpu.memory_space<vmem>> -> memref<128xi32, #tpu.memory_space<vmem>>
    %dma_start3A_165 = arith.constant 0 : i32
    %dma_start3A_166 = arith.constant 0 : i32
    %dma_start3A_167 = tpu.memref_slice %arg2[%dma_start3A_165, %dma_start3A_166] : memref<160000x32xf32, #tpu.memory_space<hbm>> -> memref<160000x32xf32, #tpu.memory_space<hbm>>
    tpu.enqueue_indirect_dma source(%dma_start3A_167 : memref<160000x32xf32, #tpu.memory_space<hbm>>) target(%dma_start3A_161 : memref<128x32xf32, #tpu.memory_space<vmem>>) offsets(%dma_start3A_164 : memref<128xi32, #tpu.memory_space<vmem>>) semaphore(%arg11 : memref<!tpu.dma_semaphore, #tpu.memory_space<semaphore_mem>>)
    %dma_start3A_168 = arith.constant 0 : i32
    %dma_start3A_169 = arith.constant 13 : i32
    %dma_start3A_170 = arith.constant 1664 : i32
    %dma_start3A_171 = arith.constant 0 : i32
    %dma_start3A_172 = tpu.memref_slice %arg8[%dma_start3A_170, %dma_start3A_171] : memref<3072x32xf32, #tpu.memory_space<vmem>> -> memref<128x32xf32, #tpu.memory_space<vmem>>
    %dma_start3A_173 = arith.constant 0 : i32
    %dma_start3A_174 = tpu.memref_slice %arg6[%dma_start3A_168, %dma_start3A_169, %dma_start3A_173] : memref<2x24x128xi32, #tpu.memory_space<vmem>> -> memref<1x1x128xi32, #tpu.memory_space<vmem>>
    %dma_start3A_175 = tpu.memref_squeeze %dma_start3A_174 : memref<1x1x128xi32, #tpu.memory_space<vmem>> -> memref<128xi32, #tpu.memory_space<vmem>>
    %dma_start3A_176 = arith.constant 0 : i32
    %dma_start3A_177 = arith.constant 0 : i32
    %dma_start3A_178 = tpu.memref_slice %arg2[%dma_start3A_176, %dma_start3A_177] : memref<160000x32xf32, #tpu.memory_space<hbm>> -> memref<160000x32xf32, #tpu.memory_space<hbm>>
    tpu.enqueue_indirect_dma source(%dma_start3A_178 : memref<160000x32xf32, #tpu.memory_space<hbm>>) target(%dma_start3A_172 : memref<128x32xf32, #tpu.memory_space<vmem>>) offsets(%dma_start3A_175 : memref<128xi32, #tpu.memory_space<vmem>>) semaphore(%arg11 : memref<!tpu.dma_semaphore, #tpu.memory_space<semaphore_mem>>)
    %dma_start3A_179 = arith.constant 0 : i32
    %dma_start3A_180 = arith.constant 14 : i32
    %dma_start3A_181 = arith.constant 1792 : i32
    %dma_start3A_182 = arith.constant 0 : i32
    %dma_start3A_183 = tpu.memref_slice %arg8[%dma_start3A_181, %dma_start3A_182] : memref<3072x32xf32, #tpu.memory_space<vmem>> -> memref<128x32xf32, #tpu.memory_space<vmem>>
    %dma_start3A_184 = arith.constant 0 : i32
    %dma_start3A_185 = tpu.memref_slice %arg6[%dma_start3A_179, %dma_start3A_180, %dma_start3A_184] : memref<2x24x128xi32, #tpu.memory_space<vmem>> -> memref<1x1x128xi32, #tpu.memory_space<vmem>>
    %dma_start3A_186 = tpu.memref_squeeze %dma_start3A_185 : memref<1x1x128xi32, #tpu.memory_space<vmem>> -> memref<128xi32, #tpu.memory_space<vmem>>
    %dma_start3A_187 = arith.constant 0 : i32
    %dma_start3A_188 = arith.constant 0 : i32
    %dma_start3A_189 = tpu.memref_slice %arg2[%dma_start3A_187, %dma_start3A_188] : memref<160000x32xf32, #tpu.memory_space<hbm>> -> memref<160000x32xf32, #tpu.memory_space<hbm>>
    tpu.enqueue_indirect_dma source(%dma_start3A_189 : memref<160000x32xf32, #tpu.memory_space<hbm>>) target(%dma_start3A_183 : memref<128x32xf32, #tpu.memory_space<vmem>>) offsets(%dma_start3A_186 : memref<128xi32, #tpu.memory_space<vmem>>) semaphore(%arg11 : memref<!tpu.dma_semaphore, #tpu.memory_space<semaphore_mem>>)
    %dma_start3A_190 = arith.constant 0 : i32
    %dma_start3A_191 = arith.constant 15 : i32
    %dma_start3A_192 = arith.constant 1920 : i32
    %dma_start3A_193 = arith.constant 0 : i32
    %dma_start3A_194 = tpu.memref_slice %arg8[%dma_start3A_192, %dma_start3A_193] : memref<3072x32xf32, #tpu.memory_space<vmem>> -> memref<128x32xf32, #tpu.memory_space<vmem>>
    %dma_start3A_195 = arith.constant 0 : i32
    %dma_start3A_196 = tpu.memref_slice %arg6[%dma_start3A_190, %dma_start3A_191, %dma_start3A_195] : memref<2x24x128xi32, #tpu.memory_space<vmem>> -> memref<1x1x128xi32, #tpu.memory_space<vmem>>
    %dma_start3A_197 = tpu.memref_squeeze %dma_start3A_196 : memref<1x1x128xi32, #tpu.memory_space<vmem>> -> memref<128xi32, #tpu.memory_space<vmem>>
    %dma_start3A_198 = arith.constant 0 : i32
    %dma_start3A_199 = arith.constant 0 : i32
    %dma_start3A_200 = tpu.memref_slice %arg2[%dma_start3A_198, %dma_start3A_199] : memref<160000x32xf32, #tpu.memory_space<hbm>> -> memref<160000x32xf32, #tpu.memory_space<hbm>>
    tpu.enqueue_indirect_dma source(%dma_start3A_200 : memref<160000x32xf32, #tpu.memory_space<hbm>>) target(%dma_start3A_194 : memref<128x32xf32, #tpu.memory_space<vmem>>) offsets(%dma_start3A_197 : memref<128xi32, #tpu.memory_space<vmem>>) semaphore(%arg11 : memref<!tpu.dma_semaphore, #tpu.memory_space<semaphore_mem>>)
    %dma_start3A_201 = arith.constant 0 : i32
    %dma_start3A_202 = arith.constant 16 : i32
    %dma_start3A_203 = arith.constant 2048 : i32
    %dma_start3A_204 = arith.constant 0 : i32
    %dma_start3A_205 = tpu.memref_slice %arg8[%dma_start3A_203, %dma_start3A_204] : memref<3072x32xf32, #tpu.memory_space<vmem>> -> memref<128x32xf32, #tpu.memory_space<vmem>>
    %dma_start3A_206 = arith.constant 0 : i32
    %dma_start3A_207 = tpu.memref_slice %arg6[%dma_start3A_201, %dma_start3A_202, %dma_start3A_206] : memref<2x24x128xi32, #tpu.memory_space<vmem>> -> memref<1x1x128xi32, #tpu.memory_space<vmem>>
    %dma_start3A_208 = tpu.memref_squeeze %dma_start3A_207 : memref<1x1x128xi32, #tpu.memory_space<vmem>> -> memref<128xi32, #tpu.memory_space<vmem>>
    %dma_start3A_209 = arith.constant 0 : i32
    %dma_start3A_210 = arith.constant 0 : i32
    %dma_start3A_211 = tpu.memref_slice %arg2[%dma_start3A_209, %dma_start3A_210] : memref<160000x32xf32, #tpu.memory_space<hbm>> -> memref<160000x32xf32, #tpu.memory_space<hbm>>
    tpu.enqueue_indirect_dma source(%dma_start3A_211 : memref<160000x32xf32, #tpu.memory_space<hbm>>) target(%dma_start3A_205 : memref<128x32xf32, #tpu.memory_space<vmem>>) offsets(%dma_start3A_208 : memref<128xi32, #tpu.memory_space<vmem>>) semaphore(%arg11 : memref<!tpu.dma_semaphore, #tpu.memory_space<semaphore_mem>>)
    %dma_start3A_212 = arith.constant 0 : i32
    %dma_start3A_213 = arith.constant 17 : i32
    %dma_start3A_214 = arith.constant 2176 : i32
    %dma_start3A_215 = arith.constant 0 : i32
    %dma_start3A_216 = tpu.memref_slice %arg8[%dma_start3A_214, %dma_start3A_215] : memref<3072x32xf32, #tpu.memory_space<vmem>> -> memref<128x32xf32, #tpu.memory_space<vmem>>
    %dma_start3A_217 = arith.constant 0 : i32
    %dma_start3A_218 = tpu.memref_slice %arg6[%dma_start3A_212, %dma_start3A_213, %dma_start3A_217] : memref<2x24x128xi32, #tpu.memory_space<vmem>> -> memref<1x1x128xi32, #tpu.memory_space<vmem>>
    %dma_start3A_219 = tpu.memref_squeeze %dma_start3A_218 : memref<1x1x128xi32, #tpu.memory_space<vmem>> -> memref<128xi32, #tpu.memory_space<vmem>>
    %dma_start3A_220 = arith.constant 0 : i32
    %dma_start3A_221 = arith.constant 0 : i32
    %dma_start3A_222 = tpu.memref_slice %arg2[%dma_start3A_220, %dma_start3A_221] : memref<160000x32xf32, #tpu.memory_space<hbm>> -> memref<160000x32xf32, #tpu.memory_space<hbm>>
    tpu.enqueue_indirect_dma source(%dma_start3A_222 : memref<160000x32xf32, #tpu.memory_space<hbm>>) target(%dma_start3A_216 : memref<128x32xf32, #tpu.memory_space<vmem>>) offsets(%dma_start3A_219 : memref<128xi32, #tpu.memory_space<vmem>>) semaphore(%arg11 : memref<!tpu.dma_semaphore, #tpu.memory_space<semaphore_mem>>)
    %dma_start3A_223 = arith.constant 0 : i32
    %dma_start3A_224 = arith.constant 18 : i32
    %dma_start3A_225 = arith.constant 2304 : i32
    %dma_start3A_226 = arith.constant 0 : i32
    %dma_start3A_227 = tpu.memref_slice %arg8[%dma_start3A_225, %dma_start3A_226] : memref<3072x32xf32, #tpu.memory_space<vmem>> -> memref<128x32xf32, #tpu.memory_space<vmem>>
    %dma_start3A_228 = arith.constant 0 : i32
    %dma_start3A_229 = tpu.memref_slice %arg6[%dma_start3A_223, %dma_start3A_224, %dma_start3A_228] : memref<2x24x128xi32, #tpu.memory_space<vmem>> -> memref<1x1x128xi32, #tpu.memory_space<vmem>>
    %dma_start3A_230 = tpu.memref_squeeze %dma_start3A_229 : memref<1x1x128xi32, #tpu.memory_space<vmem>> -> memref<128xi32, #tpu.memory_space<vmem>>
    %dma_start3A_231 = arith.constant 0 : i32
    %dma_start3A_232 = arith.constant 0 : i32
    %dma_start3A_233 = tpu.memref_slice %arg2[%dma_start3A_231, %dma_start3A_232] : memref<160000x32xf32, #tpu.memory_space<hbm>> -> memref<160000x32xf32, #tpu.memory_space<hbm>>
    tpu.enqueue_indirect_dma source(%dma_start3A_233 : memref<160000x32xf32, #tpu.memory_space<hbm>>) target(%dma_start3A_227 : memref<128x32xf32, #tpu.memory_space<vmem>>) offsets(%dma_start3A_230 : memref<128xi32, #tpu.memory_space<vmem>>) semaphore(%arg11 : memref<!tpu.dma_semaphore, #tpu.memory_space<semaphore_mem>>)
    %dma_start3A_234 = arith.constant 0 : i32
    %dma_start3A_235 = arith.constant 19 : i32
    %dma_start3A_236 = arith.constant 2432 : i32
    %dma_start3A_237 = arith.constant 0 : i32
    %dma_start3A_238 = tpu.memref_slice %arg8[%dma_start3A_236, %dma_start3A_237] : memref<3072x32xf32, #tpu.memory_space<vmem>> -> memref<128x32xf32, #tpu.memory_space<vmem>>
    %dma_start3A_239 = arith.constant 0 : i32
    %dma_start3A_240 = tpu.memref_slice %arg6[%dma_start3A_234, %dma_start3A_235, %dma_start3A_239] : memref<2x24x128xi32, #tpu.memory_space<vmem>> -> memref<1x1x128xi32, #tpu.memory_space<vmem>>
    %dma_start3A_241 = tpu.memref_squeeze %dma_start3A_240 : memref<1x1x128xi32, #tpu.memory_space<vmem>> -> memref<128xi32, #tpu.memory_space<vmem>>
    %dma_start3A_242 = arith.constant 0 : i32
    %dma_start3A_243 = arith.constant 0 : i32
    %dma_start3A_244 = tpu.memref_slice %arg2[%dma_start3A_242, %dma_start3A_243] : memref<160000x32xf32, #tpu.memory_space<hbm>> -> memref<160000x32xf32, #tpu.memory_space<hbm>>
    tpu.enqueue_indirect_dma source(%dma_start3A_244 : memref<160000x32xf32, #tpu.memory_space<hbm>>) target(%dma_start3A_238 : memref<128x32xf32, #tpu.memory_space<vmem>>) offsets(%dma_start3A_241 : memref<128xi32, #tpu.memory_space<vmem>>) semaphore(%arg11 : memref<!tpu.dma_semaphore, #tpu.memory_space<semaphore_mem>>)
    %dma_start3A_245 = arith.constant 0 : i32
    %dma_start3A_246 = arith.constant 20 : i32
    %dma_start3A_247 = arith.constant 2560 : i32
    %dma_start3A_248 = arith.constant 0 : i32
    %dma_start3A_249 = tpu.memref_slice %arg8[%dma_start3A_247, %dma_start3A_248] : memref<3072x32xf32, #tpu.memory_space<vmem>> -> memref<128x32xf32, #tpu.memory_space<vmem>>
    %dma_start3A_250 = arith.constant 0 : i32
    %dma_start3A_251 = tpu.memref_slice %arg6[%dma_start3A_245, %dma_start3A_246, %dma_start3A_250] : memref<2x24x128xi32, #tpu.memory_space<vmem>> -> memref<1x1x128xi32, #tpu.memory_space<vmem>>
    %dma_start3A_252 = tpu.memref_squeeze %dma_start3A_251 : memref<1x1x128xi32, #tpu.memory_space<vmem>> -> memref<128xi32, #tpu.memory_space<vmem>>
    %dma_start3A_253 = arith.constant 0 : i32
    %dma_start3A_254 = arith.constant 0 : i32
    %dma_start3A_255 = tpu.memref_slice %arg2[%dma_start3A_253, %dma_start3A_254] : memref<160000x32xf32, #tpu.memory_space<hbm>> -> memref<160000x32xf32, #tpu.memory_space<hbm>>
    tpu.enqueue_indirect_dma source(%dma_start3A_255 : memref<160000x32xf32, #tpu.memory_space<hbm>>) target(%dma_start3A_249 : memref<128x32xf32, #tpu.memory_space<vmem>>) offsets(%dma_start3A_252 : memref<128xi32, #tpu.memory_space<vmem>>) semaphore(%arg11 : memref<!tpu.dma_semaphore, #tpu.memory_space<semaphore_mem>>)
    %dma_start3A_256 = arith.constant 0 : i32
    %dma_start3A_257 = arith.constant 21 : i32
    %dma_start3A_258 = arith.constant 2688 : i32
    %dma_start3A_259 = arith.constant 0 : i32
    %dma_start3A_260 = tpu.memref_slice %arg8[%dma_start3A_258, %dma_start3A_259] : memref<3072x32xf32, #tpu.memory_space<vmem>> -> memref<128x32xf32, #tpu.memory_space<vmem>>
    %dma_start3A_261 = arith.constant 0 : i32
    %dma_start3A_262 = tpu.memref_slice %arg6[%dma_start3A_256, %dma_start3A_257, %dma_start3A_261] : memref<2x24x128xi32, #tpu.memory_space<vmem>> -> memref<1x1x128xi32, #tpu.memory_space<vmem>>
    %dma_start3A_263 = tpu.memref_squeeze %dma_start3A_262 : memref<1x1x128xi32, #tpu.memory_space<vmem>> -> memref<128xi32, #tpu.memory_space<vmem>>
    %dma_start3A_264 = arith.constant 0 : i32
    %dma_start3A_265 = arith.constant 0 : i32
    %dma_start3A_266 = tpu.memref_slice %arg2[%dma_start3A_264, %dma_start3A_265] : memref<160000x32xf32, #tpu.memory_space<hbm>> -> memref<160000x32xf32, #tpu.memory_space<hbm>>
    tpu.enqueue_indirect_dma source(%dma_start3A_266 : memref<160000x32xf32, #tpu.memory_space<hbm>>) target(%dma_start3A_260 : memref<128x32xf32, #tpu.memory_space<vmem>>) offsets(%dma_start3A_263 : memref<128xi32, #tpu.memory_space<vmem>>) semaphore(%arg11 : memref<!tpu.dma_semaphore, #tpu.memory_space<semaphore_mem>>)
    %dma_start3A_267 = arith.constant 0 : i32
    %dma_start3A_268 = arith.constant 22 : i32
    %dma_start3A_269 = arith.constant 2816 : i32
    %dma_start3A_270 = arith.constant 0 : i32
    %dma_start3A_271 = tpu.memref_slice %arg8[%dma_start3A_269, %dma_start3A_270] : memref<3072x32xf32, #tpu.memory_space<vmem>> -> memref<128x32xf32, #tpu.memory_space<vmem>>
    %dma_start3A_272 = arith.constant 0 : i32
    %dma_start3A_273 = tpu.memref_slice %arg6[%dma_start3A_267, %dma_start3A_268, %dma_start3A_272] : memref<2x24x128xi32, #tpu.memory_space<vmem>> -> memref<1x1x128xi32, #tpu.memory_space<vmem>>
    %dma_start3A_274 = tpu.memref_squeeze %dma_start3A_273 : memref<1x1x128xi32, #tpu.memory_space<vmem>> -> memref<128xi32, #tpu.memory_space<vmem>>
    %dma_start3A_275 = arith.constant 0 : i32
    %dma_start3A_276 = arith.constant 0 : i32
    %dma_start3A_277 = tpu.memref_slice %arg2[%dma_start3A_275, %dma_start3A_276] : memref<160000x32xf32, #tpu.memory_space<hbm>> -> memref<160000x32xf32, #tpu.memory_space<hbm>>
    tpu.enqueue_indirect_dma source(%dma_start3A_277 : memref<160000x32xf32, #tpu.memory_space<hbm>>) target(%dma_start3A_271 : memref<128x32xf32, #tpu.memory_space<vmem>>) offsets(%dma_start3A_274 : memref<128xi32, #tpu.memory_space<vmem>>) semaphore(%arg11 : memref<!tpu.dma_semaphore, #tpu.memory_space<semaphore_mem>>)
    %dma_start3A_278 = arith.constant 0 : i32
    %dma_start3A_279 = arith.constant 23 : i32
    %dma_start3A_280 = arith.constant 2944 : i32
    %dma_start3A_281 = arith.constant 0 : i32
    %dma_start3A_282 = tpu.memref_slice %arg8[%dma_start3A_280, %dma_start3A_281] : memref<3072x32xf32, #tpu.memory_space<vmem>> -> memref<128x32xf32, #tpu.memory_space<vmem>>
    %dma_start3A_283 = arith.constant 0 : i32
    %dma_start3A_284 = tpu.memref_slice %arg6[%dma_start3A_278, %dma_start3A_279, %dma_start3A_283] : memref<2x24x128xi32, #tpu.memory_space<vmem>> -> memref<1x1x128xi32, #tpu.memory_space<vmem>>
    %dma_start3A_285 = tpu.memref_squeeze %dma_start3A_284 : memref<1x1x128xi32, #tpu.memory_space<vmem>> -> memref<128xi32, #tpu.memory_space<vmem>>
    %dma_start3A_286 = arith.constant 0 : i32
    %dma_start3A_287 = arith.constant 0 : i32
    %dma_start3A_288 = tpu.memref_slice %arg2[%dma_start3A_286, %dma_start3A_287] : memref<160000x32xf32, #tpu.memory_space<hbm>> -> memref<160000x32xf32, #tpu.memory_space<hbm>>
    tpu.enqueue_indirect_dma source(%dma_start3A_288 : memref<160000x32xf32, #tpu.memory_space<hbm>>) target(%dma_start3A_282 : memref<128x32xf32, #tpu.memory_space<vmem>>) offsets(%dma_start3A_285 : memref<128xi32, #tpu.memory_space<vmem>>) semaphore(%arg11 : memref<!tpu.dma_semaphore, #tpu.memory_space<semaphore_mem>>)
    %mul3A_289 = arith.constant 1408 : i32
    %mul3A_290 = arith.muli %add3A, %mul3A_289 : i32
    %add3A_291 = arith.constant 128 : i32
    %add3A_292 = arith.addi %mul3A_290, %add3A_291 : i32
    %multiple_of3A_293 = tpu.assume_multiple %add3A_292, 128 : i32
    %mul3A_294 = arith.constant 24 : i32
    %mul3A_295 = arith.muli %multiple_of3A_293, %mul3A_294 : i32
    %jit3A_296 = arith.constant 128 : i32
    %div3A_297 = arith.divsi %mul3A_295, %jit3A_296 : i32
    %sign3A_298 = arith.constant 0 : i32
    %sign3A_299 = arith.cmpi sgt, %mul3A_295, %sign3A_298 : i32
    %sign3A_300 = arith.extui %sign3A_299 : i1 to i32
    %sign3A_301 = arith.constant 0 : i32
    %sign3A_302 = arith.cmpi slt, %mul3A_295, %sign3A_301 : i32
    %sign3A_303 = arith.extui %sign3A_302 : i1 to i32
    %sign3A_304 = arith.subi %sign3A_300, %sign3A_303 : i32
    %sign3A_305 = arith.constant 0 : i32
    %sign3A_306 = arith.cmpi sgt, %jit3A_296, %sign3A_305 : i32
    %sign3A_307 = arith.extui %sign3A_306 : i1 to i32
    %sign3A_308 = arith.constant 0 : i32
    %sign3A_309 = arith.cmpi slt, %jit3A_296, %sign3A_308 : i32
    %sign3A_310 = arith.extui %sign3A_309 : i1 to i32
    %sign3A_311 = arith.subi %sign3A_307, %sign3A_310 : i32
    %ne3A_312 = arith.cmpi ne, %sign3A_304, %sign3A_311 : i32
    %rem3A_313 = arith.remsi %mul3A_295, %jit3A_296 : i32
    %ne3A_314 = arith.constant 0 : i32
    %ne3A_315 = arith.cmpi ne, %rem3A_313, %ne3A_314 : i32
    %and3A_316 = arith.andi %ne3A_312, %ne3A_315 : i1
    %sub3A_317 = arith.constant 1 : i32
    %sub3A_318 = arith.subi %div3A_297, %sub3A_317 : i32
    %select_n3A_319 = arith.select %and3A_316, %sub3A_318, %div3A_297 : i32
    %multiple_of3A_320 = tpu.assume_multiple %select_n3A_319, 8 : i32
    %dma_start3A_321 = arith.constant 1 : i32
    %dma_start3A_322 = arith.constant 0 : i32
    %dma_start3A_323 = arith.constant 0 : i32
    %dma_start3A_324 = tpu.memref_slice %arg6[%dma_start3A_321, %dma_start3A_322, %dma_start3A_323] : memref<2x24x128xi32, #tpu.memory_space<vmem>> -> memref<1x24x128xi32, #tpu.memory_space<vmem>>
    %dma_start3A_325 = tpu.memref_squeeze %dma_start3A_324 : memref<1x24x128xi32, #tpu.memory_space<vmem>> -> memref<24x128xi32, #tpu.memory_space<vmem>>
    %dma_start3A_326 = arith.constant 0 : i32
    %dma_start3A_327 = tpu.memref_slice %arg3[%multiple_of3A_320, %dma_start3A_326] : memref<8448x128xi32, #tpu.memory_space<hbm>> -> memref<24x128xi32, #tpu.memory_space<hbm>>
    %dma_start3A_328 = arith.constant 0 : i32
    %dma_start3A_329 = arith.constant 0 : i32
    %dma_start3A_330 = tpu.memref_slice %arg6[%dma_start3A_321, %dma_start3A_328, %dma_start3A_329] : memref<2x24x128xi32, #tpu.memory_space<vmem>> -> memref<1x24x128xi32, #tpu.memory_space<vmem>>
    %dma_start3A_331 = tpu.memref_squeeze %dma_start3A_330 : memref<1x24x128xi32, #tpu.memory_space<vmem>> -> memref<24x128xi32, #tpu.memory_space<vmem>>
    %dma_start3A_332 = arith.constant 0 : i32
    %dma_start3A_333 = tpu.memref_slice %arg3[%multiple_of3A_320, %dma_start3A_332] : memref<8448x128xi32, #tpu.memory_space<hbm>> -> memref<24x128xi32, #tpu.memory_space<hbm>>
    tpu.enqueue_dma source(%dma_start3A_333 : memref<24x128xi32, #tpu.memory_space<hbm>>) target(%dma_start3A_331 : memref<24x128xi32, #tpu.memory_space<vmem>>) target_semaphore(%arg12 : memref<!tpu.dma_semaphore, #tpu.memory_space<semaphore_mem>>)
    %mul3A_334 = arith.constant 24 : i32
    %mul3A_335 = arith.muli %multiple_of3A_293, %mul3A_334 : i32
    %dma_start3A_336 = arith.constant 1 : i32
    %dma_start3A_337 = arith.constant 0 : i32
    %dma_start3A_338 = tpu.memref_slice %arg7[%dma_start3A_336, %dma_start3A_337] : memref<2x3072xf32, #tpu.memory_space<vmem>> -> memref<1x3072xf32, #tpu.memory_space<vmem>>
    %dma_start3A_339 = tpu.memref_squeeze %dma_start3A_338 : memref<1x3072xf32, #tpu.memory_space<vmem>> -> memref<3072xf32, #tpu.memory_space<vmem>>
    %dma_start3A_340 = tpu.memref_slice %arg4[%mul3A_335] : memref<1081344xf32, #tpu.memory_space<hbm>> -> memref<3072xf32, #tpu.memory_space<hbm>>
    %dma_start3A_341 = arith.constant 0 : i32
    %dma_start3A_342 = tpu.memref_slice %arg7[%dma_start3A_336, %dma_start3A_341] : memref<2x3072xf32, #tpu.memory_space<vmem>> -> memref<1x3072xf32, #tpu.memory_space<vmem>>
    %dma_start3A_343 = tpu.memref_squeeze %dma_start3A_342 : memref<1x3072xf32, #tpu.memory_space<vmem>> -> memref<3072xf32, #tpu.memory_space<vmem>>
    %dma_start3A_344 = tpu.memref_slice %arg4[%mul3A_335] : memref<1081344xf32, #tpu.memory_space<hbm>> -> memref<3072xf32, #tpu.memory_space<hbm>>
    tpu.enqueue_dma source(%dma_start3A_344 : memref<3072xf32, #tpu.memory_space<hbm>>) target(%dma_start3A_343 : memref<3072xf32, #tpu.memory_space<vmem>>) target_semaphore(%arg12 : memref<!tpu.dma_semaphore, #tpu.memory_space<semaphore_mem>>)
    %scan3A = arith.constant 0 : i32
    %scan3A_345 = arith.constant 0 : i32
    %scan3A_346 = arith.constant 11 : i32
    %scan3A_347 = arith.addi %scan3A_345, %scan3A_346 : i32
    %scan3A_348 = arith.constant 1 : i32
    %scan3A_349 = scf.for %scan3A_351 = %scan3A_345 to %scan3A_347 step %scan3A_348 iter_args(%scan3A_352 = %scan3A) -> (i32)  : i32 {
      %and3A_353 = arith.constant 1 : i32
      %and3A_354 = arith.andi %scan3A_351, %and3A_353 : i32
      %sub3A_355 = arith.constant 1 : i32
      %sub3A_356 = arith.subi %sub3A_355, %and3A_354 : i32
      %mul3A_357 = arith.constant 1408 : i32
      %mul3A_358 = arith.muli %add3A, %mul3A_357 : i32
      %mul3A_359 = arith.constant 128 : i32
      %mul3A_360 = arith.muli %scan3A_351, %mul3A_359 : i32
      %add3A_361 = arith.addi %mul3A_358, %mul3A_360 : i32
      %multiple_of3A_362 = tpu.assume_multiple %add3A_361, 128 : i32
      %dma_wait3A = arith.constant 0 : i32
      %dma_wait3A_363 = arith.constant 0 : i32
      %dma_wait3A_364 = arith.constant 0 : i32
      %dma_wait3A_365 = tpu.memref_slice %arg8[%dma_wait3A_363, %dma_wait3A_364] : memref<3072x32xf32, #tpu.memory_space<vmem>> -> memref<128x32xf32, #tpu.memory_space<vmem>>
      %dma_wait3A_366 = arith.constant 0 : i32
      %dma_wait3A_367 = tpu.memref_slice %arg6[%and3A_354, %dma_wait3A, %dma_wait3A_366] : memref<2x24x128xi32, #tpu.memory_space<vmem>> -> memref<1x1x128xi32, #tpu.memory_space<vmem>>
      %dma_wait3A_368 = tpu.memref_squeeze %dma_wait3A_367 : memref<1x1x128xi32, #tpu.memory_space<vmem>> -> memref<128xi32, #tpu.memory_space<vmem>>
      %dma_wait3A_369 = arith.constant 0 : i32
      %dma_wait3A_370 = arith.constant 0 : i32
      %dma_wait3A_371 = tpu.memref_slice %arg2[%dma_wait3A_369, %dma_wait3A_370] : memref<160000x32xf32, #tpu.memory_space<hbm>> -> memref<160000x32xf32, #tpu.memory_space<hbm>>
      tpu.wait_indirect_dma semaphore(%arg10 : memref<!tpu.dma_semaphore, #tpu.memory_space<semaphore_mem>>) src(%dma_wait3A_371 : memref<160000x32xf32, #tpu.memory_space<hbm>>) dst(%dma_wait3A_365 : memref<128x32xf32, #tpu.memory_space<vmem>>)
      %dma_wait3A_372 = arith.constant 1 : i32
      %dma_wait3A_373 = arith.constant 128 : i32
      %dma_wait3A_374 = arith.constant 0 : i32
      %dma_wait3A_375 = tpu.memref_slice %arg8[%dma_wait3A_373, %dma_wait3A_374] : memref<3072x32xf32, #tpu.memory_space<vmem>> -> memref<128x32xf32, #tpu.memory_space<vmem>>
      %dma_wait3A_376 = arith.constant 0 : i32
      %dma_wait3A_377 = tpu.memref_slice %arg6[%and3A_354, %dma_wait3A_372, %dma_wait3A_376] : memref<2x24x128xi32, #tpu.memory_space<vmem>> -> memref<1x1x128xi32, #tpu.memory_space<vmem>>
      %dma_wait3A_378 = tpu.memref_squeeze %dma_wait3A_377 : memref<1x1x128xi32, #tpu.memory_space<vmem>> -> memref<128xi32, #tpu.memory_space<vmem>>
      %dma_wait3A_379 = arith.constant 0 : i32
      %dma_wait3A_380 = arith.constant 0 : i32
      %dma_wait3A_381 = tpu.memref_slice %arg2[%dma_wait3A_379, %dma_wait3A_380] : memref<160000x32xf32, #tpu.memory_space<hbm>> -> memref<160000x32xf32, #tpu.memory_space<hbm>>
      tpu.wait_indirect_dma semaphore(%arg10 : memref<!tpu.dma_semaphore, #tpu.memory_space<semaphore_mem>>) src(%dma_wait3A_381 : memref<160000x32xf32, #tpu.memory_space<hbm>>) dst(%dma_wait3A_375 : memref<128x32xf32, #tpu.memory_space<vmem>>)
      %dma_wait3A_382 = arith.constant 2 : i32
      %dma_wait3A_383 = arith.constant 256 : i32
      %dma_wait3A_384 = arith.constant 0 : i32
      %dma_wait3A_385 = tpu.memref_slice %arg8[%dma_wait3A_383, %dma_wait3A_384] : memref<3072x32xf32, #tpu.memory_space<vmem>> -> memref<128x32xf32, #tpu.memory_space<vmem>>
      %dma_wait3A_386 = arith.constant 0 : i32
      %dma_wait3A_387 = tpu.memref_slice %arg6[%and3A_354, %dma_wait3A_382, %dma_wait3A_386] : memref<2x24x128xi32, #tpu.memory_space<vmem>> -> memref<1x1x128xi32, #tpu.memory_space<vmem>>
      %dma_wait3A_388 = tpu.memref_squeeze %dma_wait3A_387 : memref<1x1x128xi32, #tpu.memory_space<vmem>> -> memref<128xi32, #tpu.memory_space<vmem>>
      %dma_wait3A_389 = arith.constant 0 : i32
      %dma_wait3A_390 = arith.constant 0 : i32
      %dma_wait3A_391 = tpu.memref_slice %arg2[%dma_wait3A_389, %dma_wait3A_390] : memref<160000x32xf32, #tpu.memory_space<hbm>> -> memref<160000x32xf32, #tpu.memory_space<hbm>>
      tpu.wait_indirect_dma semaphore(%arg10 : memref<!tpu.dma_semaphore, #tpu.memory_space<semaphore_mem>>) src(%dma_wait3A_391 : memref<160000x32xf32, #tpu.memory_space<hbm>>) dst(%dma_wait3A_385 : memref<128x32xf32, #tpu.memory_space<vmem>>)
      %dma_wait3A_392 = arith.constant 3 : i32
      %dma_wait3A_393 = arith.constant 384 : i32
      %dma_wait3A_394 = arith.constant 0 : i32
      %dma_wait3A_395 = tpu.memref_slice %arg8[%dma_wait3A_393, %dma_wait3A_394] : memref<3072x32xf32, #tpu.memory_space<vmem>> -> memref<128x32xf32, #tpu.memory_space<vmem>>
      %dma_wait3A_396 = arith.constant 0 : i32
      %dma_wait3A_397 = tpu.memref_slice %arg6[%and3A_354, %dma_wait3A_392, %dma_wait3A_396] : memref<2x24x128xi32, #tpu.memory_space<vmem>> -> memref<1x1x128xi32, #tpu.memory_space<vmem>>
      %dma_wait3A_398 = tpu.memref_squeeze %dma_wait3A_397 : memref<1x1x128xi32, #tpu.memory_space<vmem>> -> memref<128xi32, #tpu.memory_space<vmem>>
      %dma_wait3A_399 = arith.constant 0 : i32
      %dma_wait3A_400 = arith.constant 0 : i32
      %dma_wait3A_401 = tpu.memref_slice %arg2[%dma_wait3A_399, %dma_wait3A_400] : memref<160000x32xf32, #tpu.memory_space<hbm>> -> memref<160000x32xf32, #tpu.memory_space<hbm>>
      tpu.wait_indirect_dma semaphore(%arg10 : memref<!tpu.dma_semaphore, #tpu.memory_space<semaphore_mem>>) src(%dma_wait3A_401 : memref<160000x32xf32, #tpu.memory_space<hbm>>) dst(%dma_wait3A_395 : memref<128x32xf32, #tpu.memory_space<vmem>>)
      %dma_wait3A_402 = arith.constant 4 : i32
      %dma_wait3A_403 = arith.constant 512 : i32
      %dma_wait3A_404 = arith.constant 0 : i32
      %dma_wait3A_405 = tpu.memref_slice %arg8[%dma_wait3A_403, %dma_wait3A_404] : memref<3072x32xf32, #tpu.memory_space<vmem>> -> memref<128x32xf32, #tpu.memory_space<vmem>>
      %dma_wait3A_406 = arith.constant 0 : i32
      %dma_wait3A_407 = tpu.memref_slice %arg6[%and3A_354, %dma_wait3A_402, %dma_wait3A_406] : memref<2x24x128xi32, #tpu.memory_space<vmem>> -> memref<1x1x128xi32, #tpu.memory_space<vmem>>
      %dma_wait3A_408 = tpu.memref_squeeze %dma_wait3A_407 : memref<1x1x128xi32, #tpu.memory_space<vmem>> -> memref<128xi32, #tpu.memory_space<vmem>>
      %dma_wait3A_409 = arith.constant 0 : i32
      %dma_wait3A_410 = arith.constant 0 : i32
      %dma_wait3A_411 = tpu.memref_slice %arg2[%dma_wait3A_409, %dma_wait3A_410] : memref<160000x32xf32, #tpu.memory_space<hbm>> -> memref<160000x32xf32, #tpu.memory_space<hbm>>
      tpu.wait_indirect_dma semaphore(%arg10 : memref<!tpu.dma_semaphore, #tpu.memory_space<semaphore_mem>>) src(%dma_wait3A_411 : memref<160000x32xf32, #tpu.memory_space<hbm>>) dst(%dma_wait3A_405 : memref<128x32xf32, #tpu.memory_space<vmem>>)
      %dma_wait3A_412 = arith.constant 5 : i32
      %dma_wait3A_413 = arith.constant 640 : i32
      %dma_wait3A_414 = arith.constant 0 : i32
      %dma_wait3A_415 = tpu.memref_slice %arg8[%dma_wait3A_413, %dma_wait3A_414] : memref<3072x32xf32, #tpu.memory_space<vmem>> -> memref<128x32xf32, #tpu.memory_space<vmem>>
      %dma_wait3A_416 = arith.constant 0 : i32
      %dma_wait3A_417 = tpu.memref_slice %arg6[%and3A_354, %dma_wait3A_412, %dma_wait3A_416] : memref<2x24x128xi32, #tpu.memory_space<vmem>> -> memref<1x1x128xi32, #tpu.memory_space<vmem>>
      %dma_wait3A_418 = tpu.memref_squeeze %dma_wait3A_417 : memref<1x1x128xi32, #tpu.memory_space<vmem>> -> memref<128xi32, #tpu.memory_space<vmem>>
      %dma_wait3A_419 = arith.constant 0 : i32
      %dma_wait3A_420 = arith.constant 0 : i32
      %dma_wait3A_421 = tpu.memref_slice %arg2[%dma_wait3A_419, %dma_wait3A_420] : memref<160000x32xf32, #tpu.memory_space<hbm>> -> memref<160000x32xf32, #tpu.memory_space<hbm>>
      tpu.wait_indirect_dma semaphore(%arg10 : memref<!tpu.dma_semaphore, #tpu.memory_space<semaphore_mem>>) src(%dma_wait3A_421 : memref<160000x32xf32, #tpu.memory_space<hbm>>) dst(%dma_wait3A_415 : memref<128x32xf32, #tpu.memory_space<vmem>>)
      %dma_wait3A_422 = arith.constant 6 : i32
      %dma_wait3A_423 = arith.constant 768 : i32
      %dma_wait3A_424 = arith.constant 0 : i32
      %dma_wait3A_425 = tpu.memref_slice %arg8[%dma_wait3A_423, %dma_wait3A_424] : memref<3072x32xf32, #tpu.memory_space<vmem>> -> memref<128x32xf32, #tpu.memory_space<vmem>>
      %dma_wait3A_426 = arith.constant 0 : i32
      %dma_wait3A_427 = tpu.memref_slice %arg6[%and3A_354, %dma_wait3A_422, %dma_wait3A_426] : memref<2x24x128xi32, #tpu.memory_space<vmem>> -> memref<1x1x128xi32, #tpu.memory_space<vmem>>
      %dma_wait3A_428 = tpu.memref_squeeze %dma_wait3A_427 : memref<1x1x128xi32, #tpu.memory_space<vmem>> -> memref<128xi32, #tpu.memory_space<vmem>>
      %dma_wait3A_429 = arith.constant 0 : i32
      %dma_wait3A_430 = arith.constant 0 : i32
      %dma_wait3A_431 = tpu.memref_slice %arg2[%dma_wait3A_429, %dma_wait3A_430] : memref<160000x32xf32, #tpu.memory_space<hbm>> -> memref<160000x32xf32, #tpu.memory_space<hbm>>
      tpu.wait_indirect_dma semaphore(%arg10 : memref<!tpu.dma_semaphore, #tpu.memory_space<semaphore_mem>>) src(%dma_wait3A_431 : memref<160000x32xf32, #tpu.memory_space<hbm>>) dst(%dma_wait3A_425 : memref<128x32xf32, #tpu.memory_space<vmem>>)
      %dma_wait3A_432 = arith.constant 7 : i32
      %dma_wait3A_433 = arith.constant 896 : i32
      %dma_wait3A_434 = arith.constant 0 : i32
      %dma_wait3A_435 = tpu.memref_slice %arg8[%dma_wait3A_433, %dma_wait3A_434] : memref<3072x32xf32, #tpu.memory_space<vmem>> -> memref<128x32xf32, #tpu.memory_space<vmem>>
      %dma_wait3A_436 = arith.constant 0 : i32
      %dma_wait3A_437 = tpu.memref_slice %arg6[%and3A_354, %dma_wait3A_432, %dma_wait3A_436] : memref<2x24x128xi32, #tpu.memory_space<vmem>> -> memref<1x1x128xi32, #tpu.memory_space<vmem>>
      %dma_wait3A_438 = tpu.memref_squeeze %dma_wait3A_437 : memref<1x1x128xi32, #tpu.memory_space<vmem>> -> memref<128xi32, #tpu.memory_space<vmem>>
      %dma_wait3A_439 = arith.constant 0 : i32
      %dma_wait3A_440 = arith.constant 0 : i32
      %dma_wait3A_441 = tpu.memref_slice %arg2[%dma_wait3A_439, %dma_wait3A_440] : memref<160000x32xf32, #tpu.memory_space<hbm>> -> memref<160000x32xf32, #tpu.memory_space<hbm>>
      tpu.wait_indirect_dma semaphore(%arg10 : memref<!tpu.dma_semaphore, #tpu.memory_space<semaphore_mem>>) src(%dma_wait3A_441 : memref<160000x32xf32, #tpu.memory_space<hbm>>) dst(%dma_wait3A_435 : memref<128x32xf32, #tpu.memory_space<vmem>>)
      %dma_wait3A_442 = arith.constant 8 : i32
      %dma_wait3A_443 = arith.constant 1024 : i32
      %dma_wait3A_444 = arith.constant 0 : i32
      %dma_wait3A_445 = tpu.memref_slice %arg8[%dma_wait3A_443, %dma_wait3A_444] : memref<3072x32xf32, #tpu.memory_space<vmem>> -> memref<128x32xf32, #tpu.memory_space<vmem>>
      %dma_wait3A_446 = arith.constant 0 : i32
      %dma_wait3A_447 = tpu.memref_slice %arg6[%and3A_354, %dma_wait3A_442, %dma_wait3A_446] : memref<2x24x128xi32, #tpu.memory_space<vmem>> -> memref<1x1x128xi32, #tpu.memory_space<vmem>>
      %dma_wait3A_448 = tpu.memref_squeeze %dma_wait3A_447 : memref<1x1x128xi32, #tpu.memory_space<vmem>> -> memref<128xi32, #tpu.memory_space<vmem>>
      %dma_wait3A_449 = arith.constant 0 : i32
      %dma_wait3A_450 = arith.constant 0 : i32
      %dma_wait3A_451 = tpu.memref_slice %arg2[%dma_wait3A_449, %dma_wait3A_450] : memref<160000x32xf32, #tpu.memory_space<hbm>> -> memref<160000x32xf32, #tpu.memory_space<hbm>>
      tpu.wait_indirect_dma semaphore(%arg10 : memref<!tpu.dma_semaphore, #tpu.memory_space<semaphore_mem>>) src(%dma_wait3A_451 : memref<160000x32xf32, #tpu.memory_space<hbm>>) dst(%dma_wait3A_445 : memref<128x32xf32, #tpu.memory_space<vmem>>)
      %dma_wait3A_452 = arith.constant 9 : i32
      %dma_wait3A_453 = arith.constant 1152 : i32
      %dma_wait3A_454 = arith.constant 0 : i32
      %dma_wait3A_455 = tpu.memref_slice %arg8[%dma_wait3A_453, %dma_wait3A_454] : memref<3072x32xf32, #tpu.memory_space<vmem>> -> memref<128x32xf32, #tpu.memory_space<vmem>>
      %dma_wait3A_456 = arith.constant 0 : i32
      %dma_wait3A_457 = tpu.memref_slice %arg6[%and3A_354, %dma_wait3A_452, %dma_wait3A_456] : memref<2x24x128xi32, #tpu.memory_space<vmem>> -> memref<1x1x128xi32, #tpu.memory_space<vmem>>
      %dma_wait3A_458 = tpu.memref_squeeze %dma_wait3A_457 : memref<1x1x128xi32, #tpu.memory_space<vmem>> -> memref<128xi32, #tpu.memory_space<vmem>>
      %dma_wait3A_459 = arith.constant 0 : i32
      %dma_wait3A_460 = arith.constant 0 : i32
      %dma_wait3A_461 = tpu.memref_slice %arg2[%dma_wait3A_459, %dma_wait3A_460] : memref<160000x32xf32, #tpu.memory_space<hbm>> -> memref<160000x32xf32, #tpu.memory_space<hbm>>
      tpu.wait_indirect_dma semaphore(%arg10 : memref<!tpu.dma_semaphore, #tpu.memory_space<semaphore_mem>>) src(%dma_wait3A_461 : memref<160000x32xf32, #tpu.memory_space<hbm>>) dst(%dma_wait3A_455 : memref<128x32xf32, #tpu.memory_space<vmem>>)
      %dma_wait3A_462 = arith.constant 10 : i32
      %dma_wait3A_463 = arith.constant 1280 : i32
      %dma_wait3A_464 = arith.constant 0 : i32
      %dma_wait3A_465 = tpu.memref_slice %arg8[%dma_wait3A_463, %dma_wait3A_464] : memref<3072x32xf32, #tpu.memory_space<vmem>> -> memref<128x32xf32, #tpu.memory_space<vmem>>
      %dma_wait3A_466 = arith.constant 0 : i32
      %dma_wait3A_467 = tpu.memref_slice %arg6[%and3A_354, %dma_wait3A_462, %dma_wait3A_466] : memref<2x24x128xi32, #tpu.memory_space<vmem>> -> memref<1x1x128xi32, #tpu.memory_space<vmem>>
      %dma_wait3A_468 = tpu.memref_squeeze %dma_wait3A_467 : memref<1x1x128xi32, #tpu.memory_space<vmem>> -> memref<128xi32, #tpu.memory_space<vmem>>
      %dma_wait3A_469 = arith.constant 0 : i32
      %dma_wait3A_470 = arith.constant 0 : i32
      %dma_wait3A_471 = tpu.memref_slice %arg2[%dma_wait3A_469, %dma_wait3A_470] : memref<160000x32xf32, #tpu.memory_space<hbm>> -> memref<160000x32xf32, #tpu.memory_space<hbm>>
      tpu.wait_indirect_dma semaphore(%arg10 : memref<!tpu.dma_semaphore, #tpu.memory_space<semaphore_mem>>) src(%dma_wait3A_471 : memref<160000x32xf32, #tpu.memory_space<hbm>>) dst(%dma_wait3A_465 : memref<128x32xf32, #tpu.memory_space<vmem>>)
      %dma_wait3A_472 = arith.constant 11 : i32
      %dma_wait3A_473 = arith.constant 1408 : i32
      %dma_wait3A_474 = arith.constant 0 : i32
      %dma_wait3A_475 = tpu.memref_slice %arg8[%dma_wait3A_473, %dma_wait3A_474] : memref<3072x32xf32, #tpu.memory_space<vmem>> -> memref<128x32xf32, #tpu.memory_space<vmem>>
      %dma_wait3A_476 = arith.constant 0 : i32
      %dma_wait3A_477 = tpu.memref_slice %arg6[%and3A_354, %dma_wait3A_472, %dma_wait3A_476] : memref<2x24x128xi32, #tpu.memory_space<vmem>> -> memref<1x1x128xi32, #tpu.memory_space<vmem>>
      %dma_wait3A_478 = tpu.memref_squeeze %dma_wait3A_477 : memref<1x1x128xi32, #tpu.memory_space<vmem>> -> memref<128xi32, #tpu.memory_space<vmem>>
      %dma_wait3A_479 = arith.constant 0 : i32
      %dma_wait3A_480 = arith.constant 0 : i32
      %dma_wait3A_481 = tpu.memref_slice %arg2[%dma_wait3A_479, %dma_wait3A_480] : memref<160000x32xf32, #tpu.memory_space<hbm>> -> memref<160000x32xf32, #tpu.memory_space<hbm>>
      tpu.wait_indirect_dma semaphore(%arg10 : memref<!tpu.dma_semaphore, #tpu.memory_space<semaphore_mem>>) src(%dma_wait3A_481 : memref<160000x32xf32, #tpu.memory_space<hbm>>) dst(%dma_wait3A_475 : memref<128x32xf32, #tpu.memory_space<vmem>>)
      %add3A_482 = arith.constant 1 : i32
      %add3A_483 = arith.addi %scan3A_351, %add3A_482 : i32
      %lt3A = arith.constant 11 : i32
      %lt3A_484 = arith.cmpi slt, %add3A_483, %lt3A : i32
      %convert_element_type3A = arith.extui %lt3A_484 : i1 to i32
      %cond3A = arith.constant 0 : i32
      %cond3A_485 = arith.cmpi ne, %convert_element_type3A, %cond3A : i32
      scf.if %cond3A_485 {
        %dma_wait3A_642 = arith.constant 0 : i32
        %dma_wait3A_643 = arith.constant 0 : i32
        %dma_wait3A_644 = arith.constant 0 : i32
        %dma_wait3A_645 = tpu.memref_slice %arg6[%dma_wait3A_642, %dma_wait3A_643, %dma_wait3A_644] : memref<2x24x128xi32, #tpu.memory_space<vmem>> -> memref<1x24x128xi32, #tpu.memory_space<vmem>>
        %dma_wait3A_646 = tpu.memref_squeeze %dma_wait3A_645 : memref<1x24x128xi32, #tpu.memory_space<vmem>> -> memref<24x128xi32, #tpu.memory_space<vmem>>
        %dma_wait3A_647 = arith.constant 0 : i32
        %dma_wait3A_648 = arith.constant 0 : i32
        %dma_wait3A_649 = tpu.memref_slice %arg3[%dma_wait3A_647, %dma_wait3A_648] : memref<8448x128xi32, #tpu.memory_space<hbm>> -> memref<24x128xi32, #tpu.memory_space<hbm>>
        %dma_wait3A_650 = arith.constant 0 : i32
        %dma_wait3A_651 = arith.constant 0 : i32
        %dma_wait3A_652 = tpu.memref_slice %arg6[%dma_wait3A_642, %dma_wait3A_650, %dma_wait3A_651] : memref<2x24x128xi32, #tpu.memory_space<vmem>> -> memref<1x24x128xi32, #tpu.memory_space<vmem>>
        %dma_wait3A_653 = tpu.memref_squeeze %dma_wait3A_652 : memref<1x24x128xi32, #tpu.memory_space<vmem>> -> memref<24x128xi32, #tpu.memory_space<vmem>>
        %dma_wait3A_654 = arith.constant 0 : i32
        %dma_wait3A_655 = arith.constant 0 : i32
        %dma_wait3A_656 = tpu.memref_slice %arg3[%dma_wait3A_654, %dma_wait3A_655] : memref<8448x128xi32, #tpu.memory_space<hbm>> -> memref<24x128xi32, #tpu.memory_space<hbm>>
        tpu.wait_dma2 semaphore(%arg12 : memref<!tpu.dma_semaphore, #tpu.memory_space<semaphore_mem>>) src(%dma_wait3A_656 : memref<24x128xi32, #tpu.memory_space<hbm>>) dst(%dma_wait3A_653 : memref<24x128xi32, #tpu.memory_space<vmem>>)
        %dma_wait3A_657 = arith.constant 0 : i32
        %dma_wait3A_658 = arith.constant 0 : i32
        %dma_wait3A_659 = tpu.memref_slice %arg7[%dma_wait3A_657, %dma_wait3A_658] : memref<2x3072xf32, #tpu.memory_space<vmem>> -> memref<1x3072xf32, #tpu.memory_space<vmem>>
        %dma_wait3A_660 = tpu.memref_squeeze %dma_wait3A_659 : memref<1x3072xf32, #tpu.memory_space<vmem>> -> memref<3072xf32, #tpu.memory_space<vmem>>
        %dma_wait3A_661 = arith.constant 0 : i32
        %dma_wait3A_662 = tpu.memref_slice %arg4[%dma_wait3A_661] : memref<1081344xf32, #tpu.memory_space<hbm>> -> memref<3072xf32, #tpu.memory_space<hbm>>
        %dma_wait3A_663 = arith.constant 0 : i32
        %dma_wait3A_664 = tpu.memref_slice %arg7[%dma_wait3A_657, %dma_wait3A_663] : memref<2x3072xf32, #tpu.memory_space<vmem>> -> memref<1x3072xf32, #tpu.memory_space<vmem>>
        %dma_wait3A_665 = tpu.memref_squeeze %dma_wait3A_664 : memref<1x3072xf32, #tpu.memory_space<vmem>> -> memref<3072xf32, #tpu.memory_space<vmem>>
        %dma_wait3A_666 = arith.constant 0 : i32
        %dma_wait3A_667 = tpu.memref_slice %arg4[%dma_wait3A_666] : memref<1081344xf32, #tpu.memory_space<hbm>> -> memref<3072xf32, #tpu.memory_space<hbm>>
        tpu.wait_dma2 semaphore(%arg12 : memref<!tpu.dma_semaphore, #tpu.memory_space<semaphore_mem>>) src(%dma_wait3A_667 : memref<3072xf32, #tpu.memory_space<hbm>>) dst(%dma_wait3A_665 : memref<3072xf32, #tpu.memory_space<vmem>>)
      } else {
      }
      %scan3A_486 = arith.constant 0 : i32
      %scan3A_487 = arith.constant 0 : i32
      %scan3A_488 = arith.constant 64 : i32
      %scan3A_489 = arith.addi %scan3A_487, %scan3A_488 : i32
      %scan3A_490 = arith.constant 1 : i32
      %scan3A_491 = scf.for %scan3A_642 = %scan3A_487 to %scan3A_489 step %scan3A_490 iter_args(%scan3A_643 = %scan3A_486) -> (i32)  : i32 {
        %mul3A_644 = arith.constant 24 : i32
        %mul3A_645 = arith.muli %scan3A_642, %mul3A_644 : i32
        %get3A = arith.index_cast %and3A_354 : i32 to index
        %get3A_646 = arith.index_cast %mul3A_645 : i32 to index
        %get3A_647 = tpu.vector_load %arg7[%get3A, %get3A_646] {strides = array<i32>} : memref<2x3072xf32, #tpu.memory_space<vmem>>, vector<1x16xf32>,
        %get3A_648 = vector.shape_cast %get3A_647 : vector<1x16xf32> to vector<16xf32>
        %add3A_649 = arith.constant 8 : i32
        %add3A_650 = arith.addi %mul3A_645, %add3A_649 : i32
        %get3A_651 = arith.index_cast %and3A_354 : i32 to index
        %get3A_652 = arith.index_cast %add3A_650 : i32 to index
        %get3A_653 = tpu.vector_load %arg7[%get3A_651, %get3A_652] {strides = array<i32>} : memref<2x3072xf32, #tpu.memory_space<vmem>>, vector<1x16xf32>,
        %get3A_654 = vector.shape_cast %get3A_653 : vector<1x16xf32> to vector<16xf32>
        %broadcast_in_dim3A = arith.constant 0.000000e+00 : f32
        %broadcast_in_dim3A_655 = vector.broadcast %broadcast_in_dim3A : f32 to vector<16xf32>
        %broadcast_in_dim3A_656 = arith.constant 0.000000e+00 : f32
        %broadcast_in_dim3A_657 = vector.broadcast %broadcast_in_dim3A_656 : f32 to vector<16xf32>
        %slice3A = vector.extract_strided_slice %get3A_648 {offsets = [0], sizes = [1], strides = [1]} : vector<16xf32> to vector<1xf32>
        %squeeze3A = vector.extract %slice3A[0] : f32 from vector<1xf32>
        %add3A_658 = arith.constant 0 : i32
        %add3A_659 = arith.addi %mul3A_645, %add3A_658 : i32
        %get3A_660 = arith.index_cast %add3A_659 : i32 to index
        %get3A_661 = arith.constant 0 : index
        %get3A_662 = tpu.vector_load %arg8[%get3A_660, %get3A_661] {strides = array<i32>} : memref<3072x32xf32, #tpu.memory_space<vmem>>, vector<1x16xf32>,
        %get3A_663 = vector.shape_cast %get3A_662 : vector<1x16xf32> to vector<16xf32>
        %mul3A_664 = vector.broadcast %squeeze3A : f32 to vector<16xf32>
        %mul3A_665 = arith.mulf %mul3A_664, %get3A_663 : vector<16xf32>
        %add3A_666 = arith.addf %broadcast_in_dim3A_655, %mul3A_665 : vector<16xf32>
        %add3A_667 = arith.constant 0 : i32
        %add3A_668 = arith.addi %mul3A_645, %add3A_667 : i32
        %get3A_669 = arith.index_cast %add3A_668 : i32 to index
        %get3A_670 = arith.constant 16 : index
        %get3A_671 = tpu.vector_load %arg8[%get3A_669, %get3A_670] {strides = array<i32>} : memref<3072x32xf32, #tpu.memory_space<vmem>>, vector<1x16xf32>,
        %get3A_672 = vector.shape_cast %get3A_671 : vector<1x16xf32> to vector<16xf32>
        %mul3A_673 = vector.broadcast %squeeze3A : f32 to vector<16xf32>
        %mul3A_674 = arith.mulf %mul3A_673, %get3A_672 : vector<16xf32>
        %add3A_675 = arith.addf %broadcast_in_dim3A_657, %mul3A_674 : vector<16xf32>
        %slice3A_676 = vector.extract_strided_slice %get3A_648 {offsets = [1], sizes = [1], strides = [1]} : vector<16xf32> to vector<1xf32>
        %squeeze3A_677 = vector.extract %slice3A_676[0] : f32 from vector<1xf32>
        %add3A_678 = arith.constant 1 : i32
        %add3A_679 = arith.addi %mul3A_645, %add3A_678 : i32
        %get3A_680 = arith.index_cast %add3A_679 : i32 to index
        %get3A_681 = arith.constant 0 : index
        %get3A_682 = tpu.vector_load %arg8[%get3A_680, %get3A_681] {strides = array<i32>} : memref<3072x32xf32, #tpu.memory_space<vmem>>, vector<1x16xf32>,
        %get3A_683 = vector.shape_cast %get3A_682 : vector<1x16xf32> to vector<16xf32>
        %mul3A_684 = vector.broadcast %squeeze3A_677 : f32 to vector<16xf32>
        %mul3A_685 = arith.mulf %mul3A_684, %get3A_683 : vector<16xf32>
        %add3A_686 = arith.addf %add3A_666, %mul3A_685 : vector<16xf32>
        %add3A_687 = arith.constant 1 : i32
        %add3A_688 = arith.addi %mul3A_645, %add3A_687 : i32
        %get3A_689 = arith.index_cast %add3A_688 : i32 to index
        %get3A_690 = arith.constant 16 : index
        %get3A_691 = tpu.vector_load %arg8[%get3A_689, %get3A_690] {strides = array<i32>} : memref<3072x32xf32, #tpu.memory_space<vmem>>, vector<1x16xf32>,
        %get3A_692 = vector.shape_cast %get3A_691 : vector<1x16xf32> to vector<16xf32>
        %mul3A_693 = vector.broadcast %squeeze3A_677 : f32 to vector<16xf32>
        %mul3A_694 = arith.mulf %mul3A_693, %get3A_692 : vector<16xf32>
        %add3A_695 = arith.addf %add3A_675, %mul3A_694 : vector<16xf32>
        %slice3A_696 = vector.extract_strided_slice %get3A_648 {offsets = [2], sizes = [1], strides = [1]} : vector<16xf32> to vector<1xf32>
        %squeeze3A_697 = vector.extract %slice3A_696[0] : f32 from vector<1xf32>
        %add3A_698 = arith.constant 2 : i32
        %add3A_699 = arith.addi %mul3A_645, %add3A_698 : i32
        %get3A_700 = arith.index_cast %add3A_699 : i32 to index
        %get3A_701 = arith.constant 0 : index
        %get3A_702 = tpu.vector_load %arg8[%get3A_700, %get3A_701] {strides = array<i32>} : memref<3072x32xf32, #tpu.memory_space<vmem>>, vector<1x16xf32>,
        %get3A_703 = vector.shape_cast %get3A_702 : vector<1x16xf32> to vector<16xf32>
        %mul3A_704 = vector.broadcast %squeeze3A_697 : f32 to vector<16xf32>
        %mul3A_705 = arith.mulf %mul3A_704, %get3A_703 : vector<16xf32>
        %add3A_706 = arith.addf %add3A_686, %mul3A_705 : vector<16xf32>
        %add3A_707 = arith.constant 2 : i32
        %add3A_708 = arith.addi %mul3A_645, %add3A_707 : i32
        %get3A_709 = arith.index_cast %add3A_708 : i32 to index
        %get3A_710 = arith.constant 16 : index
        %get3A_711 = tpu.vector_load %arg8[%get3A_709, %get3A_710] {strides = array<i32>} : memref<3072x32xf32, #tpu.memory_space<vmem>>, vector<1x16xf32>,
        %get3A_712 = vector.shape_cast %get3A_711 : vector<1x16xf32> to vector<16xf32>
        %mul3A_713 = vector.broadcast %squeeze3A_697 : f32 to vector<16xf32>
        %mul3A_714 = arith.mulf %mul3A_713, %get3A_712 : vector<16xf32>
        %add3A_715 = arith.addf %add3A_695, %mul3A_714 : vector<16xf32>
        %slice3A_716 = vector.extract_strided_slice %get3A_648 {offsets = [3], sizes = [1], strides = [1]} : vector<16xf32> to vector<1xf32>
        %squeeze3A_717 = vector.extract %slice3A_716[0] : f32 from vector<1xf32>
        %add3A_718 = arith.constant 3 : i32
        %add3A_719 = arith.addi %mul3A_645, %add3A_718 : i32
        %get3A_720 = arith.index_cast %add3A_719 : i32 to index
        %get3A_721 = arith.constant 0 : index
        %get3A_722 = tpu.vector_load %arg8[%get3A_720, %get3A_721] {strides = array<i32>} : memref<3072x32xf32, #tpu.memory_space<vmem>>, vector<1x16xf32>,
        %get3A_723 = vector.shape_cast %get3A_722 : vector<1x16xf32> to vector<16xf32>
        %mul3A_724 = vector.broadcast %squeeze3A_717 : f32 to vector<16xf32>
        %mul3A_725 = arith.mulf %mul3A_724, %get3A_723 : vector<16xf32>
        %add3A_726 = arith.addf %add3A_706, %mul3A_725 : vector<16xf32>
        %add3A_727 = arith.constant 3 : i32
        %add3A_728 = arith.addi %mul3A_645, %add3A_727 : i32
        %get3A_729 = arith.index_cast %add3A_728 : i32 to index
        %get3A_730 = arith.constant 16 : index
        %get3A_731 = tpu.vector_load %arg8[%get3A_729, %get3A_730] {strides = array<i32>} : memref<3072x32xf32, #tpu.memory_space<vmem>>, vector<1x16xf32>,
        %get3A_732 = vector.shape_cast %get3A_731 : vector<1x16xf32> to vector<16xf32>
        %mul3A_733 = vector.broadcast %squeeze3A_717 : f32 to vector<16xf32>
        %mul3A_734 = arith.mulf %mul3A_733, %get3A_732 : vector<16xf32>
        %add3A_735 = arith.addf %add3A_715, %mul3A_734 : vector<16xf32>
        %slice3A_736 = vector.extract_strided_slice %get3A_648 {offsets = [4], sizes = [1], strides = [1]} : vector<16xf32> to vector<1xf32>
        %squeeze3A_737 = vector.extract %slice3A_736[0] : f32 from vector<1xf32>
        %add3A_738 = arith.constant 4 : i32
        %add3A_739 = arith.addi %mul3A_645, %add3A_738 : i32
        %get3A_740 = arith.index_cast %add3A_739 : i32 to index
        %get3A_741 = arith.constant 0 : index
        %get3A_742 = tpu.vector_load %arg8[%get3A_740, %get3A_741] {strides = array<i32>} : memref<3072x32xf32, #tpu.memory_space<vmem>>, vector<1x16xf32>,
        %get3A_743 = vector.shape_cast %get3A_742 : vector<1x16xf32> to vector<16xf32>
        %mul3A_744 = vector.broadcast %squeeze3A_737 : f32 to vector<16xf32>
        %mul3A_745 = arith.mulf %mul3A_744, %get3A_743 : vector<16xf32>
        %add3A_746 = arith.addf %add3A_726, %mul3A_745 : vector<16xf32>
        %add3A_747 = arith.constant 4 : i32
        %add3A_748 = arith.addi %mul3A_645, %add3A_747 : i32
        %get3A_749 = arith.index_cast %add3A_748 : i32 to index
        %get3A_750 = arith.constant 16 : index
        %get3A_751 = tpu.vector_load %arg8[%get3A_749, %get3A_750] {strides = array<i32>} : memref<3072x32xf32, #tpu.memory_space<vmem>>, vector<1x16xf32>,
        %get3A_752 = vector.shape_cast %get3A_751 : vector<1x16xf32> to vector<16xf32>
        %mul3A_753 = vector.broadcast %squeeze3A_737 : f32 to vector<16xf32>
        %mul3A_754 = arith.mulf %mul3A_753, %get3A_752 : vector<16xf32>
        %add3A_755 = arith.addf %add3A_735, %mul3A_754 : vector<16xf32>
        %slice3A_756 = vector.extract_strided_slice %get3A_648 {offsets = [5], sizes = [1], strides = [1]} : vector<16xf32> to vector<1xf32>
        %squeeze3A_757 = vector.extract %slice3A_756[0] : f32 from vector<1xf32>
        %add3A_758 = arith.constant 5 : i32
        %add3A_759 = arith.addi %mul3A_645, %add3A_758 : i32
        %get3A_760 = arith.index_cast %add3A_759 : i32 to index
        %get3A_761 = arith.constant 0 : index
        %get3A_762 = tpu.vector_load %arg8[%get3A_760, %get3A_761] {strides = array<i32>} : memref<3072x32xf32, #tpu.memory_space<vmem>>, vector<1x16xf32>,
        %get3A_763 = vector.shape_cast %get3A_762 : vector<1x16xf32> to vector<16xf32>
        %mul3A_764 = vector.broadcast %squeeze3A_757 : f32 to vector<16xf32>
        %mul3A_765 = arith.mulf %mul3A_764, %get3A_763 : vector<16xf32>
        %add3A_766 = arith.addf %add3A_746, %mul3A_765 : vector<16xf32>
        %add3A_767 = arith.constant 5 : i32
        %add3A_768 = arith.addi %mul3A_645, %add3A_767 : i32
        %get3A_769 = arith.index_cast %add3A_768 : i32 to index
        %get3A_770 = arith.constant 16 : index
        %get3A_771 = tpu.vector_load %arg8[%get3A_769, %get3A_770] {strides = array<i32>} : memref<3072x32xf32, #tpu.memory_space<vmem>>, vector<1x16xf32>,
        %get3A_772 = vector.shape_cast %get3A_771 : vector<1x16xf32> to vector<16xf32>
        %mul3A_773 = vector.broadcast %squeeze3A_757 : f32 to vector<16xf32>
        %mul3A_774 = arith.mulf %mul3A_773, %get3A_772 : vector<16xf32>
        %add3A_775 = arith.addf %add3A_755, %mul3A_774 : vector<16xf32>
        %slice3A_776 = vector.extract_strided_slice %get3A_648 {offsets = [6], sizes = [1], strides = [1]} : vector<16xf32> to vector<1xf32>
        %squeeze3A_777 = vector.extract %slice3A_776[0] : f32 from vector<1xf32>
        %add3A_778 = arith.constant 6 : i32
        %add3A_779 = arith.addi %mul3A_645, %add3A_778 : i32
        %get3A_780 = arith.index_cast %add3A_779 : i32 to index
        %get3A_781 = arith.constant 0 : index
        %get3A_782 = tpu.vector_load %arg8[%get3A_780, %get3A_781] {strides = array<i32>} : memref<3072x32xf32, #tpu.memory_space<vmem>>, vector<1x16xf32>,
        %get3A_783 = vector.shape_cast %get3A_782 : vector<1x16xf32> to vector<16xf32>
        %mul3A_784 = vector.broadcast %squeeze3A_777 : f32 to vector<16xf32>
        %mul3A_785 = arith.mulf %mul3A_784, %get3A_783 : vector<16xf32>
        %add3A_786 = arith.addf %add3A_766, %mul3A_785 : vector<16xf32>
        %add3A_787 = arith.constant 6 : i32
        %add3A_788 = arith.addi %mul3A_645, %add3A_787 : i32
        %get3A_789 = arith.index_cast %add3A_788 : i32 to index
        %get3A_790 = arith.constant 16 : index
        %get3A_791 = tpu.vector_load %arg8[%get3A_789, %get3A_790] {strides = array<i32>} : memref<3072x32xf32, #tpu.memory_space<vmem>>, vector<1x16xf32>,
        %get3A_792 = vector.shape_cast %get3A_791 : vector<1x16xf32> to vector<16xf32>
        %mul3A_793 = vector.broadcast %squeeze3A_777 : f32 to vector<16xf32>
        %mul3A_794 = arith.mulf %mul3A_793, %get3A_792 : vector<16xf32>
        %add3A_795 = arith.addf %add3A_775, %mul3A_794 : vector<16xf32>
        %slice3A_796 = vector.extract_strided_slice %get3A_648 {offsets = [7], sizes = [1], strides = [1]} : vector<16xf32> to vector<1xf32>
        %squeeze3A_797 = vector.extract %slice3A_796[0] : f32 from vector<1xf32>
        %add3A_798 = arith.constant 7 : i32
        %add3A_799 = arith.addi %mul3A_645, %add3A_798 : i32
        %get3A_800 = arith.index_cast %add3A_799 : i32 to index
        %get3A_801 = arith.constant 0 : index
        %get3A_802 = tpu.vector_load %arg8[%get3A_800, %get3A_801] {strides = array<i32>} : memref<3072x32xf32, #tpu.memory_space<vmem>>, vector<1x16xf32>,
        %get3A_803 = vector.shape_cast %get3A_802 : vector<1x16xf32> to vector<16xf32>
        %mul3A_804 = vector.broadcast %squeeze3A_797 : f32 to vector<16xf32>
        %mul3A_805 = arith.mulf %mul3A_804, %get3A_803 : vector<16xf32>
        %add3A_806 = arith.addf %add3A_786, %mul3A_805 : vector<16xf32>
        %add3A_807 = arith.constant 7 : i32
        %add3A_808 = arith.addi %mul3A_645, %add3A_807 : i32
        %get3A_809 = arith.index_cast %add3A_808 : i32 to index
        %get3A_810 = arith.constant 16 : index
        %get3A_811 = tpu.vector_load %arg8[%get3A_809, %get3A_810] {strides = array<i32>} : memref<3072x32xf32, #tpu.memory_space<vmem>>, vector<1x16xf32>,
        %get3A_812 = vector.shape_cast %get3A_811 : vector<1x16xf32> to vector<16xf32>
        %mul3A_813 = vector.broadcast %squeeze3A_797 : f32 to vector<16xf32>
        %mul3A_814 = arith.mulf %mul3A_813, %get3A_812 : vector<16xf32>
        %add3A_815 = arith.addf %add3A_795, %mul3A_814 : vector<16xf32>
        %slice3A_816 = vector.extract_strided_slice %get3A_648 {offsets = [8], sizes = [1], strides = [1]} : vector<16xf32> to vector<1xf32>
        %squeeze3A_817 = vector.extract %slice3A_816[0] : f32 from vector<1xf32>
        %add3A_818 = arith.constant 8 : i32
        %add3A_819 = arith.addi %mul3A_645, %add3A_818 : i32
        %get3A_820 = arith.index_cast %add3A_819 : i32 to index
        %get3A_821 = arith.constant 0 : index
        %get3A_822 = tpu.vector_load %arg8[%get3A_820, %get3A_821] {strides = array<i32>} : memref<3072x32xf32, #tpu.memory_space<vmem>>, vector<1x16xf32>,
        %get3A_823 = vector.shape_cast %get3A_822 : vector<1x16xf32> to vector<16xf32>
        %mul3A_824 = vector.broadcast %squeeze3A_817 : f32 to vector<16xf32>
        %mul3A_825 = arith.mulf %mul3A_824, %get3A_823 : vector<16xf32>
        %add3A_826 = arith.addf %add3A_806, %mul3A_825 : vector<16xf32>
        %add3A_827 = arith.constant 8 : i32
        %add3A_828 = arith.addi %mul3A_645, %add3A_827 : i32
        %get3A_829 = arith.index_cast %add3A_828 : i32 to index
        %get3A_830 = arith.constant 16 : index
        %get3A_831 = tpu.vector_load %arg8[%get3A_829, %get3A_830] {strides = array<i32>} : memref<3072x32xf32, #tpu.memory_space<vmem>>, vector<1x16xf32>,
        %get3A_832 = vector.shape_cast %get3A_831 : vector<1x16xf32> to vector<16xf32>
        %mul3A_833 = vector.broadcast %squeeze3A_817 : f32 to vector<16xf32>
        %mul3A_834 = arith.mulf %mul3A_833, %get3A_832 : vector<16xf32>
        %add3A_835 = arith.addf %add3A_815, %mul3A_834 : vector<16xf32>
        %slice3A_836 = vector.extract_strided_slice %get3A_648 {offsets = [9], sizes = [1], strides = [1]} : vector<16xf32> to vector<1xf32>
        %squeeze3A_837 = vector.extract %slice3A_836[0] : f32 from vector<1xf32>
        %add3A_838 = arith.constant 9 : i32
        %add3A_839 = arith.addi %mul3A_645, %add3A_838 : i32
        %get3A_840 = arith.index_cast %add3A_839 : i32 to index
        %get3A_841 = arith.constant 0 : index
        %get3A_842 = tpu.vector_load %arg8[%get3A_840, %get3A_841] {strides = array<i32>} : memref<3072x32xf32, #tpu.memory_space<vmem>>, vector<1x16xf32>,
        %get3A_843 = vector.shape_cast %get3A_842 : vector<1x16xf32> to vector<16xf32>
        %mul3A_844 = vector.broadcast %squeeze3A_837 : f32 to vector<16xf32>
        %mul3A_845 = arith.mulf %mul3A_844, %get3A_843 : vector<16xf32>
        %add3A_846 = arith.addf %add3A_826, %mul3A_845 : vector<16xf32>
        %add3A_847 = arith.constant 9 : i32
        %add3A_848 = arith.addi %mul3A_645, %add3A_847 : i32
        %get3A_849 = arith.index_cast %add3A_848 : i32 to index
        %get3A_850 = arith.constant 16 : index
        %get3A_851 = tpu.vector_load %arg8[%get3A_849, %get3A_850] {strides = array<i32>} : memref<3072x32xf32, #tpu.memory_space<vmem>>, vector<1x16xf32>,
        %get3A_852 = vector.shape_cast %get3A_851 : vector<1x16xf32> to vector<16xf32>
        %mul3A_853 = vector.broadcast %squeeze3A_837 : f32 to vector<16xf32>
        %mul3A_854 = arith.mulf %mul3A_853, %get3A_852 : vector<16xf32>
        %add3A_855 = arith.addf %add3A_835, %mul3A_854 : vector<16xf32>
        %slice3A_856 = vector.extract_strided_slice %get3A_648 {offsets = [10], sizes = [1], strides = [1]} : vector<16xf32> to vector<1xf32>
        %squeeze3A_857 = vector.extract %slice3A_856[0] : f32 from vector<1xf32>
        %add3A_858 = arith.constant 10 : i32
        %add3A_859 = arith.addi %mul3A_645, %add3A_858 : i32
        %get3A_860 = arith.index_cast %add3A_859 : i32 to index
        %get3A_861 = arith.constant 0 : index
        %get3A_862 = tpu.vector_load %arg8[%get3A_860, %get3A_861] {strides = array<i32>} : memref<3072x32xf32, #tpu.memory_space<vmem>>, vector<1x16xf32>,
        %get3A_863 = vector.shape_cast %get3A_862 : vector<1x16xf32> to vector<16xf32>
        %mul3A_864 = vector.broadcast %squeeze3A_857 : f32 to vector<16xf32>
        %mul3A_865 = arith.mulf %mul3A_864, %get3A_863 : vector<16xf32>
        %add3A_866 = arith.addf %add3A_846, %mul3A_865 : vector<16xf32>
        %add3A_867 = arith.constant 10 : i32
        %add3A_868 = arith.addi %mul3A_645, %add3A_867 : i32
        %get3A_869 = arith.index_cast %add3A_868 : i32 to index
        %get3A_870 = arith.constant 16 : index
        %get3A_871 = tpu.vector_load %arg8[%get3A_869, %get3A_870] {strides = array<i32>} : memref<3072x32xf32, #tpu.memory_space<vmem>>, vector<1x16xf32>,
        %get3A_872 = vector.shape_cast %get3A_871 : vector<1x16xf32> to vector<16xf32>
        %mul3A_873 = vector.broadcast %squeeze3A_857 : f32 to vector<16xf32>
        %mul3A_874 = arith.mulf %mul3A_873, %get3A_872 : vector<16xf32>
        %add3A_875 = arith.addf %add3A_855, %mul3A_874 : vector<16xf32>
        %slice3A_876 = vector.extract_strided_slice %get3A_648 {offsets = [11], sizes = [1], strides = [1]} : vector<16xf32> to vector<1xf32>
        %squeeze3A_877 = vector.extract %slice3A_876[0] : f32 from vector<1xf32>
        %add3A_878 = arith.constant 11 : i32
        %add3A_879 = arith.addi %mul3A_645, %add3A_878 : i32
        %get3A_880 = arith.index_cast %add3A_879 : i32 to index
        %get3A_881 = arith.constant 0 : index
        %get3A_882 = tpu.vector_load %arg8[%get3A_880, %get3A_881] {strides = array<i32>} : memref<3072x32xf32, #tpu.memory_space<vmem>>, vector<1x16xf32>,
        %get3A_883 = vector.shape_cast %get3A_882 : vector<1x16xf32> to vector<16xf32>
        %mul3A_884 = vector.broadcast %squeeze3A_877 : f32 to vector<16xf32>
        %mul3A_885 = arith.mulf %mul3A_884, %get3A_883 : vector<16xf32>
        %add3A_886 = arith.addf %add3A_866, %mul3A_885 : vector<16xf32>
        %add3A_887 = arith.constant 11 : i32
        %add3A_888 = arith.addi %mul3A_645, %add3A_887 : i32
        %get3A_889 = arith.index_cast %add3A_888 : i32 to index
        %get3A_890 = arith.constant 16 : index
        %get3A_891 = tpu.vector_load %arg8[%get3A_889, %get3A_890] {strides = array<i32>} : memref<3072x32xf32, #tpu.memory_space<vmem>>, vector<1x16xf32>,
        %get3A_892 = vector.shape_cast %get3A_891 : vector<1x16xf32> to vector<16xf32>
        %mul3A_893 = vector.broadcast %squeeze3A_877 : f32 to vector<16xf32>
        %mul3A_894 = arith.mulf %mul3A_893, %get3A_892 : vector<16xf32>
        %add3A_895 = arith.addf %add3A_875, %mul3A_894 : vector<16xf32>
        %slice3A_896 = vector.extract_strided_slice %get3A_648 {offsets = [12], sizes = [1], strides = [1]} : vector<16xf32> to vector<1xf32>
        %squeeze3A_897 = vector.extract %slice3A_896[0] : f32 from vector<1xf32>
        %add3A_898 = arith.constant 12 : i32
        %add3A_899 = arith.addi %mul3A_645, %add3A_898 : i32
        %get3A_900 = arith.index_cast %add3A_899 : i32 to index
        %get3A_901 = arith.constant 0 : index
        %get3A_902 = tpu.vector_load %arg8[%get3A_900, %get3A_901] {strides = array<i32>} : memref<3072x32xf32, #tpu.memory_space<vmem>>, vector<1x16xf32>,
        %get3A_903 = vector.shape_cast %get3A_902 : vector<1x16xf32> to vector<16xf32>
        %mul3A_904 = vector.broadcast %squeeze3A_897 : f32 to vector<16xf32>
        %mul3A_905 = arith.mulf %mul3A_904, %get3A_903 : vector<16xf32>
        %add3A_906 = arith.addf %add3A_886, %mul3A_905 : vector<16xf32>
        %add3A_907 = arith.constant 12 : i32
        %add3A_908 = arith.addi %mul3A_645, %add3A_907 : i32
        %get3A_909 = arith.index_cast %add3A_908 : i32 to index
        %get3A_910 = arith.constant 16 : index
        %get3A_911 = tpu.vector_load %arg8[%get3A_909, %get3A_910] {strides = array<i32>} : memref<3072x32xf32, #tpu.memory_space<vmem>>, vector<1x16xf32>,
        %get3A_912 = vector.shape_cast %get3A_911 : vector<1x16xf32> to vector<16xf32>
        %mul3A_913 = vector.broadcast %squeeze3A_897 : f32 to vector<16xf32>
        %mul3A_914 = arith.mulf %mul3A_913, %get3A_912 : vector<16xf32>
        %add3A_915 = arith.addf %add3A_895, %mul3A_914 : vector<16xf32>
        %slice3A_916 = vector.extract_strided_slice %get3A_648 {offsets = [13], sizes = [1], strides = [1]} : vector<16xf32> to vector<1xf32>
        %squeeze3A_917 = vector.extract %slice3A_916[0] : f32 from vector<1xf32>
        %add3A_918 = arith.constant 13 : i32
        %add3A_919 = arith.addi %mul3A_645, %add3A_918 : i32
        %get3A_920 = arith.index_cast %add3A_919 : i32 to index
        %get3A_921 = arith.constant 0 : index
        %get3A_922 = tpu.vector_load %arg8[%get3A_920, %get3A_921] {strides = array<i32>} : memref<3072x32xf32, #tpu.memory_space<vmem>>, vector<1x16xf32>,
        %get3A_923 = vector.shape_cast %get3A_922 : vector<1x16xf32> to vector<16xf32>
        %mul3A_924 = vector.broadcast %squeeze3A_917 : f32 to vector<16xf32>
        %mul3A_925 = arith.mulf %mul3A_924, %get3A_923 : vector<16xf32>
        %add3A_926 = arith.addf %add3A_906, %mul3A_925 : vector<16xf32>
        %add3A_927 = arith.constant 13 : i32
        %add3A_928 = arith.addi %mul3A_645, %add3A_927 : i32
        %get3A_929 = arith.index_cast %add3A_928 : i32 to index
        %get3A_930 = arith.constant 16 : index
        %get3A_931 = tpu.vector_load %arg8[%get3A_929, %get3A_930] {strides = array<i32>} : memref<3072x32xf32, #tpu.memory_space<vmem>>, vector<1x16xf32>,
        %get3A_932 = vector.shape_cast %get3A_931 : vector<1x16xf32> to vector<16xf32>
        %mul3A_933 = vector.broadcast %squeeze3A_917 : f32 to vector<16xf32>
        %mul3A_934 = arith.mulf %mul3A_933, %get3A_932 : vector<16xf32>
        %add3A_935 = arith.addf %add3A_915, %mul3A_934 : vector<16xf32>
        %slice3A_936 = vector.extract_strided_slice %get3A_648 {offsets = [14], sizes = [1], strides = [1]} : vector<16xf32> to vector<1xf32>
        %squeeze3A_937 = vector.extract %slice3A_936[0] : f32 from vector<1xf32>
        %add3A_938 = arith.constant 14 : i32
        %add3A_939 = arith.addi %mul3A_645, %add3A_938 : i32
        %get3A_940 = arith.index_cast %add3A_939 : i32 to index
        %get3A_941 = arith.constant 0 : index
        %get3A_942 = tpu.vector_load %arg8[%get3A_940, %get3A_941] {strides = array<i32>} : memref<3072x32xf32, #tpu.memory_space<vmem>>, vector<1x16xf32>,
        %get3A_943 = vector.shape_cast %get3A_942 : vector<1x16xf32> to vector<16xf32>
        %mul3A_944 = vector.broadcast %squeeze3A_937 : f32 to vector<16xf32>
        %mul3A_945 = arith.mulf %mul3A_944, %get3A_943 : vector<16xf32>
        %add3A_946 = arith.addf %add3A_926, %mul3A_945 : vector<16xf32>
        %add3A_947 = arith.constant 14 : i32
        %add3A_948 = arith.addi %mul3A_645, %add3A_947 : i32
        %get3A_949 = arith.index_cast %add3A_948 : i32 to index
        %get3A_950 = arith.constant 16 : index
        %get3A_951 = tpu.vector_load %arg8[%get3A_949, %get3A_950] {strides = array<i32>} : memref<3072x32xf32, #tpu.memory_space<vmem>>, vector<1x16xf32>,
        %get3A_952 = vector.shape_cast %get3A_951 : vector<1x16xf32> to vector<16xf32>
        %mul3A_953 = vector.broadcast %squeeze3A_937 : f32 to vector<16xf32>
        %mul3A_954 = arith.mulf %mul3A_953, %get3A_952 : vector<16xf32>
        %add3A_955 = arith.addf %add3A_935, %mul3A_954 : vector<16xf32>
        %slice3A_956 = vector.extract_strided_slice %get3A_648 {offsets = [15], sizes = [1], strides = [1]} : vector<16xf32> to vector<1xf32>
        %squeeze3A_957 = vector.extract %slice3A_956[0] : f32 from vector<1xf32>
        %add3A_958 = arith.constant 15 : i32
        %add3A_959 = arith.addi %mul3A_645, %add3A_958 : i32
        %get3A_960 = arith.index_cast %add3A_959 : i32 to index
        %get3A_961 = arith.constant 0 : index
        %get3A_962 = tpu.vector_load %arg8[%get3A_960, %get3A_961] {strides = array<i32>} : memref<3072x32xf32, #tpu.memory_space<vmem>>, vector<1x16xf32>,
        %get3A_963 = vector.shape_cast %get3A_962 : vector<1x16xf32> to vector<16xf32>
        %mul3A_964 = vector.broadcast %squeeze3A_957 : f32 to vector<16xf32>
        %mul3A_965 = arith.mulf %mul3A_964, %get3A_963 : vector<16xf32>
        %add3A_966 = arith.addf %add3A_946, %mul3A_965 : vector<16xf32>
        %add3A_967 = arith.constant 15 : i32
        %add3A_968 = arith.addi %mul3A_645, %add3A_967 : i32
        %get3A_969 = arith.index_cast %add3A_968 : i32 to index
        %get3A_970 = arith.constant 16 : index
        %get3A_971 = tpu.vector_load %arg8[%get3A_969, %get3A_970] {strides = array<i32>} : memref<3072x32xf32, #tpu.memory_space<vmem>>, vector<1x16xf32>,
        %get3A_972 = vector.shape_cast %get3A_971 : vector<1x16xf32> to vector<16xf32>
        %mul3A_973 = vector.broadcast %squeeze3A_957 : f32 to vector<16xf32>
        %mul3A_974 = arith.mulf %mul3A_973, %get3A_972 : vector<16xf32>
        %add3A_975 = arith.addf %add3A_955, %mul3A_974 : vector<16xf32>
        %slice3A_976 = vector.extract_strided_slice %get3A_654 {offsets = [8], sizes = [1], strides = [1]} : vector<16xf32> to vector<1xf32>
        %squeeze3A_977 = vector.extract %slice3A_976[0] : f32 from vector<1xf32>
        %add3A_978 = arith.constant 16 : i32
        %add3A_979 = arith.addi %mul3A_645, %add3A_978 : i32
        %get3A_980 = arith.index_cast %add3A_979 : i32 to index
        %get3A_981 = arith.constant 0 : index
        %get3A_982 = tpu.vector_load %arg8[%get3A_980, %get3A_981] {strides = array<i32>} : memref<3072x32xf32, #tpu.memory_space<vmem>>, vector<1x16xf32>,
        %get3A_983 = vector.shape_cast %get3A_982 : vector<1x16xf32> to vector<16xf32>
        %mul3A_984 = vector.broadcast %squeeze3A_977 : f32 to vector<16xf32>
        %mul3A_985 = arith.mulf %mul3A_984, %get3A_983 : vector<16xf32>
        %add3A_986 = arith.addf %add3A_966, %mul3A_985 : vector<16xf32>
        %add3A_987 = arith.constant 16 : i32
        %add3A_988 = arith.addi %mul3A_645, %add3A_987 : i32
        %get3A_989 = arith.index_cast %add3A_988 : i32 to index
        %get3A_990 = arith.constant 16 : index
        %get3A_991 = tpu.vector_load %arg8[%get3A_989, %get3A_990] {strides = array<i32>} : memref<3072x32xf32, #tpu.memory_space<vmem>>, vector<1x16xf32>,
        %get3A_992 = vector.shape_cast %get3A_991 : vector<1x16xf32> to vector<16xf32>
        %mul3A_993 = vector.broadcast %squeeze3A_977 : f32 to vector<16xf32>
        %mul3A_994 = arith.mulf %mul3A_993, %get3A_992 : vector<16xf32>
        %add3A_995 = arith.addf %add3A_975, %mul3A_994 : vector<16xf32>
        %slice3A_996 = vector.extract_strided_slice %get3A_654 {offsets = [9], sizes = [1], strides = [1]} : vector<16xf32> to vector<1xf32>
        %squeeze3A_997 = vector.extract %slice3A_996[0] : f32 from vector<1xf32>
        %add3A_998 = arith.constant 17 : i32
        %add3A_999 = arith.addi %mul3A_645, %add3A_998 : i32
        %get3A_1000 = arith.index_cast %add3A_999 : i32 to index
        %get3A_1001 = arith.constant 0 : index
        %get3A_1002 = tpu.vector_load %arg8[%get3A_1000, %get3A_1001] {strides = array<i32>} : memref<3072x32xf32, #tpu.memory_space<vmem>>, vector<1x16xf32>,
        %get3A_1003 = vector.shape_cast %get3A_1002 : vector<1x16xf32> to vector<16xf32>
        %mul3A_1004 = vector.broadcast %squeeze3A_997 : f32 to vector<16xf32>
        %mul3A_1005 = arith.mulf %mul3A_1004, %get3A_1003 : vector<16xf32>
        %add3A_1006 = arith.addf %add3A_986, %mul3A_1005 : vector<16xf32>
        %add3A_1007 = arith.constant 17 : i32
        %add3A_1008 = arith.addi %mul3A_645, %add3A_1007 : i32
        %get3A_1009 = arith.index_cast %add3A_1008 : i32 to index
        %get3A_1010 = arith.constant 16 : index
        %get3A_1011 = tpu.vector_load %arg8[%get3A_1009, %get3A_1010] {strides = array<i32>} : memref<3072x32xf32, #tpu.memory_space<vmem>>, vector<1x16xf32>,
        %get3A_1012 = vector.shape_cast %get3A_1011 : vector<1x16xf32> to vector<16xf32>
        %mul3A_1013 = vector.broadcast %squeeze3A_997 : f32 to vector<16xf32>
        %mul3A_1014 = arith.mulf %mul3A_1013, %get3A_1012 : vector<16xf32>
        %add3A_1015 = arith.addf %add3A_995, %mul3A_1014 : vector<16xf32>
        %slice3A_1016 = vector.extract_strided_slice %get3A_654 {offsets = [10], sizes = [1], strides = [1]} : vector<16xf32> to vector<1xf32>
        %squeeze3A_1017 = vector.extract %slice3A_1016[0] : f32 from vector<1xf32>
        %add3A_1018 = arith.constant 18 : i32
        %add3A_1019 = arith.addi %mul3A_645, %add3A_1018 : i32
        %get3A_1020 = arith.index_cast %add3A_1019 : i32 to index
        %get3A_1021 = arith.constant 0 : index
        %get3A_1022 = tpu.vector_load %arg8[%get3A_1020, %get3A_1021] {strides = array<i32>} : memref<3072x32xf32, #tpu.memory_space<vmem>>, vector<1x16xf32>,
        %get3A_1023 = vector.shape_cast %get3A_1022 : vector<1x16xf32> to vector<16xf32>
        %mul3A_1024 = vector.broadcast %squeeze3A_1017 : f32 to vector<16xf32>
        %mul3A_1025 = arith.mulf %mul3A_1024, %get3A_1023 : vector<16xf32>
        %add3A_1026 = arith.addf %add3A_1006, %mul3A_1025 : vector<16xf32>
        %add3A_1027 = arith.constant 18 : i32
        %add3A_1028 = arith.addi %mul3A_645, %add3A_1027 : i32
        %get3A_1029 = arith.index_cast %add3A_1028 : i32 to index
        %get3A_1030 = arith.constant 16 : index
        %get3A_1031 = tpu.vector_load %arg8[%get3A_1029, %get3A_1030] {strides = array<i32>} : memref<3072x32xf32, #tpu.memory_space<vmem>>, vector<1x16xf32>,
        %get3A_1032 = vector.shape_cast %get3A_1031 : vector<1x16xf32> to vector<16xf32>
        %mul3A_1033 = vector.broadcast %squeeze3A_1017 : f32 to vector<16xf32>
        %mul3A_1034 = arith.mulf %mul3A_1033, %get3A_1032 : vector<16xf32>
        %add3A_1035 = arith.addf %add3A_1015, %mul3A_1034 : vector<16xf32>
        %slice3A_1036 = vector.extract_strided_slice %get3A_654 {offsets = [11], sizes = [1], strides = [1]} : vector<16xf32> to vector<1xf32>
        %squeeze3A_1037 = vector.extract %slice3A_1036[0] : f32 from vector<1xf32>
        %add3A_1038 = arith.constant 19 : i32
        %add3A_1039 = arith.addi %mul3A_645, %add3A_1038 : i32
        %get3A_1040 = arith.index_cast %add3A_1039 : i32 to index
        %get3A_1041 = arith.constant 0 : index
        %get3A_1042 = tpu.vector_load %arg8[%get3A_1040, %get3A_1041] {strides = array<i32>} : memref<3072x32xf32, #tpu.memory_space<vmem>>, vector<1x16xf32>,
        %get3A_1043 = vector.shape_cast %get3A_1042 : vector<1x16xf32> to vector<16xf32>
        %mul3A_1044 = vector.broadcast %squeeze3A_1037 : f32 to vector<16xf32>
        %mul3A_1045 = arith.mulf %mul3A_1044, %get3A_1043 : vector<16xf32>
        %add3A_1046 = arith.addf %add3A_1026, %mul3A_1045 : vector<16xf32>
        %add3A_1047 = arith.constant 19 : i32
        %add3A_1048 = arith.addi %mul3A_645, %add3A_1047 : i32
        %get3A_1049 = arith.index_cast %add3A_1048 : i32 to index
        %get3A_1050 = arith.constant 16 : index
        %get3A_1051 = tpu.vector_load %arg8[%get3A_1049, %get3A_1050] {strides = array<i32>} : memref<3072x32xf32, #tpu.memory_space<vmem>>, vector<1x16xf32>,
        %get3A_1052 = vector.shape_cast %get3A_1051 : vector<1x16xf32> to vector<16xf32>
        %mul3A_1053 = vector.broadcast %squeeze3A_1037 : f32 to vector<16xf32>
        %mul3A_1054 = arith.mulf %mul3A_1053, %get3A_1052 : vector<16xf32>
        %add3A_1055 = arith.addf %add3A_1035, %mul3A_1054 : vector<16xf32>
        %slice3A_1056 = vector.extract_strided_slice %get3A_654 {offsets = [12], sizes = [1], strides = [1]} : vector<16xf32> to vector<1xf32>
        %squeeze3A_1057 = vector.extract %slice3A_1056[0] : f32 from vector<1xf32>
        %add3A_1058 = arith.constant 20 : i32
        %add3A_1059 = arith.addi %mul3A_645, %add3A_1058 : i32
        %get3A_1060 = arith.index_cast %add3A_1059 : i32 to index
        %get3A_1061 = arith.constant 0 : index
        %get3A_1062 = tpu.vector_load %arg8[%get3A_1060, %get3A_1061] {strides = array<i32>} : memref<3072x32xf32, #tpu.memory_space<vmem>>, vector<1x16xf32>,
        %get3A_1063 = vector.shape_cast %get3A_1062 : vector<1x16xf32> to vector<16xf32>
        %mul3A_1064 = vector.broadcast %squeeze3A_1057 : f32 to vector<16xf32>
        %mul3A_1065 = arith.mulf %mul3A_1064, %get3A_1063 : vector<16xf32>
        %add3A_1066 = arith.addf %add3A_1046, %mul3A_1065 : vector<16xf32>
        %add3A_1067 = arith.constant 20 : i32
        %add3A_1068 = arith.addi %mul3A_645, %add3A_1067 : i32
        %get3A_1069 = arith.index_cast %add3A_1068 : i32 to index
        %get3A_1070 = arith.constant 16 : index
        %get3A_1071 = tpu.vector_load %arg8[%get3A_1069, %get3A_1070] {strides = array<i32>} : memref<3072x32xf32, #tpu.memory_space<vmem>>, vector<1x16xf32>,
        %get3A_1072 = vector.shape_cast %get3A_1071 : vector<1x16xf32> to vector<16xf32>
        %mul3A_1073 = vector.broadcast %squeeze3A_1057 : f32 to vector<16xf32>
        %mul3A_1074 = arith.mulf %mul3A_1073, %get3A_1072 : vector<16xf32>
        %add3A_1075 = arith.addf %add3A_1055, %mul3A_1074 : vector<16xf32>
        %slice3A_1076 = vector.extract_strided_slice %get3A_654 {offsets = [13], sizes = [1], strides = [1]} : vector<16xf32> to vector<1xf32>
        %squeeze3A_1077 = vector.extract %slice3A_1076[0] : f32 from vector<1xf32>
        %add3A_1078 = arith.constant 21 : i32
        %add3A_1079 = arith.addi %mul3A_645, %add3A_1078 : i32
        %get3A_1080 = arith.index_cast %add3A_1079 : i32 to index
        %get3A_1081 = arith.constant 0 : index
        %get3A_1082 = tpu.vector_load %arg8[%get3A_1080, %get3A_1081] {strides = array<i32>} : memref<3072x32xf32, #tpu.memory_space<vmem>>, vector<1x16xf32>,
        %get3A_1083 = vector.shape_cast %get3A_1082 : vector<1x16xf32> to vector<16xf32>
        %mul3A_1084 = vector.broadcast %squeeze3A_1077 : f32 to vector<16xf32>
        %mul3A_1085 = arith.mulf %mul3A_1084, %get3A_1083 : vector<16xf32>
        %add3A_1086 = arith.addf %add3A_1066, %mul3A_1085 : vector<16xf32>
        %add3A_1087 = arith.constant 21 : i32
        %add3A_1088 = arith.addi %mul3A_645, %add3A_1087 : i32
        %get3A_1089 = arith.index_cast %add3A_1088 : i32 to index
        %get3A_1090 = arith.constant 16 : index
        %get3A_1091 = tpu.vector_load %arg8[%get3A_1089, %get3A_1090] {strides = array<i32>} : memref<3072x32xf32, #tpu.memory_space<vmem>>, vector<1x16xf32>,
        %get3A_1092 = vector.shape_cast %get3A_1091 : vector<1x16xf32> to vector<16xf32>
        %mul3A_1093 = vector.broadcast %squeeze3A_1077 : f32 to vector<16xf32>
        %mul3A_1094 = arith.mulf %mul3A_1093, %get3A_1092 : vector<16xf32>
        %add3A_1095 = arith.addf %add3A_1075, %mul3A_1094 : vector<16xf32>
        %slice3A_1096 = vector.extract_strided_slice %get3A_654 {offsets = [14], sizes = [1], strides = [1]} : vector<16xf32> to vector<1xf32>
        %squeeze3A_1097 = vector.extract %slice3A_1096[0] : f32 from vector<1xf32>
        %add3A_1098 = arith.constant 22 : i32
        %add3A_1099 = arith.addi %mul3A_645, %add3A_1098 : i32
        %get3A_1100 = arith.index_cast %add3A_1099 : i32 to index
        %get3A_1101 = arith.constant 0 : index
        %get3A_1102 = tpu.vector_load %arg8[%get3A_1100, %get3A_1101] {strides = array<i32>} : memref<3072x32xf32, #tpu.memory_space<vmem>>, vector<1x16xf32>,
        %get3A_1103 = vector.shape_cast %get3A_1102 : vector<1x16xf32> to vector<16xf32>
        %mul3A_1104 = vector.broadcast %squeeze3A_1097 : f32 to vector<16xf32>
        %mul3A_1105 = arith.mulf %mul3A_1104, %get3A_1103 : vector<16xf32>
        %add3A_1106 = arith.addf %add3A_1086, %mul3A_1105 : vector<16xf32>
        %add3A_1107 = arith.constant 22 : i32
        %add3A_1108 = arith.addi %mul3A_645, %add3A_1107 : i32
        %get3A_1109 = arith.index_cast %add3A_1108 : i32 to index
        %get3A_1110 = arith.constant 16 : index
        %get3A_1111 = tpu.vector_load %arg8[%get3A_1109, %get3A_1110] {strides = array<i32>} : memref<3072x32xf32, #tpu.memory_space<vmem>>, vector<1x16xf32>,
        %get3A_1112 = vector.shape_cast %get3A_1111 : vector<1x16xf32> to vector<16xf32>
        %mul3A_1113 = vector.broadcast %squeeze3A_1097 : f32 to vector<16xf32>
        %mul3A_1114 = arith.mulf %mul3A_1113, %get3A_1112 : vector<16xf32>
        %add3A_1115 = arith.addf %add3A_1095, %mul3A_1114 : vector<16xf32>
        %slice3A_1116 = vector.extract_strided_slice %get3A_654 {offsets = [15], sizes = [1], strides = [1]} : vector<16xf32> to vector<1xf32>
        %squeeze3A_1117 = vector.extract %slice3A_1116[0] : f32 from vector<1xf32>
        %add3A_1118 = arith.constant 23 : i32
        %add3A_1119 = arith.addi %mul3A_645, %add3A_1118 : i32
        %get3A_1120 = arith.index_cast %add3A_1119 : i32 to index
        %get3A_1121 = arith.constant 0 : index
        %get3A_1122 = tpu.vector_load %arg8[%get3A_1120, %get3A_1121] {strides = array<i32>} : memref<3072x32xf32, #tpu.memory_space<vmem>>, vector<1x16xf32>,
        %get3A_1123 = vector.shape_cast %get3A_1122 : vector<1x16xf32> to vector<16xf32>
        %mul3A_1124 = vector.broadcast %squeeze3A_1117 : f32 to vector<16xf32>
        %mul3A_1125 = arith.mulf %mul3A_1124, %get3A_1123 : vector<16xf32>
        %add3A_1126 = arith.addf %add3A_1106, %mul3A_1125 : vector<16xf32>
        %add3A_1127 = arith.constant 23 : i32
        %add3A_1128 = arith.addi %mul3A_645, %add3A_1127 : i32
        %get3A_1129 = arith.index_cast %add3A_1128 : i32 to index
        %get3A_1130 = arith.constant 16 : index
        %get3A_1131 = tpu.vector_load %arg8[%get3A_1129, %get3A_1130] {strides = array<i32>} : memref<3072x32xf32, #tpu.memory_space<vmem>>, vector<1x16xf32>,
        %get3A_1132 = vector.shape_cast %get3A_1131 : vector<1x16xf32> to vector<16xf32>
        %mul3A_1133 = vector.broadcast %squeeze3A_1117 : f32 to vector<16xf32>
        %mul3A_1134 = arith.mulf %mul3A_1133, %get3A_1132 : vector<16xf32>
        %add3A_1135 = arith.addf %add3A_1115, %mul3A_1134 : vector<16xf32>
        %swap3A = arith.index_cast %scan3A_642 : i32 to index
        %swap3A_1136 = arith.constant 0 : index
        %swap3A_1137 = tpu.vector_load %arg9[%swap3A, %swap3A_1136] {strides = array<i32>} : memref<128x32xf32, #tpu.memory_space<vmem>>, vector<1x16xf32>,
        %swap3A_1138 = vector.shape_cast %swap3A_1137 : vector<1x16xf32> to vector<16xf32>
        %swap3A_1139 = vector.shape_cast %add3A_1126 : vector<16xf32> to vector<1x16xf32>
        tpu.vector_store %arg9[%swap3A, %swap3A_1136], %swap3A_1139 {strides = array<i32>} : memref<128x32xf32, #tpu.memory_space<vmem>>, vector<1x16xf32>,
        %swap3A_1140 = arith.index_cast %scan3A_642 : i32 to index
        %swap3A_1141 = arith.constant 16 : index
        %swap3A_1142 = tpu.vector_load %arg9[%swap3A_1140, %swap3A_1141] {strides = array<i32>} : memref<128x32xf32, #tpu.memory_space<vmem>>, vector<1x16xf32>,
        %swap3A_1143 = vector.shape_cast %swap3A_1142 : vector<1x16xf32> to vector<16xf32>
        %swap3A_1144 = vector.shape_cast %add3A_1135 : vector<16xf32> to vector<1x16xf32>
        tpu.vector_store %arg9[%swap3A_1140, %swap3A_1141], %swap3A_1144 {strides = array<i32>} : memref<128x32xf32, #tpu.memory_space<vmem>>, vector<1x16xf32>,
        %scan3A_1145 = arith.constant 0 : i32
        scf.yield %scan3A_1145 : i32
      }
      %scan3A_492 = arith.constant 64 : i32
      %add3A_493 = arith.constant 1 : i32
      %add3A_494 = arith.addi %scan3A_351, %add3A_493 : i32
      %lt3A_495 = arith.constant 11 : i32
      %lt3A_496 = arith.cmpi slt, %add3A_494, %lt3A_495 : i32
      %convert_element_type3A_497 = arith.extui %lt3A_496 : i1 to i32
      %cond3A_498 = arith.constant 0 : i32
      %cond3A_499 = arith.cmpi ne, %convert_element_type3A_497, %cond3A_498 : i32
      scf.if %cond3A_499 {
        %dma_start3A_642 = arith.constant 0 : i32
        %dma_start3A_643 = arith.constant 0 : i32
        %dma_start3A_644 = arith.constant 0 : i32
        %dma_start3A_645 = tpu.memref_slice %arg8[%dma_start3A_643, %dma_start3A_644] : memref<3072x32xf32, #tpu.memory_space<vmem>> -> memref<128x32xf32, #tpu.memory_space<vmem>>
        %dma_start3A_646 = arith.constant 0 : i32
        %dma_start3A_647 = tpu.memref_slice %arg6[%sub3A_356, %dma_start3A_642, %dma_start3A_646] : memref<2x24x128xi32, #tpu.memory_space<vmem>> -> memref<1x1x128xi32, #tpu.memory_space<vmem>>
        %dma_start3A_648 = tpu.memref_squeeze %dma_start3A_647 : memref<1x1x128xi32, #tpu.memory_space<vmem>> -> memref<128xi32, #tpu.memory_space<vmem>>
        %dma_start3A_649 = arith.constant 0 : i32
        %dma_start3A_650 = arith.constant 0 : i32
        %dma_start3A_651 = tpu.memref_slice %arg2[%dma_start3A_649, %dma_start3A_650] : memref<160000x32xf32, #tpu.memory_space<hbm>> -> memref<160000x32xf32, #tpu.memory_space<hbm>>
        tpu.enqueue_indirect_dma source(%dma_start3A_651 : memref<160000x32xf32, #tpu.memory_space<hbm>>) target(%dma_start3A_645 : memref<128x32xf32, #tpu.memory_space<vmem>>) offsets(%dma_start3A_648 : memref<128xi32, #tpu.memory_space<vmem>>) semaphore(%arg10 : memref<!tpu.dma_semaphore, #tpu.memory_space<semaphore_mem>>)
        %dma_start3A_652 = arith.constant 1 : i32
        %dma_start3A_653 = arith.constant 128 : i32
        %dma_start3A_654 = arith.constant 0 : i32
        %dma_start3A_655 = tpu.memref_slice %arg8[%dma_start3A_653, %dma_start3A_654] : memref<3072x32xf32, #tpu.memory_space<vmem>> -> memref<128x32xf32, #tpu.memory_space<vmem>>
        %dma_start3A_656 = arith.constant 0 : i32
        %dma_start3A_657 = tpu.memref_slice %arg6[%sub3A_356, %dma_start3A_652, %dma_start3A_656] : memref<2x24x128xi32, #tpu.memory_space<vmem>> -> memref<1x1x128xi32, #tpu.memory_space<vmem>>
        %dma_start3A_658 = tpu.memref_squeeze %dma_start3A_657 : memref<1x1x128xi32, #tpu.memory_space<vmem>> -> memref<128xi32, #tpu.memory_space<vmem>>
        %dma_start3A_659 = arith.constant 0 : i32
        %dma_start3A_660 = arith.constant 0 : i32
        %dma_start3A_661 = tpu.memref_slice %arg2[%dma_start3A_659, %dma_start3A_660] : memref<160000x32xf32, #tpu.memory_space<hbm>> -> memref<160000x32xf32, #tpu.memory_space<hbm>>
        tpu.enqueue_indirect_dma source(%dma_start3A_661 : memref<160000x32xf32, #tpu.memory_space<hbm>>) target(%dma_start3A_655 : memref<128x32xf32, #tpu.memory_space<vmem>>) offsets(%dma_start3A_658 : memref<128xi32, #tpu.memory_space<vmem>>) semaphore(%arg10 : memref<!tpu.dma_semaphore, #tpu.memory_space<semaphore_mem>>)
        %dma_start3A_662 = arith.constant 2 : i32
        %dma_start3A_663 = arith.constant 256 : i32
        %dma_start3A_664 = arith.constant 0 : i32
        %dma_start3A_665 = tpu.memref_slice %arg8[%dma_start3A_663, %dma_start3A_664] : memref<3072x32xf32, #tpu.memory_space<vmem>> -> memref<128x32xf32, #tpu.memory_space<vmem>>
        %dma_start3A_666 = arith.constant 0 : i32
        %dma_start3A_667 = tpu.memref_slice %arg6[%sub3A_356, %dma_start3A_662, %dma_start3A_666] : memref<2x24x128xi32, #tpu.memory_space<vmem>> -> memref<1x1x128xi32, #tpu.memory_space<vmem>>
        %dma_start3A_668 = tpu.memref_squeeze %dma_start3A_667 : memref<1x1x128xi32, #tpu.memory_space<vmem>> -> memref<128xi32, #tpu.memory_space<vmem>>
        %dma_start3A_669 = arith.constant 0 : i32
        %dma_start3A_670 = arith.constant 0 : i32
        %dma_start3A_671 = tpu.memref_slice %arg2[%dma_start3A_669, %dma_start3A_670] : memref<160000x32xf32, #tpu.memory_space<hbm>> -> memref<160000x32xf32, #tpu.memory_space<hbm>>
        tpu.enqueue_indirect_dma source(%dma_start3A_671 : memref<160000x32xf32, #tpu.memory_space<hbm>>) target(%dma_start3A_665 : memref<128x32xf32, #tpu.memory_space<vmem>>) offsets(%dma_start3A_668 : memref<128xi32, #tpu.memory_space<vmem>>) semaphore(%arg10 : memref<!tpu.dma_semaphore, #tpu.memory_space<semaphore_mem>>)
        %dma_start3A_672 = arith.constant 3 : i32
        %dma_start3A_673 = arith.constant 384 : i32
        %dma_start3A_674 = arith.constant 0 : i32
        %dma_start3A_675 = tpu.memref_slice %arg8[%dma_start3A_673, %dma_start3A_674] : memref<3072x32xf32, #tpu.memory_space<vmem>> -> memref<128x32xf32, #tpu.memory_space<vmem>>
        %dma_start3A_676 = arith.constant 0 : i32
        %dma_start3A_677 = tpu.memref_slice %arg6[%sub3A_356, %dma_start3A_672, %dma_start3A_676] : memref<2x24x128xi32, #tpu.memory_space<vmem>> -> memref<1x1x128xi32, #tpu.memory_space<vmem>>
        %dma_start3A_678 = tpu.memref_squeeze %dma_start3A_677 : memref<1x1x128xi32, #tpu.memory_space<vmem>> -> memref<128xi32, #tpu.memory_space<vmem>>
        %dma_start3A_679 = arith.constant 0 : i32
        %dma_start3A_680 = arith.constant 0 : i32
        %dma_start3A_681 = tpu.memref_slice %arg2[%dma_start3A_679, %dma_start3A_680] : memref<160000x32xf32, #tpu.memory_space<hbm>> -> memref<160000x32xf32, #tpu.memory_space<hbm>>
        tpu.enqueue_indirect_dma source(%dma_start3A_681 : memref<160000x32xf32, #tpu.memory_space<hbm>>) target(%dma_start3A_675 : memref<128x32xf32, #tpu.memory_space<vmem>>) offsets(%dma_start3A_678 : memref<128xi32, #tpu.memory_space<vmem>>) semaphore(%arg10 : memref<!tpu.dma_semaphore, #tpu.memory_space<semaphore_mem>>)
        %dma_start3A_682 = arith.constant 4 : i32
        %dma_start3A_683 = arith.constant 512 : i32
        %dma_start3A_684 = arith.constant 0 : i32
        %dma_start3A_685 = tpu.memref_slice %arg8[%dma_start3A_683, %dma_start3A_684] : memref<3072x32xf32, #tpu.memory_space<vmem>> -> memref<128x32xf32, #tpu.memory_space<vmem>>
        %dma_start3A_686 = arith.constant 0 : i32
        %dma_start3A_687 = tpu.memref_slice %arg6[%sub3A_356, %dma_start3A_682, %dma_start3A_686] : memref<2x24x128xi32, #tpu.memory_space<vmem>> -> memref<1x1x128xi32, #tpu.memory_space<vmem>>
        %dma_start3A_688 = tpu.memref_squeeze %dma_start3A_687 : memref<1x1x128xi32, #tpu.memory_space<vmem>> -> memref<128xi32, #tpu.memory_space<vmem>>
        %dma_start3A_689 = arith.constant 0 : i32
        %dma_start3A_690 = arith.constant 0 : i32
        %dma_start3A_691 = tpu.memref_slice %arg2[%dma_start3A_689, %dma_start3A_690] : memref<160000x32xf32, #tpu.memory_space<hbm>> -> memref<160000x32xf32, #tpu.memory_space<hbm>>
        tpu.enqueue_indirect_dma source(%dma_start3A_691 : memref<160000x32xf32, #tpu.memory_space<hbm>>) target(%dma_start3A_685 : memref<128x32xf32, #tpu.memory_space<vmem>>) offsets(%dma_start3A_688 : memref<128xi32, #tpu.memory_space<vmem>>) semaphore(%arg10 : memref<!tpu.dma_semaphore, #tpu.memory_space<semaphore_mem>>)
        %dma_start3A_692 = arith.constant 5 : i32
        %dma_start3A_693 = arith.constant 640 : i32
        %dma_start3A_694 = arith.constant 0 : i32
        %dma_start3A_695 = tpu.memref_slice %arg8[%dma_start3A_693, %dma_start3A_694] : memref<3072x32xf32, #tpu.memory_space<vmem>> -> memref<128x32xf32, #tpu.memory_space<vmem>>
        %dma_start3A_696 = arith.constant 0 : i32
        %dma_start3A_697 = tpu.memref_slice %arg6[%sub3A_356, %dma_start3A_692, %dma_start3A_696] : memref<2x24x128xi32, #tpu.memory_space<vmem>> -> memref<1x1x128xi32, #tpu.memory_space<vmem>>
        %dma_start3A_698 = tpu.memref_squeeze %dma_start3A_697 : memref<1x1x128xi32, #tpu.memory_space<vmem>> -> memref<128xi32, #tpu.memory_space<vmem>>
        %dma_start3A_699 = arith.constant 0 : i32
        %dma_start3A_700 = arith.constant 0 : i32
        %dma_start3A_701 = tpu.memref_slice %arg2[%dma_start3A_699, %dma_start3A_700] : memref<160000x32xf32, #tpu.memory_space<hbm>> -> memref<160000x32xf32, #tpu.memory_space<hbm>>
        tpu.enqueue_indirect_dma source(%dma_start3A_701 : memref<160000x32xf32, #tpu.memory_space<hbm>>) target(%dma_start3A_695 : memref<128x32xf32, #tpu.memory_space<vmem>>) offsets(%dma_start3A_698 : memref<128xi32, #tpu.memory_space<vmem>>) semaphore(%arg10 : memref<!tpu.dma_semaphore, #tpu.memory_space<semaphore_mem>>)
        %dma_start3A_702 = arith.constant 6 : i32
        %dma_start3A_703 = arith.constant 768 : i32
        %dma_start3A_704 = arith.constant 0 : i32
        %dma_start3A_705 = tpu.memref_slice %arg8[%dma_start3A_703, %dma_start3A_704] : memref<3072x32xf32, #tpu.memory_space<vmem>> -> memref<128x32xf32, #tpu.memory_space<vmem>>
        %dma_start3A_706 = arith.constant 0 : i32
        %dma_start3A_707 = tpu.memref_slice %arg6[%sub3A_356, %dma_start3A_702, %dma_start3A_706] : memref<2x24x128xi32, #tpu.memory_space<vmem>> -> memref<1x1x128xi32, #tpu.memory_space<vmem>>
        %dma_start3A_708 = tpu.memref_squeeze %dma_start3A_707 : memref<1x1x128xi32, #tpu.memory_space<vmem>> -> memref<128xi32, #tpu.memory_space<vmem>>
        %dma_start3A_709 = arith.constant 0 : i32
        %dma_start3A_710 = arith.constant 0 : i32
        %dma_start3A_711 = tpu.memref_slice %arg2[%dma_start3A_709, %dma_start3A_710] : memref<160000x32xf32, #tpu.memory_space<hbm>> -> memref<160000x32xf32, #tpu.memory_space<hbm>>
        tpu.enqueue_indirect_dma source(%dma_start3A_711 : memref<160000x32xf32, #tpu.memory_space<hbm>>) target(%dma_start3A_705 : memref<128x32xf32, #tpu.memory_space<vmem>>) offsets(%dma_start3A_708 : memref<128xi32, #tpu.memory_space<vmem>>) semaphore(%arg10 : memref<!tpu.dma_semaphore, #tpu.memory_space<semaphore_mem>>)
        %dma_start3A_712 = arith.constant 7 : i32
        %dma_start3A_713 = arith.constant 896 : i32
        %dma_start3A_714 = arith.constant 0 : i32
        %dma_start3A_715 = tpu.memref_slice %arg8[%dma_start3A_713, %dma_start3A_714] : memref<3072x32xf32, #tpu.memory_space<vmem>> -> memref<128x32xf32, #tpu.memory_space<vmem>>
        %dma_start3A_716 = arith.constant 0 : i32
        %dma_start3A_717 = tpu.memref_slice %arg6[%sub3A_356, %dma_start3A_712, %dma_start3A_716] : memref<2x24x128xi32, #tpu.memory_space<vmem>> -> memref<1x1x128xi32, #tpu.memory_space<vmem>>
        %dma_start3A_718 = tpu.memref_squeeze %dma_start3A_717 : memref<1x1x128xi32, #tpu.memory_space<vmem>> -> memref<128xi32, #tpu.memory_space<vmem>>
        %dma_start3A_719 = arith.constant 0 : i32
        %dma_start3A_720 = arith.constant 0 : i32
        %dma_start3A_721 = tpu.memref_slice %arg2[%dma_start3A_719, %dma_start3A_720] : memref<160000x32xf32, #tpu.memory_space<hbm>> -> memref<160000x32xf32, #tpu.memory_space<hbm>>
        tpu.enqueue_indirect_dma source(%dma_start3A_721 : memref<160000x32xf32, #tpu.memory_space<hbm>>) target(%dma_start3A_715 : memref<128x32xf32, #tpu.memory_space<vmem>>) offsets(%dma_start3A_718 : memref<128xi32, #tpu.memory_space<vmem>>) semaphore(%arg10 : memref<!tpu.dma_semaphore, #tpu.memory_space<semaphore_mem>>)
        %dma_start3A_722 = arith.constant 8 : i32
        %dma_start3A_723 = arith.constant 1024 : i32
        %dma_start3A_724 = arith.constant 0 : i32
        %dma_start3A_725 = tpu.memref_slice %arg8[%dma_start3A_723, %dma_start3A_724] : memref<3072x32xf32, #tpu.memory_space<vmem>> -> memref<128x32xf32, #tpu.memory_space<vmem>>
        %dma_start3A_726 = arith.constant 0 : i32
        %dma_start3A_727 = tpu.memref_slice %arg6[%sub3A_356, %dma_start3A_722, %dma_start3A_726] : memref<2x24x128xi32, #tpu.memory_space<vmem>> -> memref<1x1x128xi32, #tpu.memory_space<vmem>>
        %dma_start3A_728 = tpu.memref_squeeze %dma_start3A_727 : memref<1x1x128xi32, #tpu.memory_space<vmem>> -> memref<128xi32, #tpu.memory_space<vmem>>
        %dma_start3A_729 = arith.constant 0 : i32
        %dma_start3A_730 = arith.constant 0 : i32
        %dma_start3A_731 = tpu.memref_slice %arg2[%dma_start3A_729, %dma_start3A_730] : memref<160000x32xf32, #tpu.memory_space<hbm>> -> memref<160000x32xf32, #tpu.memory_space<hbm>>
        tpu.enqueue_indirect_dma source(%dma_start3A_731 : memref<160000x32xf32, #tpu.memory_space<hbm>>) target(%dma_start3A_725 : memref<128x32xf32, #tpu.memory_space<vmem>>) offsets(%dma_start3A_728 : memref<128xi32, #tpu.memory_space<vmem>>) semaphore(%arg10 : memref<!tpu.dma_semaphore, #tpu.memory_space<semaphore_mem>>)
        %dma_start3A_732 = arith.constant 9 : i32
        %dma_start3A_733 = arith.constant 1152 : i32
        %dma_start3A_734 = arith.constant 0 : i32
        %dma_start3A_735 = tpu.memref_slice %arg8[%dma_start3A_733, %dma_start3A_734] : memref<3072x32xf32, #tpu.memory_space<vmem>> -> memref<128x32xf32, #tpu.memory_space<vmem>>
        %dma_start3A_736 = arith.constant 0 : i32
        %dma_start3A_737 = tpu.memref_slice %arg6[%sub3A_356, %dma_start3A_732, %dma_start3A_736] : memref<2x24x128xi32, #tpu.memory_space<vmem>> -> memref<1x1x128xi32, #tpu.memory_space<vmem>>
        %dma_start3A_738 = tpu.memref_squeeze %dma_start3A_737 : memref<1x1x128xi32, #tpu.memory_space<vmem>> -> memref<128xi32, #tpu.memory_space<vmem>>
        %dma_start3A_739 = arith.constant 0 : i32
        %dma_start3A_740 = arith.constant 0 : i32
        %dma_start3A_741 = tpu.memref_slice %arg2[%dma_start3A_739, %dma_start3A_740] : memref<160000x32xf32, #tpu.memory_space<hbm>> -> memref<160000x32xf32, #tpu.memory_space<hbm>>
        tpu.enqueue_indirect_dma source(%dma_start3A_741 : memref<160000x32xf32, #tpu.memory_space<hbm>>) target(%dma_start3A_735 : memref<128x32xf32, #tpu.memory_space<vmem>>) offsets(%dma_start3A_738 : memref<128xi32, #tpu.memory_space<vmem>>) semaphore(%arg10 : memref<!tpu.dma_semaphore, #tpu.memory_space<semaphore_mem>>)
        %dma_start3A_742 = arith.constant 10 : i32
        %dma_start3A_743 = arith.constant 1280 : i32
        %dma_start3A_744 = arith.constant 0 : i32
        %dma_start3A_745 = tpu.memref_slice %arg8[%dma_start3A_743, %dma_start3A_744] : memref<3072x32xf32, #tpu.memory_space<vmem>> -> memref<128x32xf32, #tpu.memory_space<vmem>>
        %dma_start3A_746 = arith.constant 0 : i32
        %dma_start3A_747 = tpu.memref_slice %arg6[%sub3A_356, %dma_start3A_742, %dma_start3A_746] : memref<2x24x128xi32, #tpu.memory_space<vmem>> -> memref<1x1x128xi32, #tpu.memory_space<vmem>>
        %dma_start3A_748 = tpu.memref_squeeze %dma_start3A_747 : memref<1x1x128xi32, #tpu.memory_space<vmem>> -> memref<128xi32, #tpu.memory_space<vmem>>
        %dma_start3A_749 = arith.constant 0 : i32
        %dma_start3A_750 = arith.constant 0 : i32
        %dma_start3A_751 = tpu.memref_slice %arg2[%dma_start3A_749, %dma_start3A_750] : memref<160000x32xf32, #tpu.memory_space<hbm>> -> memref<160000x32xf32, #tpu.memory_space<hbm>>
        tpu.enqueue_indirect_dma source(%dma_start3A_751 : memref<160000x32xf32, #tpu.memory_space<hbm>>) target(%dma_start3A_745 : memref<128x32xf32, #tpu.memory_space<vmem>>) offsets(%dma_start3A_748 : memref<128xi32, #tpu.memory_space<vmem>>) semaphore(%arg10 : memref<!tpu.dma_semaphore, #tpu.memory_space<semaphore_mem>>)
        %dma_start3A_752 = arith.constant 11 : i32
        %dma_start3A_753 = arith.constant 1408 : i32
        %dma_start3A_754 = arith.constant 0 : i32
        %dma_start3A_755 = tpu.memref_slice %arg8[%dma_start3A_753, %dma_start3A_754] : memref<3072x32xf32, #tpu.memory_space<vmem>> -> memref<128x32xf32, #tpu.memory_space<vmem>>
        %dma_start3A_756 = arith.constant 0 : i32
        %dma_start3A_757 = tpu.memref_slice %arg6[%sub3A_356, %dma_start3A_752, %dma_start3A_756] : memref<2x24x128xi32, #tpu.memory_space<vmem>> -> memref<1x1x128xi32, #tpu.memory_space<vmem>>
        %dma_start3A_758 = tpu.memref_squeeze %dma_start3A_757 : memref<1x1x128xi32, #tpu.memory_space<vmem>> -> memref<128xi32, #tpu.memory_space<vmem>>
        %dma_start3A_759 = arith.constant 0 : i32
        %dma_start3A_760 = arith.constant 0 : i32
        %dma_start3A_761 = tpu.memref_slice %arg2[%dma_start3A_759, %dma_start3A_760] : memref<160000x32xf32, #tpu.memory_space<hbm>> -> memref<160000x32xf32, #tpu.memory_space<hbm>>
        tpu.enqueue_indirect_dma source(%dma_start3A_761 : memref<160000x32xf32, #tpu.memory_space<hbm>>) target(%dma_start3A_755 : memref<128x32xf32, #tpu.memory_space<vmem>>) offsets(%dma_start3A_758 : memref<128xi32, #tpu.memory_space<vmem>>) semaphore(%arg10 : memref<!tpu.dma_semaphore, #tpu.memory_space<semaphore_mem>>)
      } else {
      }
      %dma_wait3A_500 = arith.constant 12 : i32
      %dma_wait3A_501 = arith.constant 1536 : i32
      %dma_wait3A_502 = arith.constant 0 : i32
      %dma_wait3A_503 = tpu.memref_slice %arg8[%dma_wait3A_501, %dma_wait3A_502] : memref<3072x32xf32, #tpu.memory_space<vmem>> -> memref<128x32xf32, #tpu.memory_space<vmem>>
      %dma_wait3A_504 = arith.constant 0 : i32
      %dma_wait3A_505 = tpu.memref_slice %arg6[%and3A_354, %dma_wait3A_500, %dma_wait3A_504] : memref<2x24x128xi32, #tpu.memory_space<vmem>> -> memref<1x1x128xi32, #tpu.memory_space<vmem>>
      %dma_wait3A_506 = tpu.memref_squeeze %dma_wait3A_505 : memref<1x1x128xi32, #tpu.memory_space<vmem>> -> memref<128xi32, #tpu.memory_space<vmem>>
      %dma_wait3A_507 = arith.constant 0 : i32
      %dma_wait3A_508 = arith.constant 0 : i32
      %dma_wait3A_509 = tpu.memref_slice %arg2[%dma_wait3A_507, %dma_wait3A_508] : memref<160000x32xf32, #tpu.memory_space<hbm>> -> memref<160000x32xf32, #tpu.memory_space<hbm>>
      tpu.wait_indirect_dma semaphore(%arg11 : memref<!tpu.dma_semaphore, #tpu.memory_space<semaphore_mem>>) src(%dma_wait3A_509 : memref<160000x32xf32, #tpu.memory_space<hbm>>) dst(%dma_wait3A_503 : memref<128x32xf32, #tpu.memory_space<vmem>>)
      %dma_wait3A_510 = arith.constant 13 : i32
      %dma_wait3A_511 = arith.constant 1664 : i32
      %dma_wait3A_512 = arith.constant 0 : i32
      %dma_wait3A_513 = tpu.memref_slice %arg8[%dma_wait3A_511, %dma_wait3A_512] : memref<3072x32xf32, #tpu.memory_space<vmem>> -> memref<128x32xf32, #tpu.memory_space<vmem>>
      %dma_wait3A_514 = arith.constant 0 : i32
      %dma_wait3A_515 = tpu.memref_slice %arg6[%and3A_354, %dma_wait3A_510, %dma_wait3A_514] : memref<2x24x128xi32, #tpu.memory_space<vmem>> -> memref<1x1x128xi32, #tpu.memory_space<vmem>>
      %dma_wait3A_516 = tpu.memref_squeeze %dma_wait3A_515 : memref<1x1x128xi32, #tpu.memory_space<vmem>> -> memref<128xi32, #tpu.memory_space<vmem>>
      %dma_wait3A_517 = arith.constant 0 : i32
      %dma_wait3A_518 = arith.constant 0 : i32
      %dma_wait3A_519 = tpu.memref_slice %arg2[%dma_wait3A_517, %dma_wait3A_518] : memref<160000x32xf32, #tpu.memory_space<hbm>> -> memref<160000x32xf32, #tpu.memory_space<hbm>>
      tpu.wait_indirect_dma semaphore(%arg11 : memref<!tpu.dma_semaphore, #tpu.memory_space<semaphore_mem>>) src(%dma_wait3A_519 : memref<160000x32xf32, #tpu.memory_space<hbm>>) dst(%dma_wait3A_513 : memref<128x32xf32, #tpu.memory_space<vmem>>)
      %dma_wait3A_520 = arith.constant 14 : i32
      %dma_wait3A_521 = arith.constant 1792 : i32
      %dma_wait3A_522 = arith.constant 0 : i32
      %dma_wait3A_523 = tpu.memref_slice %arg8[%dma_wait3A_521, %dma_wait3A_522] : memref<3072x32xf32, #tpu.memory_space<vmem>> -> memref<128x32xf32, #tpu.memory_space<vmem>>
      %dma_wait3A_524 = arith.constant 0 : i32
      %dma_wait3A_525 = tpu.memref_slice %arg6[%and3A_354, %dma_wait3A_520, %dma_wait3A_524] : memref<2x24x128xi32, #tpu.memory_space<vmem>> -> memref<1x1x128xi32, #tpu.memory_space<vmem>>
      %dma_wait3A_526 = tpu.memref_squeeze %dma_wait3A_525 : memref<1x1x128xi32, #tpu.memory_space<vmem>> -> memref<128xi32, #tpu.memory_space<vmem>>
      %dma_wait3A_527 = arith.constant 0 : i32
      %dma_wait3A_528 = arith.constant 0 : i32
      %dma_wait3A_529 = tpu.memref_slice %arg2[%dma_wait3A_527, %dma_wait3A_528] : memref<160000x32xf32, #tpu.memory_space<hbm>> -> memref<160000x32xf32, #tpu.memory_space<hbm>>
      tpu.wait_indirect_dma semaphore(%arg11 : memref<!tpu.dma_semaphore, #tpu.memory_space<semaphore_mem>>) src(%dma_wait3A_529 : memref<160000x32xf32, #tpu.memory_space<hbm>>) dst(%dma_wait3A_523 : memref<128x32xf32, #tpu.memory_space<vmem>>)
      %dma_wait3A_530 = arith.constant 15 : i32
      %dma_wait3A_531 = arith.constant 1920 : i32
      %dma_wait3A_532 = arith.constant 0 : i32
      %dma_wait3A_533 = tpu.memref_slice %arg8[%dma_wait3A_531, %dma_wait3A_532] : memref<3072x32xf32, #tpu.memory_space<vmem>> -> memref<128x32xf32, #tpu.memory_space<vmem>>
      %dma_wait3A_534 = arith.constant 0 : i32
      %dma_wait3A_535 = tpu.memref_slice %arg6[%and3A_354, %dma_wait3A_530, %dma_wait3A_534] : memref<2x24x128xi32, #tpu.memory_space<vmem>> -> memref<1x1x128xi32, #tpu.memory_space<vmem>>
      %dma_wait3A_536 = tpu.memref_squeeze %dma_wait3A_535 : memref<1x1x128xi32, #tpu.memory_space<vmem>> -> memref<128xi32, #tpu.memory_space<vmem>>
      %dma_wait3A_537 = arith.constant 0 : i32
      %dma_wait3A_538 = arith.constant 0 : i32
      %dma_wait3A_539 = tpu.memref_slice %arg2[%dma_wait3A_537, %dma_wait3A_538] : memref<160000x32xf32, #tpu.memory_space<hbm>> -> memref<160000x32xf32, #tpu.memory_space<hbm>>
      tpu.wait_indirect_dma semaphore(%arg11 : memref<!tpu.dma_semaphore, #tpu.memory_space<semaphore_mem>>) src(%dma_wait3A_539 : memref<160000x32xf32, #tpu.memory_space<hbm>>) dst(%dma_wait3A_533 : memref<128x32xf32, #tpu.memory_space<vmem>>)
      %dma_wait3A_540 = arith.constant 16 : i32
      %dma_wait3A_541 = arith.constant 2048 : i32
      %dma_wait3A_542 = arith.constant 0 : i32
      %dma_wait3A_543 = tpu.memref_slice %arg8[%dma_wait3A_541, %dma_wait3A_542] : memref<3072x32xf32, #tpu.memory_space<vmem>> -> memref<128x32xf32, #tpu.memory_space<vmem>>
      %dma_wait3A_544 = arith.constant 0 : i32
      %dma_wait3A_545 = tpu.memref_slice %arg6[%and3A_354, %dma_wait3A_540, %dma_wait3A_544] : memref<2x24x128xi32, #tpu.memory_space<vmem>> -> memref<1x1x128xi32, #tpu.memory_space<vmem>>
      %dma_wait3A_546 = tpu.memref_squeeze %dma_wait3A_545 : memref<1x1x128xi32, #tpu.memory_space<vmem>> -> memref<128xi32, #tpu.memory_space<vmem>>
      %dma_wait3A_547 = arith.constant 0 : i32
      %dma_wait3A_548 = arith.constant 0 : i32
      %dma_wait3A_549 = tpu.memref_slice %arg2[%dma_wait3A_547, %dma_wait3A_548] : memref<160000x32xf32, #tpu.memory_space<hbm>> -> memref<160000x32xf32, #tpu.memory_space<hbm>>
      tpu.wait_indirect_dma semaphore(%arg11 : memref<!tpu.dma_semaphore, #tpu.memory_space<semaphore_mem>>) src(%dma_wait3A_549 : memref<160000x32xf32, #tpu.memory_space<hbm>>) dst(%dma_wait3A_543 : memref<128x32xf32, #tpu.memory_space<vmem>>)
      %dma_wait3A_550 = arith.constant 17 : i32
      %dma_wait3A_551 = arith.constant 2176 : i32
      %dma_wait3A_552 = arith.constant 0 : i32
      %dma_wait3A_553 = tpu.memref_slice %arg8[%dma_wait3A_551, %dma_wait3A_552] : memref<3072x32xf32, #tpu.memory_space<vmem>> -> memref<128x32xf32, #tpu.memory_space<vmem>>
      %dma_wait3A_554 = arith.constant 0 : i32
      %dma_wait3A_555 = tpu.memref_slice %arg6[%and3A_354, %dma_wait3A_550, %dma_wait3A_554] : memref<2x24x128xi32, #tpu.memory_space<vmem>> -> memref<1x1x128xi32, #tpu.memory_space<vmem>>
      %dma_wait3A_556 = tpu.memref_squeeze %dma_wait3A_555 : memref<1x1x128xi32, #tpu.memory_space<vmem>> -> memref<128xi32, #tpu.memory_space<vmem>>
      %dma_wait3A_557 = arith.constant 0 : i32
      %dma_wait3A_558 = arith.constant 0 : i32
      %dma_wait3A_559 = tpu.memref_slice %arg2[%dma_wait3A_557, %dma_wait3A_558] : memref<160000x32xf32, #tpu.memory_space<hbm>> -> memref<160000x32xf32, #tpu.memory_space<hbm>>
      tpu.wait_indirect_dma semaphore(%arg11 : memref<!tpu.dma_semaphore, #tpu.memory_space<semaphore_mem>>) src(%dma_wait3A_559 : memref<160000x32xf32, #tpu.memory_space<hbm>>) dst(%dma_wait3A_553 : memref<128x32xf32, #tpu.memory_space<vmem>>)
      %dma_wait3A_560 = arith.constant 18 : i32
      %dma_wait3A_561 = arith.constant 2304 : i32
      %dma_wait3A_562 = arith.constant 0 : i32
      %dma_wait3A_563 = tpu.memref_slice %arg8[%dma_wait3A_561, %dma_wait3A_562] : memref<3072x32xf32, #tpu.memory_space<vmem>> -> memref<128x32xf32, #tpu.memory_space<vmem>>
      %dma_wait3A_564 = arith.constant 0 : i32
      %dma_wait3A_565 = tpu.memref_slice %arg6[%and3A_354, %dma_wait3A_560, %dma_wait3A_564] : memref<2x24x128xi32, #tpu.memory_space<vmem>> -> memref<1x1x128xi32, #tpu.memory_space<vmem>>
      %dma_wait3A_566 = tpu.memref_squeeze %dma_wait3A_565 : memref<1x1x128xi32, #tpu.memory_space<vmem>> -> memref<128xi32, #tpu.memory_space<vmem>>
      %dma_wait3A_567 = arith.constant 0 : i32
      %dma_wait3A_568 = arith.constant 0 : i32
      %dma_wait3A_569 = tpu.memref_slice %arg2[%dma_wait3A_567, %dma_wait3A_568] : memref<160000x32xf32, #tpu.memory_space<hbm>> -> memref<160000x32xf32, #tpu.memory_space<hbm>>
      tpu.wait_indirect_dma semaphore(%arg11 : memref<!tpu.dma_semaphore, #tpu.memory_space<semaphore_mem>>) src(%dma_wait3A_569 : memref<160000x32xf32, #tpu.memory_space<hbm>>) dst(%dma_wait3A_563 : memref<128x32xf32, #tpu.memory_space<vmem>>)
      %dma_wait3A_570 = arith.constant 19 : i32
      %dma_wait3A_571 = arith.constant 2432 : i32
      %dma_wait3A_572 = arith.constant 0 : i32
      %dma_wait3A_573 = tpu.memref_slice %arg8[%dma_wait3A_571, %dma_wait3A_572] : memref<3072x32xf32, #tpu.memory_space<vmem>> -> memref<128x32xf32, #tpu.memory_space<vmem>>
      %dma_wait3A_574 = arith.constant 0 : i32
      %dma_wait3A_575 = tpu.memref_slice %arg6[%and3A_354, %dma_wait3A_570, %dma_wait3A_574] : memref<2x24x128xi32, #tpu.memory_space<vmem>> -> memref<1x1x128xi32, #tpu.memory_space<vmem>>
      %dma_wait3A_576 = tpu.memref_squeeze %dma_wait3A_575 : memref<1x1x128xi32, #tpu.memory_space<vmem>> -> memref<128xi32, #tpu.memory_space<vmem>>
      %dma_wait3A_577 = arith.constant 0 : i32
      %dma_wait3A_578 = arith.constant 0 : i32
      %dma_wait3A_579 = tpu.memref_slice %arg2[%dma_wait3A_577, %dma_wait3A_578] : memref<160000x32xf32, #tpu.memory_space<hbm>> -> memref<160000x32xf32, #tpu.memory_space<hbm>>
      tpu.wait_indirect_dma semaphore(%arg11 : memref<!tpu.dma_semaphore, #tpu.memory_space<semaphore_mem>>) src(%dma_wait3A_579 : memref<160000x32xf32, #tpu.memory_space<hbm>>) dst(%dma_wait3A_573 : memref<128x32xf32, #tpu.memory_space<vmem>>)
      %dma_wait3A_580 = arith.constant 20 : i32
      %dma_wait3A_581 = arith.constant 2560 : i32
      %dma_wait3A_582 = arith.constant 0 : i32
      %dma_wait3A_583 = tpu.memref_slice %arg8[%dma_wait3A_581, %dma_wait3A_582] : memref<3072x32xf32, #tpu.memory_space<vmem>> -> memref<128x32xf32, #tpu.memory_space<vmem>>
      %dma_wait3A_584 = arith.constant 0 : i32
      %dma_wait3A_585 = tpu.memref_slice %arg6[%and3A_354, %dma_wait3A_580, %dma_wait3A_584] : memref<2x24x128xi32, #tpu.memory_space<vmem>> -> memref<1x1x128xi32, #tpu.memory_space<vmem>>
      %dma_wait3A_586 = tpu.memref_squeeze %dma_wait3A_585 : memref<1x1x128xi32, #tpu.memory_space<vmem>> -> memref<128xi32, #tpu.memory_space<vmem>>
      %dma_wait3A_587 = arith.constant 0 : i32
      %dma_wait3A_588 = arith.constant 0 : i32
      %dma_wait3A_589 = tpu.memref_slice %arg2[%dma_wait3A_587, %dma_wait3A_588] : memref<160000x32xf32, #tpu.memory_space<hbm>> -> memref<160000x32xf32, #tpu.memory_space<hbm>>
      tpu.wait_indirect_dma semaphore(%arg11 : memref<!tpu.dma_semaphore, #tpu.memory_space<semaphore_mem>>) src(%dma_wait3A_589 : memref<160000x32xf32, #tpu.memory_space<hbm>>) dst(%dma_wait3A_583 : memref<128x32xf32, #tpu.memory_space<vmem>>)
      %dma_wait3A_590 = arith.constant 21 : i32
      %dma_wait3A_591 = arith.constant 2688 : i32
      %dma_wait3A_592 = arith.constant 0 : i32
      %dma_wait3A_593 = tpu.memref_slice %arg8[%dma_wait3A_591, %dma_wait3A_592] : memref<3072x32xf32, #tpu.memory_space<vmem>> -> memref<128x32xf32, #tpu.memory_space<vmem>>
      %dma_wait3A_594 = arith.constant 0 : i32
      %dma_wait3A_595 = tpu.memref_slice %arg6[%and3A_354, %dma_wait3A_590, %dma_wait3A_594] : memref<2x24x128xi32, #tpu.memory_space<vmem>> -> memref<1x1x128xi32, #tpu.memory_space<vmem>>
      %dma_wait3A_596 = tpu.memref_squeeze %dma_wait3A_595 : memref<1x1x128xi32, #tpu.memory_space<vmem>> -> memref<128xi32, #tpu.memory_space<vmem>>
      %dma_wait3A_597 = arith.constant 0 : i32
      %dma_wait3A_598 = arith.constant 0 : i32
      %dma_wait3A_599 = tpu.memref_slice %arg2[%dma_wait3A_597, %dma_wait3A_598] : memref<160000x32xf32, #tpu.memory_space<hbm>> -> memref<160000x32xf32, #tpu.memory_space<hbm>>
      tpu.wait_indirect_dma semaphore(%arg11 : memref<!tpu.dma_semaphore, #tpu.memory_space<semaphore_mem>>) src(%dma_wait3A_599 : memref<160000x32xf32, #tpu.memory_space<hbm>>) dst(%dma_wait3A_593 : memref<128x32xf32, #tpu.memory_space<vmem>>)
      %dma_wait3A_600 = arith.constant 22 : i32
      %dma_wait3A_601 = arith.constant 2816 : i32
      %dma_wait3A_602 = arith.constant 0 : i32
      %dma_wait3A_603 = tpu.memref_slice %arg8[%dma_wait3A_601, %dma_wait3A_602] : memref<3072x32xf32, #tpu.memory_space<vmem>> -> memref<128x32xf32, #tpu.memory_space<vmem>>
      %dma_wait3A_604 = arith.constant 0 : i32
      %dma_wait3A_605 = tpu.memref_slice %arg6[%and3A_354, %dma_wait3A_600, %dma_wait3A_604] : memref<2x24x128xi32, #tpu.memory_space<vmem>> -> memref<1x1x128xi32, #tpu.memory_space<vmem>>
      %dma_wait3A_606 = tpu.memref_squeeze %dma_wait3A_605 : memref<1x1x128xi32, #tpu.memory_space<vmem>> -> memref<128xi32, #tpu.memory_space<vmem>>
      %dma_wait3A_607 = arith.constant 0 : i32
      %dma_wait3A_608 = arith.constant 0 : i32
      %dma_wait3A_609 = tpu.memref_slice %arg2[%dma_wait3A_607, %dma_wait3A_608] : memref<160000x32xf32, #tpu.memory_space<hbm>> -> memref<160000x32xf32, #tpu.memory_space<hbm>>
      tpu.wait_indirect_dma semaphore(%arg11 : memref<!tpu.dma_semaphore, #tpu.memory_space<semaphore_mem>>) src(%dma_wait3A_609 : memref<160000x32xf32, #tpu.memory_space<hbm>>) dst(%dma_wait3A_603 : memref<128x32xf32, #tpu.memory_space<vmem>>)
      %dma_wait3A_610 = arith.constant 23 : i32
      %dma_wait3A_611 = arith.constant 2944 : i32
      %dma_wait3A_612 = arith.constant 0 : i32
      %dma_wait3A_613 = tpu.memref_slice %arg8[%dma_wait3A_611, %dma_wait3A_612] : memref<3072x32xf32, #tpu.memory_space<vmem>> -> memref<128x32xf32, #tpu.memory_space<vmem>>
      %dma_wait3A_614 = arith.constant 0 : i32
      %dma_wait3A_615 = tpu.memref_slice %arg6[%and3A_354, %dma_wait3A_610, %dma_wait3A_614] : memref<2x24x128xi32, #tpu.memory_space<vmem>> -> memref<1x1x128xi32, #tpu.memory_space<vmem>>
      %dma_wait3A_616 = tpu.memref_squeeze %dma_wait3A_615 : memref<1x1x128xi32, #tpu.memory_space<vmem>> -> memref<128xi32, #tpu.memory_space<vmem>>
      %dma_wait3A_617 = arith.constant 0 : i32
      %dma_wait3A_618 = arith.constant 0 : i32
      %dma_wait3A_619 = tpu.memref_slice %arg2[%dma_wait3A_617, %dma_wait3A_618] : memref<160000x32xf32, #tpu.memory_space<hbm>> -> memref<160000x32xf32, #tpu.memory_space<hbm>>
      tpu.wait_indirect_dma semaphore(%arg11 : memref<!tpu.dma_semaphore, #tpu.memory_space<semaphore_mem>>) src(%dma_wait3A_619 : memref<160000x32xf32, #tpu.memory_space<hbm>>) dst(%dma_wait3A_613 : memref<128x32xf32, #tpu.memory_space<vmem>>)
      %scan3A_620 = arith.constant 0 : i32
      %scan3A_621 = arith.constant 64 : i32
      %scan3A_622 = arith.constant 64 : i32
      %scan3A_623 = arith.addi %scan3A_621, %scan3A_622 : i32
      %scan3A_624 = arith.constant 1 : i32
      %scan3A_625 = scf.for %scan3A_642 = %scan3A_621 to %scan3A_623 step %scan3A_624 iter_args(%scan3A_643 = %scan3A_620) -> (i32)  : i32 {
        %mul3A_644 = arith.constant 24 : i32
        %mul3A_645 = arith.muli %scan3A_642, %mul3A_644 : i32
        %get3A = arith.index_cast %and3A_354 : i32 to index
        %get3A_646 = arith.index_cast %mul3A_645 : i32 to index
        %get3A_647 = tpu.vector_load %arg7[%get3A, %get3A_646] {strides = array<i32>} : memref<2x3072xf32, #tpu.memory_space<vmem>>, vector<1x16xf32>,
        %get3A_648 = vector.shape_cast %get3A_647 : vector<1x16xf32> to vector<16xf32>
        %add3A_649 = arith.constant 8 : i32
        %add3A_650 = arith.addi %mul3A_645, %add3A_649 : i32
        %get3A_651 = arith.index_cast %and3A_354 : i32 to index
        %get3A_652 = arith.index_cast %add3A_650 : i32 to index
        %get3A_653 = tpu.vector_load %arg7[%get3A_651, %get3A_652] {strides = array<i32>} : memref<2x3072xf32, #tpu.memory_space<vmem>>, vector<1x16xf32>,
        %get3A_654 = vector.shape_cast %get3A_653 : vector<1x16xf32> to vector<16xf32>
        %broadcast_in_dim3A = arith.constant 0.000000e+00 : f32
        %broadcast_in_dim3A_655 = vector.broadcast %broadcast_in_dim3A : f32 to vector<16xf32>
        %broadcast_in_dim3A_656 = arith.constant 0.000000e+00 : f32
        %broadcast_in_dim3A_657 = vector.broadcast %broadcast_in_dim3A_656 : f32 to vector<16xf32>
        %slice3A = vector.extract_strided_slice %get3A_648 {offsets = [0], sizes = [1], strides = [1]} : vector<16xf32> to vector<1xf32>
        %squeeze3A = vector.extract %slice3A[0] : f32 from vector<1xf32>
        %add3A_658 = arith.constant 0 : i32
        %add3A_659 = arith.addi %mul3A_645, %add3A_658 : i32
        %get3A_660 = arith.index_cast %add3A_659 : i32 to index
        %get3A_661 = arith.constant 0 : index
        %get3A_662 = tpu.vector_load %arg8[%get3A_660, %get3A_661] {strides = array<i32>} : memref<3072x32xf32, #tpu.memory_space<vmem>>, vector<1x16xf32>,
        %get3A_663 = vector.shape_cast %get3A_662 : vector<1x16xf32> to vector<16xf32>
        %mul3A_664 = vector.broadcast %squeeze3A : f32 to vector<16xf32>
        %mul3A_665 = arith.mulf %mul3A_664, %get3A_663 : vector<16xf32>
        %add3A_666 = arith.addf %broadcast_in_dim3A_655, %mul3A_665 : vector<16xf32>
        %add3A_667 = arith.constant 0 : i32
        %add3A_668 = arith.addi %mul3A_645, %add3A_667 : i32
        %get3A_669 = arith.index_cast %add3A_668 : i32 to index
        %get3A_670 = arith.constant 16 : index
        %get3A_671 = tpu.vector_load %arg8[%get3A_669, %get3A_670] {strides = array<i32>} : memref<3072x32xf32, #tpu.memory_space<vmem>>, vector<1x16xf32>,
        %get3A_672 = vector.shape_cast %get3A_671 : vector<1x16xf32> to vector<16xf32>
        %mul3A_673 = vector.broadcast %squeeze3A : f32 to vector<16xf32>
        %mul3A_674 = arith.mulf %mul3A_673, %get3A_672 : vector<16xf32>
        %add3A_675 = arith.addf %broadcast_in_dim3A_657, %mul3A_674 : vector<16xf32>
        %slice3A_676 = vector.extract_strided_slice %get3A_648 {offsets = [1], sizes = [1], strides = [1]} : vector<16xf32> to vector<1xf32>
        %squeeze3A_677 = vector.extract %slice3A_676[0] : f32 from vector<1xf32>
        %add3A_678 = arith.constant 1 : i32
        %add3A_679 = arith.addi %mul3A_645, %add3A_678 : i32
        %get3A_680 = arith.index_cast %add3A_679 : i32 to index
        %get3A_681 = arith.constant 0 : index
        %get3A_682 = tpu.vector_load %arg8[%get3A_680, %get3A_681] {strides = array<i32>} : memref<3072x32xf32, #tpu.memory_space<vmem>>, vector<1x16xf32>,
        %get3A_683 = vector.shape_cast %get3A_682 : vector<1x16xf32> to vector<16xf32>
        %mul3A_684 = vector.broadcast %squeeze3A_677 : f32 to vector<16xf32>
        %mul3A_685 = arith.mulf %mul3A_684, %get3A_683 : vector<16xf32>
        %add3A_686 = arith.addf %add3A_666, %mul3A_685 : vector<16xf32>
        %add3A_687 = arith.constant 1 : i32
        %add3A_688 = arith.addi %mul3A_645, %add3A_687 : i32
        %get3A_689 = arith.index_cast %add3A_688 : i32 to index
        %get3A_690 = arith.constant 16 : index
        %get3A_691 = tpu.vector_load %arg8[%get3A_689, %get3A_690] {strides = array<i32>} : memref<3072x32xf32, #tpu.memory_space<vmem>>, vector<1x16xf32>,
        %get3A_692 = vector.shape_cast %get3A_691 : vector<1x16xf32> to vector<16xf32>
        %mul3A_693 = vector.broadcast %squeeze3A_677 : f32 to vector<16xf32>
        %mul3A_694 = arith.mulf %mul3A_693, %get3A_692 : vector<16xf32>
        %add3A_695 = arith.addf %add3A_675, %mul3A_694 : vector<16xf32>
        %slice3A_696 = vector.extract_strided_slice %get3A_648 {offsets = [2], sizes = [1], strides = [1]} : vector<16xf32> to vector<1xf32>
        %squeeze3A_697 = vector.extract %slice3A_696[0] : f32 from vector<1xf32>
        %add3A_698 = arith.constant 2 : i32
        %add3A_699 = arith.addi %mul3A_645, %add3A_698 : i32
        %get3A_700 = arith.index_cast %add3A_699 : i32 to index
        %get3A_701 = arith.constant 0 : index
        %get3A_702 = tpu.vector_load %arg8[%get3A_700, %get3A_701] {strides = array<i32>} : memref<3072x32xf32, #tpu.memory_space<vmem>>, vector<1x16xf32>,
        %get3A_703 = vector.shape_cast %get3A_702 : vector<1x16xf32> to vector<16xf32>
        %mul3A_704 = vector.broadcast %squeeze3A_697 : f32 to vector<16xf32>
        %mul3A_705 = arith.mulf %mul3A_704, %get3A_703 : vector<16xf32>
        %add3A_706 = arith.addf %add3A_686, %mul3A_705 : vector<16xf32>
        %add3A_707 = arith.constant 2 : i32
        %add3A_708 = arith.addi %mul3A_645, %add3A_707 : i32
        %get3A_709 = arith.index_cast %add3A_708 : i32 to index
        %get3A_710 = arith.constant 16 : index
        %get3A_711 = tpu.vector_load %arg8[%get3A_709, %get3A_710] {strides = array<i32>} : memref<3072x32xf32, #tpu.memory_space<vmem>>, vector<1x16xf32>,
        %get3A_712 = vector.shape_cast %get3A_711 : vector<1x16xf32> to vector<16xf32>
        %mul3A_713 = vector.broadcast %squeeze3A_697 : f32 to vector<16xf32>
        %mul3A_714 = arith.mulf %mul3A_713, %get3A_712 : vector<16xf32>
        %add3A_715 = arith.addf %add3A_695, %mul3A_714 : vector<16xf32>
        %slice3A_716 = vector.extract_strided_slice %get3A_648 {offsets = [3], sizes = [1], strides = [1]} : vector<16xf32> to vector<1xf32>
        %squeeze3A_717 = vector.extract %slice3A_716[0] : f32 from vector<1xf32>
        %add3A_718 = arith.constant 3 : i32
        %add3A_719 = arith.addi %mul3A_645, %add3A_718 : i32
        %get3A_720 = arith.index_cast %add3A_719 : i32 to index
        %get3A_721 = arith.constant 0 : index
        %get3A_722 = tpu.vector_load %arg8[%get3A_720, %get3A_721] {strides = array<i32>} : memref<3072x32xf32, #tpu.memory_space<vmem>>, vector<1x16xf32>,
        %get3A_723 = vector.shape_cast %get3A_722 : vector<1x16xf32> to vector<16xf32>
        %mul3A_724 = vector.broadcast %squeeze3A_717 : f32 to vector<16xf32>
        %mul3A_725 = arith.mulf %mul3A_724, %get3A_723 : vector<16xf32>
        %add3A_726 = arith.addf %add3A_706, %mul3A_725 : vector<16xf32>
        %add3A_727 = arith.constant 3 : i32
        %add3A_728 = arith.addi %mul3A_645, %add3A_727 : i32
        %get3A_729 = arith.index_cast %add3A_728 : i32 to index
        %get3A_730 = arith.constant 16 : index
        %get3A_731 = tpu.vector_load %arg8[%get3A_729, %get3A_730] {strides = array<i32>} : memref<3072x32xf32, #tpu.memory_space<vmem>>, vector<1x16xf32>,
        %get3A_732 = vector.shape_cast %get3A_731 : vector<1x16xf32> to vector<16xf32>
        %mul3A_733 = vector.broadcast %squeeze3A_717 : f32 to vector<16xf32>
        %mul3A_734 = arith.mulf %mul3A_733, %get3A_732 : vector<16xf32>
        %add3A_735 = arith.addf %add3A_715, %mul3A_734 : vector<16xf32>
        %slice3A_736 = vector.extract_strided_slice %get3A_648 {offsets = [4], sizes = [1], strides = [1]} : vector<16xf32> to vector<1xf32>
        %squeeze3A_737 = vector.extract %slice3A_736[0] : f32 from vector<1xf32>
        %add3A_738 = arith.constant 4 : i32
        %add3A_739 = arith.addi %mul3A_645, %add3A_738 : i32
        %get3A_740 = arith.index_cast %add3A_739 : i32 to index
        %get3A_741 = arith.constant 0 : index
        %get3A_742 = tpu.vector_load %arg8[%get3A_740, %get3A_741] {strides = array<i32>} : memref<3072x32xf32, #tpu.memory_space<vmem>>, vector<1x16xf32>,
        %get3A_743 = vector.shape_cast %get3A_742 : vector<1x16xf32> to vector<16xf32>
        %mul3A_744 = vector.broadcast %squeeze3A_737 : f32 to vector<16xf32>
        %mul3A_745 = arith.mulf %mul3A_744, %get3A_743 : vector<16xf32>
        %add3A_746 = arith.addf %add3A_726, %mul3A_745 : vector<16xf32>
        %add3A_747 = arith.constant 4 : i32
        %add3A_748 = arith.addi %mul3A_645, %add3A_747 : i32
        %get3A_749 = arith.index_cast %add3A_748 : i32 to index
        %get3A_750 = arith.constant 16 : index
        %get3A_751 = tpu.vector_load %arg8[%get3A_749, %get3A_750] {strides = array<i32>} : memref<3072x32xf32, #tpu.memory_space<vmem>>, vector<1x16xf32>,
        %get3A_752 = vector.shape_cast %get3A_751 : vector<1x16xf32> to vector<16xf32>
        %mul3A_753 = vector.broadcast %squeeze3A_737 : f32 to vector<16xf32>
        %mul3A_754 = arith.mulf %mul3A_753, %get3A_752 : vector<16xf32>
        %add3A_755 = arith.addf %add3A_735, %mul3A_754 : vector<16xf32>
        %slice3A_756 = vector.extract_strided_slice %get3A_648 {offsets = [5], sizes = [1], strides = [1]} : vector<16xf32> to vector<1xf32>
        %squeeze3A_757 = vector.extract %slice3A_756[0] : f32 from vector<1xf32>
        %add3A_758 = arith.constant 5 : i32
        %add3A_759 = arith.addi %mul3A_645, %add3A_758 : i32
        %get3A_760 = arith.index_cast %add3A_759 : i32 to index
        %get3A_761 = arith.constant 0 : index
        %get3A_762 = tpu.vector_load %arg8[%get3A_760, %get3A_761] {strides = array<i32>} : memref<3072x32xf32, #tpu.memory_space<vmem>>, vector<1x16xf32>,
        %get3A_763 = vector.shape_cast %get3A_762 : vector<1x16xf32> to vector<16xf32>
        %mul3A_764 = vector.broadcast %squeeze3A_757 : f32 to vector<16xf32>
        %mul3A_765 = arith.mulf %mul3A_764, %get3A_763 : vector<16xf32>
        %add3A_766 = arith.addf %add3A_746, %mul3A_765 : vector<16xf32>
        %add3A_767 = arith.constant 5 : i32
        %add3A_768 = arith.addi %mul3A_645, %add3A_767 : i32
        %get3A_769 = arith.index_cast %add3A_768 : i32 to index
        %get3A_770 = arith.constant 16 : index
        %get3A_771 = tpu.vector_load %arg8[%get3A_769, %get3A_770] {strides = array<i32>} : memref<3072x32xf32, #tpu.memory_space<vmem>>, vector<1x16xf32>,
        %get3A_772 = vector.shape_cast %get3A_771 : vector<1x16xf32> to vector<16xf32>
        %mul3A_773 = vector.broadcast %squeeze3A_757 : f32 to vector<16xf32>
        %mul3A_774 = arith.mulf %mul3A_773, %get3A_772 : vector<16xf32>
        %add3A_775 = arith.addf %add3A_755, %mul3A_774 : vector<16xf32>
        %slice3A_776 = vector.extract_strided_slice %get3A_648 {offsets = [6], sizes = [1], strides = [1]} : vector<16xf32> to vector<1xf32>
        %squeeze3A_777 = vector.extract %slice3A_776[0] : f32 from vector<1xf32>
        %add3A_778 = arith.constant 6 : i32
        %add3A_779 = arith.addi %mul3A_645, %add3A_778 : i32
        %get3A_780 = arith.index_cast %add3A_779 : i32 to index
        %get3A_781 = arith.constant 0 : index
        %get3A_782 = tpu.vector_load %arg8[%get3A_780, %get3A_781] {strides = array<i32>} : memref<3072x32xf32, #tpu.memory_space<vmem>>, vector<1x16xf32>,
        %get3A_783 = vector.shape_cast %get3A_782 : vector<1x16xf32> to vector<16xf32>
        %mul3A_784 = vector.broadcast %squeeze3A_777 : f32 to vector<16xf32>
        %mul3A_785 = arith.mulf %mul3A_784, %get3A_783 : vector<16xf32>
        %add3A_786 = arith.addf %add3A_766, %mul3A_785 : vector<16xf32>
        %add3A_787 = arith.constant 6 : i32
        %add3A_788 = arith.addi %mul3A_645, %add3A_787 : i32
        %get3A_789 = arith.index_cast %add3A_788 : i32 to index
        %get3A_790 = arith.constant 16 : index
        %get3A_791 = tpu.vector_load %arg8[%get3A_789, %get3A_790] {strides = array<i32>} : memref<3072x32xf32, #tpu.memory_space<vmem>>, vector<1x16xf32>,
        %get3A_792 = vector.shape_cast %get3A_791 : vector<1x16xf32> to vector<16xf32>
        %mul3A_793 = vector.broadcast %squeeze3A_777 : f32 to vector<16xf32>
        %mul3A_794 = arith.mulf %mul3A_793, %get3A_792 : vector<16xf32>
        %add3A_795 = arith.addf %add3A_775, %mul3A_794 : vector<16xf32>
        %slice3A_796 = vector.extract_strided_slice %get3A_648 {offsets = [7], sizes = [1], strides = [1]} : vector<16xf32> to vector<1xf32>
        %squeeze3A_797 = vector.extract %slice3A_796[0] : f32 from vector<1xf32>
        %add3A_798 = arith.constant 7 : i32
        %add3A_799 = arith.addi %mul3A_645, %add3A_798 : i32
        %get3A_800 = arith.index_cast %add3A_799 : i32 to index
        %get3A_801 = arith.constant 0 : index
        %get3A_802 = tpu.vector_load %arg8[%get3A_800, %get3A_801] {strides = array<i32>} : memref<3072x32xf32, #tpu.memory_space<vmem>>, vector<1x16xf32>,
        %get3A_803 = vector.shape_cast %get3A_802 : vector<1x16xf32> to vector<16xf32>
        %mul3A_804 = vector.broadcast %squeeze3A_797 : f32 to vector<16xf32>
        %mul3A_805 = arith.mulf %mul3A_804, %get3A_803 : vector<16xf32>
        %add3A_806 = arith.addf %add3A_786, %mul3A_805 : vector<16xf32>
        %add3A_807 = arith.constant 7 : i32
        %add3A_808 = arith.addi %mul3A_645, %add3A_807 : i32
        %get3A_809 = arith.index_cast %add3A_808 : i32 to index
        %get3A_810 = arith.constant 16 : index
        %get3A_811 = tpu.vector_load %arg8[%get3A_809, %get3A_810] {strides = array<i32>} : memref<3072x32xf32, #tpu.memory_space<vmem>>, vector<1x16xf32>,
        %get3A_812 = vector.shape_cast %get3A_811 : vector<1x16xf32> to vector<16xf32>
        %mul3A_813 = vector.broadcast %squeeze3A_797 : f32 to vector<16xf32>
        %mul3A_814 = arith.mulf %mul3A_813, %get3A_812 : vector<16xf32>
        %add3A_815 = arith.addf %add3A_795, %mul3A_814 : vector<16xf32>
        %slice3A_816 = vector.extract_strided_slice %get3A_648 {offsets = [8], sizes = [1], strides = [1]} : vector<16xf32> to vector<1xf32>
        %squeeze3A_817 = vector.extract %slice3A_816[0] : f32 from vector<1xf32>
        %add3A_818 = arith.constant 8 : i32
        %add3A_819 = arith.addi %mul3A_645, %add3A_818 : i32
        %get3A_820 = arith.index_cast %add3A_819 : i32 to index
        %get3A_821 = arith.constant 0 : index
        %get3A_822 = tpu.vector_load %arg8[%get3A_820, %get3A_821] {strides = array<i32>} : memref<3072x32xf32, #tpu.memory_space<vmem>>, vector<1x16xf32>,
        %get3A_823 = vector.shape_cast %get3A_822 : vector<1x16xf32> to vector<16xf32>
        %mul3A_824 = vector.broadcast %squeeze3A_817 : f32 to vector<16xf32>
        %mul3A_825 = arith.mulf %mul3A_824, %get3A_823 : vector<16xf32>
        %add3A_826 = arith.addf %add3A_806, %mul3A_825 : vector<16xf32>
        %add3A_827 = arith.constant 8 : i32
        %add3A_828 = arith.addi %mul3A_645, %add3A_827 : i32
        %get3A_829 = arith.index_cast %add3A_828 : i32 to index
        %get3A_830 = arith.constant 16 : index
        %get3A_831 = tpu.vector_load %arg8[%get3A_829, %get3A_830] {strides = array<i32>} : memref<3072x32xf32, #tpu.memory_space<vmem>>, vector<1x16xf32>,
        %get3A_832 = vector.shape_cast %get3A_831 : vector<1x16xf32> to vector<16xf32>
        %mul3A_833 = vector.broadcast %squeeze3A_817 : f32 to vector<16xf32>
        %mul3A_834 = arith.mulf %mul3A_833, %get3A_832 : vector<16xf32>
        %add3A_835 = arith.addf %add3A_815, %mul3A_834 : vector<16xf32>
        %slice3A_836 = vector.extract_strided_slice %get3A_648 {offsets = [9], sizes = [1], strides = [1]} : vector<16xf32> to vector<1xf32>
        %squeeze3A_837 = vector.extract %slice3A_836[0] : f32 from vector<1xf32>
        %add3A_838 = arith.constant 9 : i32
        %add3A_839 = arith.addi %mul3A_645, %add3A_838 : i32
        %get3A_840 = arith.index_cast %add3A_839 : i32 to index
        %get3A_841 = arith.constant 0 : index
        %get3A_842 = tpu.vector_load %arg8[%get3A_840, %get3A_841] {strides = array<i32>} : memref<3072x32xf32, #tpu.memory_space<vmem>>, vector<1x16xf32>,
        %get3A_843 = vector.shape_cast %get3A_842 : vector<1x16xf32> to vector<16xf32>
        %mul3A_844 = vector.broadcast %squeeze3A_837 : f32 to vector<16xf32>
        %mul3A_845 = arith.mulf %mul3A_844, %get3A_843 : vector<16xf32>
        %add3A_846 = arith.addf %add3A_826, %mul3A_845 : vector<16xf32>
        %add3A_847 = arith.constant 9 : i32
        %add3A_848 = arith.addi %mul3A_645, %add3A_847 : i32
        %get3A_849 = arith.index_cast %add3A_848 : i32 to index
        %get3A_850 = arith.constant 16 : index
        %get3A_851 = tpu.vector_load %arg8[%get3A_849, %get3A_850] {strides = array<i32>} : memref<3072x32xf32, #tpu.memory_space<vmem>>, vector<1x16xf32>,
        %get3A_852 = vector.shape_cast %get3A_851 : vector<1x16xf32> to vector<16xf32>
        %mul3A_853 = vector.broadcast %squeeze3A_837 : f32 to vector<16xf32>
        %mul3A_854 = arith.mulf %mul3A_853, %get3A_852 : vector<16xf32>
        %add3A_855 = arith.addf %add3A_835, %mul3A_854 : vector<16xf32>
        %slice3A_856 = vector.extract_strided_slice %get3A_648 {offsets = [10], sizes = [1], strides = [1]} : vector<16xf32> to vector<1xf32>
        %squeeze3A_857 = vector.extract %slice3A_856[0] : f32 from vector<1xf32>
        %add3A_858 = arith.constant 10 : i32
        %add3A_859 = arith.addi %mul3A_645, %add3A_858 : i32
        %get3A_860 = arith.index_cast %add3A_859 : i32 to index
        %get3A_861 = arith.constant 0 : index
        %get3A_862 = tpu.vector_load %arg8[%get3A_860, %get3A_861] {strides = array<i32>} : memref<3072x32xf32, #tpu.memory_space<vmem>>, vector<1x16xf32>,
        %get3A_863 = vector.shape_cast %get3A_862 : vector<1x16xf32> to vector<16xf32>
        %mul3A_864 = vector.broadcast %squeeze3A_857 : f32 to vector<16xf32>
        %mul3A_865 = arith.mulf %mul3A_864, %get3A_863 : vector<16xf32>
        %add3A_866 = arith.addf %add3A_846, %mul3A_865 : vector<16xf32>
        %add3A_867 = arith.constant 10 : i32
        %add3A_868 = arith.addi %mul3A_645, %add3A_867 : i32
        %get3A_869 = arith.index_cast %add3A_868 : i32 to index
        %get3A_870 = arith.constant 16 : index
        %get3A_871 = tpu.vector_load %arg8[%get3A_869, %get3A_870] {strides = array<i32>} : memref<3072x32xf32, #tpu.memory_space<vmem>>, vector<1x16xf32>,
        %get3A_872 = vector.shape_cast %get3A_871 : vector<1x16xf32> to vector<16xf32>
        %mul3A_873 = vector.broadcast %squeeze3A_857 : f32 to vector<16xf32>
        %mul3A_874 = arith.mulf %mul3A_873, %get3A_872 : vector<16xf32>
        %add3A_875 = arith.addf %add3A_855, %mul3A_874 : vector<16xf32>
        %slice3A_876 = vector.extract_strided_slice %get3A_648 {offsets = [11], sizes = [1], strides = [1]} : vector<16xf32> to vector<1xf32>
        %squeeze3A_877 = vector.extract %slice3A_876[0] : f32 from vector<1xf32>
        %add3A_878 = arith.constant 11 : i32
        %add3A_879 = arith.addi %mul3A_645, %add3A_878 : i32
        %get3A_880 = arith.index_cast %add3A_879 : i32 to index
        %get3A_881 = arith.constant 0 : index
        %get3A_882 = tpu.vector_load %arg8[%get3A_880, %get3A_881] {strides = array<i32>} : memref<3072x32xf32, #tpu.memory_space<vmem>>, vector<1x16xf32>,
        %get3A_883 = vector.shape_cast %get3A_882 : vector<1x16xf32> to vector<16xf32>
        %mul3A_884 = vector.broadcast %squeeze3A_877 : f32 to vector<16xf32>
        %mul3A_885 = arith.mulf %mul3A_884, %get3A_883 : vector<16xf32>
        %add3A_886 = arith.addf %add3A_866, %mul3A_885 : vector<16xf32>
        %add3A_887 = arith.constant 11 : i32
        %add3A_888 = arith.addi %mul3A_645, %add3A_887 : i32
        %get3A_889 = arith.index_cast %add3A_888 : i32 to index
        %get3A_890 = arith.constant 16 : index
        %get3A_891 = tpu.vector_load %arg8[%get3A_889, %get3A_890] {strides = array<i32>} : memref<3072x32xf32, #tpu.memory_space<vmem>>, vector<1x16xf32>,
        %get3A_892 = vector.shape_cast %get3A_891 : vector<1x16xf32> to vector<16xf32>
        %mul3A_893 = vector.broadcast %squeeze3A_877 : f32 to vector<16xf32>
        %mul3A_894 = arith.mulf %mul3A_893, %get3A_892 : vector<16xf32>
        %add3A_895 = arith.addf %add3A_875, %mul3A_894 : vector<16xf32>
        %slice3A_896 = vector.extract_strided_slice %get3A_648 {offsets = [12], sizes = [1], strides = [1]} : vector<16xf32> to vector<1xf32>
        %squeeze3A_897 = vector.extract %slice3A_896[0] : f32 from vector<1xf32>
        %add3A_898 = arith.constant 12 : i32
        %add3A_899 = arith.addi %mul3A_645, %add3A_898 : i32
        %get3A_900 = arith.index_cast %add3A_899 : i32 to index
        %get3A_901 = arith.constant 0 : index
        %get3A_902 = tpu.vector_load %arg8[%get3A_900, %get3A_901] {strides = array<i32>} : memref<3072x32xf32, #tpu.memory_space<vmem>>, vector<1x16xf32>,
        %get3A_903 = vector.shape_cast %get3A_902 : vector<1x16xf32> to vector<16xf32>
        %mul3A_904 = vector.broadcast %squeeze3A_897 : f32 to vector<16xf32>
        %mul3A_905 = arith.mulf %mul3A_904, %get3A_903 : vector<16xf32>
        %add3A_906 = arith.addf %add3A_886, %mul3A_905 : vector<16xf32>
        %add3A_907 = arith.constant 12 : i32
        %add3A_908 = arith.addi %mul3A_645, %add3A_907 : i32
        %get3A_909 = arith.index_cast %add3A_908 : i32 to index
        %get3A_910 = arith.constant 16 : index
        %get3A_911 = tpu.vector_load %arg8[%get3A_909, %get3A_910] {strides = array<i32>} : memref<3072x32xf32, #tpu.memory_space<vmem>>, vector<1x16xf32>,
        %get3A_912 = vector.shape_cast %get3A_911 : vector<1x16xf32> to vector<16xf32>
        %mul3A_913 = vector.broadcast %squeeze3A_897 : f32 to vector<16xf32>
        %mul3A_914 = arith.mulf %mul3A_913, %get3A_912 : vector<16xf32>
        %add3A_915 = arith.addf %add3A_895, %mul3A_914 : vector<16xf32>
        %slice3A_916 = vector.extract_strided_slice %get3A_648 {offsets = [13], sizes = [1], strides = [1]} : vector<16xf32> to vector<1xf32>
        %squeeze3A_917 = vector.extract %slice3A_916[0] : f32 from vector<1xf32>
        %add3A_918 = arith.constant 13 : i32
        %add3A_919 = arith.addi %mul3A_645, %add3A_918 : i32
        %get3A_920 = arith.index_cast %add3A_919 : i32 to index
        %get3A_921 = arith.constant 0 : index
        %get3A_922 = tpu.vector_load %arg8[%get3A_920, %get3A_921] {strides = array<i32>} : memref<3072x32xf32, #tpu.memory_space<vmem>>, vector<1x16xf32>,
        %get3A_923 = vector.shape_cast %get3A_922 : vector<1x16xf32> to vector<16xf32>
        %mul3A_924 = vector.broadcast %squeeze3A_917 : f32 to vector<16xf32>
        %mul3A_925 = arith.mulf %mul3A_924, %get3A_923 : vector<16xf32>
        %add3A_926 = arith.addf %add3A_906, %mul3A_925 : vector<16xf32>
        %add3A_927 = arith.constant 13 : i32
        %add3A_928 = arith.addi %mul3A_645, %add3A_927 : i32
        %get3A_929 = arith.index_cast %add3A_928 : i32 to index
        %get3A_930 = arith.constant 16 : index
        %get3A_931 = tpu.vector_load %arg8[%get3A_929, %get3A_930] {strides = array<i32>} : memref<3072x32xf32, #tpu.memory_space<vmem>>, vector<1x16xf32>,
        %get3A_932 = vector.shape_cast %get3A_931 : vector<1x16xf32> to vector<16xf32>
        %mul3A_933 = vector.broadcast %squeeze3A_917 : f32 to vector<16xf32>
        %mul3A_934 = arith.mulf %mul3A_933, %get3A_932 : vector<16xf32>
        %add3A_935 = arith.addf %add3A_915, %mul3A_934 : vector<16xf32>
        %slice3A_936 = vector.extract_strided_slice %get3A_648 {offsets = [14], sizes = [1], strides = [1]} : vector<16xf32> to vector<1xf32>
        %squeeze3A_937 = vector.extract %slice3A_936[0] : f32 from vector<1xf32>
        %add3A_938 = arith.constant 14 : i32
        %add3A_939 = arith.addi %mul3A_645, %add3A_938 : i32
        %get3A_940 = arith.index_cast %add3A_939 : i32 to index
        %get3A_941 = arith.constant 0 : index
        %get3A_942 = tpu.vector_load %arg8[%get3A_940, %get3A_941] {strides = array<i32>} : memref<3072x32xf32, #tpu.memory_space<vmem>>, vector<1x16xf32>,
        %get3A_943 = vector.shape_cast %get3A_942 : vector<1x16xf32> to vector<16xf32>
        %mul3A_944 = vector.broadcast %squeeze3A_937 : f32 to vector<16xf32>
        %mul3A_945 = arith.mulf %mul3A_944, %get3A_943 : vector<16xf32>
        %add3A_946 = arith.addf %add3A_926, %mul3A_945 : vector<16xf32>
        %add3A_947 = arith.constant 14 : i32
        %add3A_948 = arith.addi %mul3A_645, %add3A_947 : i32
        %get3A_949 = arith.index_cast %add3A_948 : i32 to index
        %get3A_950 = arith.constant 16 : index
        %get3A_951 = tpu.vector_load %arg8[%get3A_949, %get3A_950] {strides = array<i32>} : memref<3072x32xf32, #tpu.memory_space<vmem>>, vector<1x16xf32>,
        %get3A_952 = vector.shape_cast %get3A_951 : vector<1x16xf32> to vector<16xf32>
        %mul3A_953 = vector.broadcast %squeeze3A_937 : f32 to vector<16xf32>
        %mul3A_954 = arith.mulf %mul3A_953, %get3A_952 : vector<16xf32>
        %add3A_955 = arith.addf %add3A_935, %mul3A_954 : vector<16xf32>
        %slice3A_956 = vector.extract_strided_slice %get3A_648 {offsets = [15], sizes = [1], strides = [1]} : vector<16xf32> to vector<1xf32>
        %squeeze3A_957 = vector.extract %slice3A_956[0] : f32 from vector<1xf32>
        %add3A_958 = arith.constant 15 : i32
        %add3A_959 = arith.addi %mul3A_645, %add3A_958 : i32
        %get3A_960 = arith.index_cast %add3A_959 : i32 to index
        %get3A_961 = arith.constant 0 : index
        %get3A_962 = tpu.vector_load %arg8[%get3A_960, %get3A_961] {strides = array<i32>} : memref<3072x32xf32, #tpu.memory_space<vmem>>, vector<1x16xf32>,
        %get3A_963 = vector.shape_cast %get3A_962 : vector<1x16xf32> to vector<16xf32>
        %mul3A_964 = vector.broadcast %squeeze3A_957 : f32 to vector<16xf32>
        %mul3A_965 = arith.mulf %mul3A_964, %get3A_963 : vector<16xf32>
        %add3A_966 = arith.addf %add3A_946, %mul3A_965 : vector<16xf32>
        %add3A_967 = arith.constant 15 : i32
        %add3A_968 = arith.addi %mul3A_645, %add3A_967 : i32
        %get3A_969 = arith.index_cast %add3A_968 : i32 to index
        %get3A_970 = arith.constant 16 : index
        %get3A_971 = tpu.vector_load %arg8[%get3A_969, %get3A_970] {strides = array<i32>} : memref<3072x32xf32, #tpu.memory_space<vmem>>, vector<1x16xf32>,
        %get3A_972 = vector.shape_cast %get3A_971 : vector<1x16xf32> to vector<16xf32>
        %mul3A_973 = vector.broadcast %squeeze3A_957 : f32 to vector<16xf32>
        %mul3A_974 = arith.mulf %mul3A_973, %get3A_972 : vector<16xf32>
        %add3A_975 = arith.addf %add3A_955, %mul3A_974 : vector<16xf32>
        %slice3A_976 = vector.extract_strided_slice %get3A_654 {offsets = [8], sizes = [1], strides = [1]} : vector<16xf32> to vector<1xf32>
        %squeeze3A_977 = vector.extract %slice3A_976[0] : f32 from vector<1xf32>
        %add3A_978 = arith.constant 16 : i32
        %add3A_979 = arith.addi %mul3A_645, %add3A_978 : i32
        %get3A_980 = arith.index_cast %add3A_979 : i32 to index
        %get3A_981 = arith.constant 0 : index
        %get3A_982 = tpu.vector_load %arg8[%get3A_980, %get3A_981] {strides = array<i32>} : memref<3072x32xf32, #tpu.memory_space<vmem>>, vector<1x16xf32>,
        %get3A_983 = vector.shape_cast %get3A_982 : vector<1x16xf32> to vector<16xf32>
        %mul3A_984 = vector.broadcast %squeeze3A_977 : f32 to vector<16xf32>
        %mul3A_985 = arith.mulf %mul3A_984, %get3A_983 : vector<16xf32>
        %add3A_986 = arith.addf %add3A_966, %mul3A_985 : vector<16xf32>
        %add3A_987 = arith.constant 16 : i32
        %add3A_988 = arith.addi %mul3A_645, %add3A_987 : i32
        %get3A_989 = arith.index_cast %add3A_988 : i32 to index
        %get3A_990 = arith.constant 16 : index
        %get3A_991 = tpu.vector_load %arg8[%get3A_989, %get3A_990] {strides = array<i32>} : memref<3072x32xf32, #tpu.memory_space<vmem>>, vector<1x16xf32>,
        %get3A_992 = vector.shape_cast %get3A_991 : vector<1x16xf32> to vector<16xf32>
        %mul3A_993 = vector.broadcast %squeeze3A_977 : f32 to vector<16xf32>
        %mul3A_994 = arith.mulf %mul3A_993, %get3A_992 : vector<16xf32>
        %add3A_995 = arith.addf %add3A_975, %mul3A_994 : vector<16xf32>
        %slice3A_996 = vector.extract_strided_slice %get3A_654 {offsets = [9], sizes = [1], strides = [1]} : vector<16xf32> to vector<1xf32>
        %squeeze3A_997 = vector.extract %slice3A_996[0] : f32 from vector<1xf32>
        %add3A_998 = arith.constant 17 : i32
        %add3A_999 = arith.addi %mul3A_645, %add3A_998 : i32
        %get3A_1000 = arith.index_cast %add3A_999 : i32 to index
        %get3A_1001 = arith.constant 0 : index
        %get3A_1002 = tpu.vector_load %arg8[%get3A_1000, %get3A_1001] {strides = array<i32>} : memref<3072x32xf32, #tpu.memory_space<vmem>>, vector<1x16xf32>,
        %get3A_1003 = vector.shape_cast %get3A_1002 : vector<1x16xf32> to vector<16xf32>
        %mul3A_1004 = vector.broadcast %squeeze3A_997 : f32 to vector<16xf32>
        %mul3A_1005 = arith.mulf %mul3A_1004, %get3A_1003 : vector<16xf32>
        %add3A_1006 = arith.addf %add3A_986, %mul3A_1005 : vector<16xf32>
        %add3A_1007 = arith.constant 17 : i32
        %add3A_1008 = arith.addi %mul3A_645, %add3A_1007 : i32
        %get3A_1009 = arith.index_cast %add3A_1008 : i32 to index
        %get3A_1010 = arith.constant 16 : index
        %get3A_1011 = tpu.vector_load %arg8[%get3A_1009, %get3A_1010] {strides = array<i32>} : memref<3072x32xf32, #tpu.memory_space<vmem>>, vector<1x16xf32>,
        %get3A_1012 = vector.shape_cast %get3A_1011 : vector<1x16xf32> to vector<16xf32>
        %mul3A_1013 = vector.broadcast %squeeze3A_997 : f32 to vector<16xf32>
        %mul3A_1014 = arith.mulf %mul3A_1013, %get3A_1012 : vector<16xf32>
        %add3A_1015 = arith.addf %add3A_995, %mul3A_1014 : vector<16xf32>
        %slice3A_1016 = vector.extract_strided_slice %get3A_654 {offsets = [10], sizes = [1], strides = [1]} : vector<16xf32> to vector<1xf32>
        %squeeze3A_1017 = vector.extract %slice3A_1016[0] : f32 from vector<1xf32>
        %add3A_1018 = arith.constant 18 : i32
        %add3A_1019 = arith.addi %mul3A_645, %add3A_1018 : i32
        %get3A_1020 = arith.index_cast %add3A_1019 : i32 to index
        %get3A_1021 = arith.constant 0 : index
        %get3A_1022 = tpu.vector_load %arg8[%get3A_1020, %get3A_1021] {strides = array<i32>} : memref<3072x32xf32, #tpu.memory_space<vmem>>, vector<1x16xf32>,
        %get3A_1023 = vector.shape_cast %get3A_1022 : vector<1x16xf32> to vector<16xf32>
        %mul3A_1024 = vector.broadcast %squeeze3A_1017 : f32 to vector<16xf32>
        %mul3A_1025 = arith.mulf %mul3A_1024, %get3A_1023 : vector<16xf32>
        %add3A_1026 = arith.addf %add3A_1006, %mul3A_1025 : vector<16xf32>
        %add3A_1027 = arith.constant 18 : i32
        %add3A_1028 = arith.addi %mul3A_645, %add3A_1027 : i32
        %get3A_1029 = arith.index_cast %add3A_1028 : i32 to index
        %get3A_1030 = arith.constant 16 : index
        %get3A_1031 = tpu.vector_load %arg8[%get3A_1029, %get3A_1030] {strides = array<i32>} : memref<3072x32xf32, #tpu.memory_space<vmem>>, vector<1x16xf32>,
        %get3A_1032 = vector.shape_cast %get3A_1031 : vector<1x16xf32> to vector<16xf32>
        %mul3A_1033 = vector.broadcast %squeeze3A_1017 : f32 to vector<16xf32>
        %mul3A_1034 = arith.mulf %mul3A_1033, %get3A_1032 : vector<16xf32>
        %add3A_1035 = arith.addf %add3A_1015, %mul3A_1034 : vector<16xf32>
        %slice3A_1036 = vector.extract_strided_slice %get3A_654 {offsets = [11], sizes = [1], strides = [1]} : vector<16xf32> to vector<1xf32>
        %squeeze3A_1037 = vector.extract %slice3A_1036[0] : f32 from vector<1xf32>
        %add3A_1038 = arith.constant 19 : i32
        %add3A_1039 = arith.addi %mul3A_645, %add3A_1038 : i32
        %get3A_1040 = arith.index_cast %add3A_1039 : i32 to index
        %get3A_1041 = arith.constant 0 : index
        %get3A_1042 = tpu.vector_load %arg8[%get3A_1040, %get3A_1041] {strides = array<i32>} : memref<3072x32xf32, #tpu.memory_space<vmem>>, vector<1x16xf32>,
        %get3A_1043 = vector.shape_cast %get3A_1042 : vector<1x16xf32> to vector<16xf32>
        %mul3A_1044 = vector.broadcast %squeeze3A_1037 : f32 to vector<16xf32>
        %mul3A_1045 = arith.mulf %mul3A_1044, %get3A_1043 : vector<16xf32>
        %add3A_1046 = arith.addf %add3A_1026, %mul3A_1045 : vector<16xf32>
        %add3A_1047 = arith.constant 19 : i32
        %add3A_1048 = arith.addi %mul3A_645, %add3A_1047 : i32
        %get3A_1049 = arith.index_cast %add3A_1048 : i32 to index
        %get3A_1050 = arith.constant 16 : index
        %get3A_1051 = tpu.vector_load %arg8[%get3A_1049, %get3A_1050] {strides = array<i32>} : memref<3072x32xf32, #tpu.memory_space<vmem>>, vector<1x16xf32>,
        %get3A_1052 = vector.shape_cast %get3A_1051 : vector<1x16xf32> to vector<16xf32>
        %mul3A_1053 = vector.broadcast %squeeze3A_1037 : f32 to vector<16xf32>
        %mul3A_1054 = arith.mulf %mul3A_1053, %get3A_1052 : vector<16xf32>
        %add3A_1055 = arith.addf %add3A_1035, %mul3A_1054 : vector<16xf32>
        %slice3A_1056 = vector.extract_strided_slice %get3A_654 {offsets = [12], sizes = [1], strides = [1]} : vector<16xf32> to vector<1xf32>
        %squeeze3A_1057 = vector.extract %slice3A_1056[0] : f32 from vector<1xf32>
        %add3A_1058 = arith.constant 20 : i32
        %add3A_1059 = arith.addi %mul3A_645, %add3A_1058 : i32
        %get3A_1060 = arith.index_cast %add3A_1059 : i32 to index
        %get3A_1061 = arith.constant 0 : index
        %get3A_1062 = tpu.vector_load %arg8[%get3A_1060, %get3A_1061] {strides = array<i32>} : memref<3072x32xf32, #tpu.memory_space<vmem>>, vector<1x16xf32>,
        %get3A_1063 = vector.shape_cast %get3A_1062 : vector<1x16xf32> to vector<16xf32>
        %mul3A_1064 = vector.broadcast %squeeze3A_1057 : f32 to vector<16xf32>
        %mul3A_1065 = arith.mulf %mul3A_1064, %get3A_1063 : vector<16xf32>
        %add3A_1066 = arith.addf %add3A_1046, %mul3A_1065 : vector<16xf32>
        %add3A_1067 = arith.constant 20 : i32
        %add3A_1068 = arith.addi %mul3A_645, %add3A_1067 : i32
        %get3A_1069 = arith.index_cast %add3A_1068 : i32 to index
        %get3A_1070 = arith.constant 16 : index
        %get3A_1071 = tpu.vector_load %arg8[%get3A_1069, %get3A_1070] {strides = array<i32>} : memref<3072x32xf32, #tpu.memory_space<vmem>>, vector<1x16xf32>,
        %get3A_1072 = vector.shape_cast %get3A_1071 : vector<1x16xf32> to vector<16xf32>
        %mul3A_1073 = vector.broadcast %squeeze3A_1057 : f32 to vector<16xf32>
        %mul3A_1074 = arith.mulf %mul3A_1073, %get3A_1072 : vector<16xf32>
        %add3A_1075 = arith.addf %add3A_1055, %mul3A_1074 : vector<16xf32>
        %slice3A_1076 = vector.extract_strided_slice %get3A_654 {offsets = [13], sizes = [1], strides = [1]} : vector<16xf32> to vector<1xf32>
        %squeeze3A_1077 = vector.extract %slice3A_1076[0] : f32 from vector<1xf32>
        %add3A_1078 = arith.constant 21 : i32
        %add3A_1079 = arith.addi %mul3A_645, %add3A_1078 : i32
        %get3A_1080 = arith.index_cast %add3A_1079 : i32 to index
        %get3A_1081 = arith.constant 0 : index
        %get3A_1082 = tpu.vector_load %arg8[%get3A_1080, %get3A_1081] {strides = array<i32>} : memref<3072x32xf32, #tpu.memory_space<vmem>>, vector<1x16xf32>,
        %get3A_1083 = vector.shape_cast %get3A_1082 : vector<1x16xf32> to vector<16xf32>
        %mul3A_1084 = vector.broadcast %squeeze3A_1077 : f32 to vector<16xf32>
        %mul3A_1085 = arith.mulf %mul3A_1084, %get3A_1083 : vector<16xf32>
        %add3A_1086 = arith.addf %add3A_1066, %mul3A_1085 : vector<16xf32>
        %add3A_1087 = arith.constant 21 : i32
        %add3A_1088 = arith.addi %mul3A_645, %add3A_1087 : i32
        %get3A_1089 = arith.index_cast %add3A_1088 : i32 to index
        %get3A_1090 = arith.constant 16 : index
        %get3A_1091 = tpu.vector_load %arg8[%get3A_1089, %get3A_1090] {strides = array<i32>} : memref<3072x32xf32, #tpu.memory_space<vmem>>, vector<1x16xf32>,
        %get3A_1092 = vector.shape_cast %get3A_1091 : vector<1x16xf32> to vector<16xf32>
        %mul3A_1093 = vector.broadcast %squeeze3A_1077 : f32 to vector<16xf32>
        %mul3A_1094 = arith.mulf %mul3A_1093, %get3A_1092 : vector<16xf32>
        %add3A_1095 = arith.addf %add3A_1075, %mul3A_1094 : vector<16xf32>
        %slice3A_1096 = vector.extract_strided_slice %get3A_654 {offsets = [14], sizes = [1], strides = [1]} : vector<16xf32> to vector<1xf32>
        %squeeze3A_1097 = vector.extract %slice3A_1096[0] : f32 from vector<1xf32>
        %add3A_1098 = arith.constant 22 : i32
        %add3A_1099 = arith.addi %mul3A_645, %add3A_1098 : i32
        %get3A_1100 = arith.index_cast %add3A_1099 : i32 to index
        %get3A_1101 = arith.constant 0 : index
        %get3A_1102 = tpu.vector_load %arg8[%get3A_1100, %get3A_1101] {strides = array<i32>} : memref<3072x32xf32, #tpu.memory_space<vmem>>, vector<1x16xf32>,
        %get3A_1103 = vector.shape_cast %get3A_1102 : vector<1x16xf32> to vector<16xf32>
        %mul3A_1104 = vector.broadcast %squeeze3A_1097 : f32 to vector<16xf32>
        %mul3A_1105 = arith.mulf %mul3A_1104, %get3A_1103 : vector<16xf32>
        %add3A_1106 = arith.addf %add3A_1086, %mul3A_1105 : vector<16xf32>
        %add3A_1107 = arith.constant 22 : i32
        %add3A_1108 = arith.addi %mul3A_645, %add3A_1107 : i32
        %get3A_1109 = arith.index_cast %add3A_1108 : i32 to index
        %get3A_1110 = arith.constant 16 : index
        %get3A_1111 = tpu.vector_load %arg8[%get3A_1109, %get3A_1110] {strides = array<i32>} : memref<3072x32xf32, #tpu.memory_space<vmem>>, vector<1x16xf32>,
        %get3A_1112 = vector.shape_cast %get3A_1111 : vector<1x16xf32> to vector<16xf32>
        %mul3A_1113 = vector.broadcast %squeeze3A_1097 : f32 to vector<16xf32>
        %mul3A_1114 = arith.mulf %mul3A_1113, %get3A_1112 : vector<16xf32>
        %add3A_1115 = arith.addf %add3A_1095, %mul3A_1114 : vector<16xf32>
        %slice3A_1116 = vector.extract_strided_slice %get3A_654 {offsets = [15], sizes = [1], strides = [1]} : vector<16xf32> to vector<1xf32>
        %squeeze3A_1117 = vector.extract %slice3A_1116[0] : f32 from vector<1xf32>
        %add3A_1118 = arith.constant 23 : i32
        %add3A_1119 = arith.addi %mul3A_645, %add3A_1118 : i32
        %get3A_1120 = arith.index_cast %add3A_1119 : i32 to index
        %get3A_1121 = arith.constant 0 : index
        %get3A_1122 = tpu.vector_load %arg8[%get3A_1120, %get3A_1121] {strides = array<i32>} : memref<3072x32xf32, #tpu.memory_space<vmem>>, vector<1x16xf32>,
        %get3A_1123 = vector.shape_cast %get3A_1122 : vector<1x16xf32> to vector<16xf32>
        %mul3A_1124 = vector.broadcast %squeeze3A_1117 : f32 to vector<16xf32>
        %mul3A_1125 = arith.mulf %mul3A_1124, %get3A_1123 : vector<16xf32>
        %add3A_1126 = arith.addf %add3A_1106, %mul3A_1125 : vector<16xf32>
        %add3A_1127 = arith.constant 23 : i32
        %add3A_1128 = arith.addi %mul3A_645, %add3A_1127 : i32
        %get3A_1129 = arith.index_cast %add3A_1128 : i32 to index
        %get3A_1130 = arith.constant 16 : index
        %get3A_1131 = tpu.vector_load %arg8[%get3A_1129, %get3A_1130] {strides = array<i32>} : memref<3072x32xf32, #tpu.memory_space<vmem>>, vector<1x16xf32>,
        %get3A_1132 = vector.shape_cast %get3A_1131 : vector<1x16xf32> to vector<16xf32>
        %mul3A_1133 = vector.broadcast %squeeze3A_1117 : f32 to vector<16xf32>
        %mul3A_1134 = arith.mulf %mul3A_1133, %get3A_1132 : vector<16xf32>
        %add3A_1135 = arith.addf %add3A_1115, %mul3A_1134 : vector<16xf32>
        %swap3A = arith.index_cast %scan3A_642 : i32 to index
        %swap3A_1136 = arith.constant 0 : index
        %swap3A_1137 = tpu.vector_load %arg9[%swap3A, %swap3A_1136] {strides = array<i32>} : memref<128x32xf32, #tpu.memory_space<vmem>>, vector<1x16xf32>,
        %swap3A_1138 = vector.shape_cast %swap3A_1137 : vector<1x16xf32> to vector<16xf32>
        %swap3A_1139 = vector.shape_cast %add3A_1126 : vector<16xf32> to vector<1x16xf32>
        tpu.vector_store %arg9[%swap3A, %swap3A_1136], %swap3A_1139 {strides = array<i32>} : memref<128x32xf32, #tpu.memory_space<vmem>>, vector<1x16xf32>,
        %swap3A_1140 = arith.index_cast %scan3A_642 : i32 to index
        %swap3A_1141 = arith.constant 16 : index
        %swap3A_1142 = tpu.vector_load %arg9[%swap3A_1140, %swap3A_1141] {strides = array<i32>} : memref<128x32xf32, #tpu.memory_space<vmem>>, vector<1x16xf32>,
        %swap3A_1143 = vector.shape_cast %swap3A_1142 : vector<1x16xf32> to vector<16xf32>
        %swap3A_1144 = vector.shape_cast %add3A_1135 : vector<16xf32> to vector<1x16xf32>
        tpu.vector_store %arg9[%swap3A_1140, %swap3A_1141], %swap3A_1144 {strides = array<i32>} : memref<128x32xf32, #tpu.memory_space<vmem>>, vector<1x16xf32>,
        %scan3A_1145 = arith.constant 0 : i32
        scf.yield %scan3A_1145 : i32
      }
      %scan3A_626 = arith.constant 64 : i32
      "tpu.region"() ({
        %run_scoped3A_642 = tpu.sem_alloc : memref<!tpu.dma_semaphore, #tpu.memory_space<semaphore_mem>>
        %dma_start3A_643 = arith.constant 0 : i32
        %dma_start3A_644 = tpu.memref_slice %arg5[%multiple_of3A_362, %dma_start3A_643] : memref<45056x32xf32, #tpu.memory_space<hbm>> -> memref<128x32xf32, #tpu.memory_space<hbm>>
        %dma_start3A_645 = arith.constant 0 : i32
        %dma_start3A_646 = tpu.memref_slice %arg5[%multiple_of3A_362, %dma_start3A_645] : memref<45056x32xf32, #tpu.memory_space<hbm>> -> memref<128x32xf32, #tpu.memory_space<hbm>>
        tpu.enqueue_dma source(%arg9 : memref<128x32xf32, #tpu.memory_space<vmem>>) target(%dma_start3A_646 : memref<128x32xf32, #tpu.memory_space<hbm>>) target_semaphore(%run_scoped3A_642 : memref<!tpu.dma_semaphore, #tpu.memory_space<semaphore_mem>>)
        %dma_wait3A_647 = arith.constant 0 : i32
        %dma_wait3A_648 = tpu.memref_slice %arg5[%multiple_of3A_362, %dma_wait3A_647] : memref<45056x32xf32, #tpu.memory_space<hbm>> -> memref<128x32xf32, #tpu.memory_space<hbm>>
        %dma_wait3A_649 = arith.constant 0 : i32
        %dma_wait3A_650 = tpu.memref_slice %arg5[%multiple_of3A_362, %dma_wait3A_649] : memref<45056x32xf32, #tpu.memory_space<hbm>> -> memref<128x32xf32, #tpu.memory_space<hbm>>
        tpu.wait_dma2 semaphore(%run_scoped3A_642 : memref<!tpu.dma_semaphore, #tpu.memory_space<semaphore_mem>>) src(%arg9 : memref<128x32xf32, #tpu.memory_space<vmem>>) dst(%dma_wait3A_650 : memref<128x32xf32, #tpu.memory_space<hbm>>)
        tpu.yield
      }) : () -> ()
      %add3A_627 = arith.constant 1 : i32
      %add3A_628 = arith.addi %scan3A_351, %add3A_627 : i32
      %lt3A_629 = arith.constant 11 : i32
      %lt3A_630 = arith.cmpi slt, %add3A_628, %lt3A_629 : i32
      %convert_element_type3A_631 = arith.extui %lt3A_630 : i1 to i32
      %cond3A_632 = arith.constant 0 : i32
      %cond3A_633 = arith.cmpi ne, %convert_element_type3A_631, %cond3A_632 : i32
      scf.if %cond3A_633 {
        %dma_start3A_642 = arith.constant 12 : i32
        %dma_start3A_643 = arith.constant 1536 : i32
        %dma_start3A_644 = arith.constant 0 : i32
        %dma_start3A_645 = tpu.memref_slice %arg8[%dma_start3A_643, %dma_start3A_644] : memref<3072x32xf32, #tpu.memory_space<vmem>> -> memref<128x32xf32, #tpu.memory_space<vmem>>
        %dma_start3A_646 = arith.constant 0 : i32
        %dma_start3A_647 = tpu.memref_slice %arg6[%sub3A_356, %dma_start3A_642, %dma_start3A_646] : memref<2x24x128xi32, #tpu.memory_space<vmem>> -> memref<1x1x128xi32, #tpu.memory_space<vmem>>
        %dma_start3A_648 = tpu.memref_squeeze %dma_start3A_647 : memref<1x1x128xi32, #tpu.memory_space<vmem>> -> memref<128xi32, #tpu.memory_space<vmem>>
        %dma_start3A_649 = arith.constant 0 : i32
        %dma_start3A_650 = arith.constant 0 : i32
        %dma_start3A_651 = tpu.memref_slice %arg2[%dma_start3A_649, %dma_start3A_650] : memref<160000x32xf32, #tpu.memory_space<hbm>> -> memref<160000x32xf32, #tpu.memory_space<hbm>>
        tpu.enqueue_indirect_dma source(%dma_start3A_651 : memref<160000x32xf32, #tpu.memory_space<hbm>>) target(%dma_start3A_645 : memref<128x32xf32, #tpu.memory_space<vmem>>) offsets(%dma_start3A_648 : memref<128xi32, #tpu.memory_space<vmem>>) semaphore(%arg11 : memref<!tpu.dma_semaphore, #tpu.memory_space<semaphore_mem>>)
        %dma_start3A_652 = arith.constant 13 : i32
        %dma_start3A_653 = arith.constant 1664 : i32
        %dma_start3A_654 = arith.constant 0 : i32
        %dma_start3A_655 = tpu.memref_slice %arg8[%dma_start3A_653, %dma_start3A_654] : memref<3072x32xf32, #tpu.memory_space<vmem>> -> memref<128x32xf32, #tpu.memory_space<vmem>>
        %dma_start3A_656 = arith.constant 0 : i32
        %dma_start3A_657 = tpu.memref_slice %arg6[%sub3A_356, %dma_start3A_652, %dma_start3A_656] : memref<2x24x128xi32, #tpu.memory_space<vmem>> -> memref<1x1x128xi32, #tpu.memory_space<vmem>>
        %dma_start3A_658 = tpu.memref_squeeze %dma_start3A_657 : memref<1x1x128xi32, #tpu.memory_space<vmem>> -> memref<128xi32, #tpu.memory_space<vmem>>
        %dma_start3A_659 = arith.constant 0 : i32
        %dma_start3A_660 = arith.constant 0 : i32
        %dma_start3A_661 = tpu.memref_slice %arg2[%dma_start3A_659, %dma_start3A_660] : memref<160000x32xf32, #tpu.memory_space<hbm>> -> memref<160000x32xf32, #tpu.memory_space<hbm>>
        tpu.enqueue_indirect_dma source(%dma_start3A_661 : memref<160000x32xf32, #tpu.memory_space<hbm>>) target(%dma_start3A_655 : memref<128x32xf32, #tpu.memory_space<vmem>>) offsets(%dma_start3A_658 : memref<128xi32, #tpu.memory_space<vmem>>) semaphore(%arg11 : memref<!tpu.dma_semaphore, #tpu.memory_space<semaphore_mem>>)
        %dma_start3A_662 = arith.constant 14 : i32
        %dma_start3A_663 = arith.constant 1792 : i32
        %dma_start3A_664 = arith.constant 0 : i32
        %dma_start3A_665 = tpu.memref_slice %arg8[%dma_start3A_663, %dma_start3A_664] : memref<3072x32xf32, #tpu.memory_space<vmem>> -> memref<128x32xf32, #tpu.memory_space<vmem>>
        %dma_start3A_666 = arith.constant 0 : i32
        %dma_start3A_667 = tpu.memref_slice %arg6[%sub3A_356, %dma_start3A_662, %dma_start3A_666] : memref<2x24x128xi32, #tpu.memory_space<vmem>> -> memref<1x1x128xi32, #tpu.memory_space<vmem>>
        %dma_start3A_668 = tpu.memref_squeeze %dma_start3A_667 : memref<1x1x128xi32, #tpu.memory_space<vmem>> -> memref<128xi32, #tpu.memory_space<vmem>>
        %dma_start3A_669 = arith.constant 0 : i32
        %dma_start3A_670 = arith.constant 0 : i32
        %dma_start3A_671 = tpu.memref_slice %arg2[%dma_start3A_669, %dma_start3A_670] : memref<160000x32xf32, #tpu.memory_space<hbm>> -> memref<160000x32xf32, #tpu.memory_space<hbm>>
        tpu.enqueue_indirect_dma source(%dma_start3A_671 : memref<160000x32xf32, #tpu.memory_space<hbm>>) target(%dma_start3A_665 : memref<128x32xf32, #tpu.memory_space<vmem>>) offsets(%dma_start3A_668 : memref<128xi32, #tpu.memory_space<vmem>>) semaphore(%arg11 : memref<!tpu.dma_semaphore, #tpu.memory_space<semaphore_mem>>)
        %dma_start3A_672 = arith.constant 15 : i32
        %dma_start3A_673 = arith.constant 1920 : i32
        %dma_start3A_674 = arith.constant 0 : i32
        %dma_start3A_675 = tpu.memref_slice %arg8[%dma_start3A_673, %dma_start3A_674] : memref<3072x32xf32, #tpu.memory_space<vmem>> -> memref<128x32xf32, #tpu.memory_space<vmem>>
        %dma_start3A_676 = arith.constant 0 : i32
        %dma_start3A_677 = tpu.memref_slice %arg6[%sub3A_356, %dma_start3A_672, %dma_start3A_676] : memref<2x24x128xi32, #tpu.memory_space<vmem>> -> memref<1x1x128xi32, #tpu.memory_space<vmem>>
        %dma_start3A_678 = tpu.memref_squeeze %dma_start3A_677 : memref<1x1x128xi32, #tpu.memory_space<vmem>> -> memref<128xi32, #tpu.memory_space<vmem>>
        %dma_start3A_679 = arith.constant 0 : i32
        %dma_start3A_680 = arith.constant 0 : i32
        %dma_start3A_681 = tpu.memref_slice %arg2[%dma_start3A_679, %dma_start3A_680] : memref<160000x32xf32, #tpu.memory_space<hbm>> -> memref<160000x32xf32, #tpu.memory_space<hbm>>
        tpu.enqueue_indirect_dma source(%dma_start3A_681 : memref<160000x32xf32, #tpu.memory_space<hbm>>) target(%dma_start3A_675 : memref<128x32xf32, #tpu.memory_space<vmem>>) offsets(%dma_start3A_678 : memref<128xi32, #tpu.memory_space<vmem>>) semaphore(%arg11 : memref<!tpu.dma_semaphore, #tpu.memory_space<semaphore_mem>>)
        %dma_start3A_682 = arith.constant 16 : i32
        %dma_start3A_683 = arith.constant 2048 : i32
        %dma_start3A_684 = arith.constant 0 : i32
        %dma_start3A_685 = tpu.memref_slice %arg8[%dma_start3A_683, %dma_start3A_684] : memref<3072x32xf32, #tpu.memory_space<vmem>> -> memref<128x32xf32, #tpu.memory_space<vmem>>
        %dma_start3A_686 = arith.constant 0 : i32
        %dma_start3A_687 = tpu.memref_slice %arg6[%sub3A_356, %dma_start3A_682, %dma_start3A_686] : memref<2x24x128xi32, #tpu.memory_space<vmem>> -> memref<1x1x128xi32, #tpu.memory_space<vmem>>
        %dma_start3A_688 = tpu.memref_squeeze %dma_start3A_687 : memref<1x1x128xi32, #tpu.memory_space<vmem>> -> memref<128xi32, #tpu.memory_space<vmem>>
        %dma_start3A_689 = arith.constant 0 : i32
        %dma_start3A_690 = arith.constant 0 : i32
        %dma_start3A_691 = tpu.memref_slice %arg2[%dma_start3A_689, %dma_start3A_690] : memref<160000x32xf32, #tpu.memory_space<hbm>> -> memref<160000x32xf32, #tpu.memory_space<hbm>>
        tpu.enqueue_indirect_dma source(%dma_start3A_691 : memref<160000x32xf32, #tpu.memory_space<hbm>>) target(%dma_start3A_685 : memref<128x32xf32, #tpu.memory_space<vmem>>) offsets(%dma_start3A_688 : memref<128xi32, #tpu.memory_space<vmem>>) semaphore(%arg11 : memref<!tpu.dma_semaphore, #tpu.memory_space<semaphore_mem>>)
        %dma_start3A_692 = arith.constant 17 : i32
        %dma_start3A_693 = arith.constant 2176 : i32
        %dma_start3A_694 = arith.constant 0 : i32
        %dma_start3A_695 = tpu.memref_slice %arg8[%dma_start3A_693, %dma_start3A_694] : memref<3072x32xf32, #tpu.memory_space<vmem>> -> memref<128x32xf32, #tpu.memory_space<vmem>>
        %dma_start3A_696 = arith.constant 0 : i32
        %dma_start3A_697 = tpu.memref_slice %arg6[%sub3A_356, %dma_start3A_692, %dma_start3A_696] : memref<2x24x128xi32, #tpu.memory_space<vmem>> -> memref<1x1x128xi32, #tpu.memory_space<vmem>>
        %dma_start3A_698 = tpu.memref_squeeze %dma_start3A_697 : memref<1x1x128xi32, #tpu.memory_space<vmem>> -> memref<128xi32, #tpu.memory_space<vmem>>
        %dma_start3A_699 = arith.constant 0 : i32
        %dma_start3A_700 = arith.constant 0 : i32
        %dma_start3A_701 = tpu.memref_slice %arg2[%dma_start3A_699, %dma_start3A_700] : memref<160000x32xf32, #tpu.memory_space<hbm>> -> memref<160000x32xf32, #tpu.memory_space<hbm>>
        tpu.enqueue_indirect_dma source(%dma_start3A_701 : memref<160000x32xf32, #tpu.memory_space<hbm>>) target(%dma_start3A_695 : memref<128x32xf32, #tpu.memory_space<vmem>>) offsets(%dma_start3A_698 : memref<128xi32, #tpu.memory_space<vmem>>) semaphore(%arg11 : memref<!tpu.dma_semaphore, #tpu.memory_space<semaphore_mem>>)
        %dma_start3A_702 = arith.constant 18 : i32
        %dma_start3A_703 = arith.constant 2304 : i32
        %dma_start3A_704 = arith.constant 0 : i32
        %dma_start3A_705 = tpu.memref_slice %arg8[%dma_start3A_703, %dma_start3A_704] : memref<3072x32xf32, #tpu.memory_space<vmem>> -> memref<128x32xf32, #tpu.memory_space<vmem>>
        %dma_start3A_706 = arith.constant 0 : i32
        %dma_start3A_707 = tpu.memref_slice %arg6[%sub3A_356, %dma_start3A_702, %dma_start3A_706] : memref<2x24x128xi32, #tpu.memory_space<vmem>> -> memref<1x1x128xi32, #tpu.memory_space<vmem>>
        %dma_start3A_708 = tpu.memref_squeeze %dma_start3A_707 : memref<1x1x128xi32, #tpu.memory_space<vmem>> -> memref<128xi32, #tpu.memory_space<vmem>>
        %dma_start3A_709 = arith.constant 0 : i32
        %dma_start3A_710 = arith.constant 0 : i32
        %dma_start3A_711 = tpu.memref_slice %arg2[%dma_start3A_709, %dma_start3A_710] : memref<160000x32xf32, #tpu.memory_space<hbm>> -> memref<160000x32xf32, #tpu.memory_space<hbm>>
        tpu.enqueue_indirect_dma source(%dma_start3A_711 : memref<160000x32xf32, #tpu.memory_space<hbm>>) target(%dma_start3A_705 : memref<128x32xf32, #tpu.memory_space<vmem>>) offsets(%dma_start3A_708 : memref<128xi32, #tpu.memory_space<vmem>>) semaphore(%arg11 : memref<!tpu.dma_semaphore, #tpu.memory_space<semaphore_mem>>)
        %dma_start3A_712 = arith.constant 19 : i32
        %dma_start3A_713 = arith.constant 2432 : i32
        %dma_start3A_714 = arith.constant 0 : i32
        %dma_start3A_715 = tpu.memref_slice %arg8[%dma_start3A_713, %dma_start3A_714] : memref<3072x32xf32, #tpu.memory_space<vmem>> -> memref<128x32xf32, #tpu.memory_space<vmem>>
        %dma_start3A_716 = arith.constant 0 : i32
        %dma_start3A_717 = tpu.memref_slice %arg6[%sub3A_356, %dma_start3A_712, %dma_start3A_716] : memref<2x24x128xi32, #tpu.memory_space<vmem>> -> memref<1x1x128xi32, #tpu.memory_space<vmem>>
        %dma_start3A_718 = tpu.memref_squeeze %dma_start3A_717 : memref<1x1x128xi32, #tpu.memory_space<vmem>> -> memref<128xi32, #tpu.memory_space<vmem>>
        %dma_start3A_719 = arith.constant 0 : i32
        %dma_start3A_720 = arith.constant 0 : i32
        %dma_start3A_721 = tpu.memref_slice %arg2[%dma_start3A_719, %dma_start3A_720] : memref<160000x32xf32, #tpu.memory_space<hbm>> -> memref<160000x32xf32, #tpu.memory_space<hbm>>
        tpu.enqueue_indirect_dma source(%dma_start3A_721 : memref<160000x32xf32, #tpu.memory_space<hbm>>) target(%dma_start3A_715 : memref<128x32xf32, #tpu.memory_space<vmem>>) offsets(%dma_start3A_718 : memref<128xi32, #tpu.memory_space<vmem>>) semaphore(%arg11 : memref<!tpu.dma_semaphore, #tpu.memory_space<semaphore_mem>>)
        %dma_start3A_722 = arith.constant 20 : i32
        %dma_start3A_723 = arith.constant 2560 : i32
        %dma_start3A_724 = arith.constant 0 : i32
        %dma_start3A_725 = tpu.memref_slice %arg8[%dma_start3A_723, %dma_start3A_724] : memref<3072x32xf32, #tpu.memory_space<vmem>> -> memref<128x32xf32, #tpu.memory_space<vmem>>
        %dma_start3A_726 = arith.constant 0 : i32
        %dma_start3A_727 = tpu.memref_slice %arg6[%sub3A_356, %dma_start3A_722, %dma_start3A_726] : memref<2x24x128xi32, #tpu.memory_space<vmem>> -> memref<1x1x128xi32, #tpu.memory_space<vmem>>
        %dma_start3A_728 = tpu.memref_squeeze %dma_start3A_727 : memref<1x1x128xi32, #tpu.memory_space<vmem>> -> memref<128xi32, #tpu.memory_space<vmem>>
        %dma_start3A_729 = arith.constant 0 : i32
        %dma_start3A_730 = arith.constant 0 : i32
        %dma_start3A_731 = tpu.memref_slice %arg2[%dma_start3A_729, %dma_start3A_730] : memref<160000x32xf32, #tpu.memory_space<hbm>> -> memref<160000x32xf32, #tpu.memory_space<hbm>>
        tpu.enqueue_indirect_dma source(%dma_start3A_731 : memref<160000x32xf32, #tpu.memory_space<hbm>>) target(%dma_start3A_725 : memref<128x32xf32, #tpu.memory_space<vmem>>) offsets(%dma_start3A_728 : memref<128xi32, #tpu.memory_space<vmem>>) semaphore(%arg11 : memref<!tpu.dma_semaphore, #tpu.memory_space<semaphore_mem>>)
        %dma_start3A_732 = arith.constant 21 : i32
        %dma_start3A_733 = arith.constant 2688 : i32
        %dma_start3A_734 = arith.constant 0 : i32
        %dma_start3A_735 = tpu.memref_slice %arg8[%dma_start3A_733, %dma_start3A_734] : memref<3072x32xf32, #tpu.memory_space<vmem>> -> memref<128x32xf32, #tpu.memory_space<vmem>>
        %dma_start3A_736 = arith.constant 0 : i32
        %dma_start3A_737 = tpu.memref_slice %arg6[%sub3A_356, %dma_start3A_732, %dma_start3A_736] : memref<2x24x128xi32, #tpu.memory_space<vmem>> -> memref<1x1x128xi32, #tpu.memory_space<vmem>>
        %dma_start3A_738 = tpu.memref_squeeze %dma_start3A_737 : memref<1x1x128xi32, #tpu.memory_space<vmem>> -> memref<128xi32, #tpu.memory_space<vmem>>
        %dma_start3A_739 = arith.constant 0 : i32
        %dma_start3A_740 = arith.constant 0 : i32
        %dma_start3A_741 = tpu.memref_slice %arg2[%dma_start3A_739, %dma_start3A_740] : memref<160000x32xf32, #tpu.memory_space<hbm>> -> memref<160000x32xf32, #tpu.memory_space<hbm>>
        tpu.enqueue_indirect_dma source(%dma_start3A_741 : memref<160000x32xf32, #tpu.memory_space<hbm>>) target(%dma_start3A_735 : memref<128x32xf32, #tpu.memory_space<vmem>>) offsets(%dma_start3A_738 : memref<128xi32, #tpu.memory_space<vmem>>) semaphore(%arg11 : memref<!tpu.dma_semaphore, #tpu.memory_space<semaphore_mem>>)
        %dma_start3A_742 = arith.constant 22 : i32
        %dma_start3A_743 = arith.constant 2816 : i32
        %dma_start3A_744 = arith.constant 0 : i32
        %dma_start3A_745 = tpu.memref_slice %arg8[%dma_start3A_743, %dma_start3A_744] : memref<3072x32xf32, #tpu.memory_space<vmem>> -> memref<128x32xf32, #tpu.memory_space<vmem>>
        %dma_start3A_746 = arith.constant 0 : i32
        %dma_start3A_747 = tpu.memref_slice %arg6[%sub3A_356, %dma_start3A_742, %dma_start3A_746] : memref<2x24x128xi32, #tpu.memory_space<vmem>> -> memref<1x1x128xi32, #tpu.memory_space<vmem>>
        %dma_start3A_748 = tpu.memref_squeeze %dma_start3A_747 : memref<1x1x128xi32, #tpu.memory_space<vmem>> -> memref<128xi32, #tpu.memory_space<vmem>>
        %dma_start3A_749 = arith.constant 0 : i32
        %dma_start3A_750 = arith.constant 0 : i32
        %dma_start3A_751 = tpu.memref_slice %arg2[%dma_start3A_749, %dma_start3A_750] : memref<160000x32xf32, #tpu.memory_space<hbm>> -> memref<160000x32xf32, #tpu.memory_space<hbm>>
        tpu.enqueue_indirect_dma source(%dma_start3A_751 : memref<160000x32xf32, #tpu.memory_space<hbm>>) target(%dma_start3A_745 : memref<128x32xf32, #tpu.memory_space<vmem>>) offsets(%dma_start3A_748 : memref<128xi32, #tpu.memory_space<vmem>>) semaphore(%arg11 : memref<!tpu.dma_semaphore, #tpu.memory_space<semaphore_mem>>)
        %dma_start3A_752 = arith.constant 23 : i32
        %dma_start3A_753 = arith.constant 2944 : i32
        %dma_start3A_754 = arith.constant 0 : i32
        %dma_start3A_755 = tpu.memref_slice %arg8[%dma_start3A_753, %dma_start3A_754] : memref<3072x32xf32, #tpu.memory_space<vmem>> -> memref<128x32xf32, #tpu.memory_space<vmem>>
        %dma_start3A_756 = arith.constant 0 : i32
        %dma_start3A_757 = tpu.memref_slice %arg6[%sub3A_356, %dma_start3A_752, %dma_start3A_756] : memref<2x24x128xi32, #tpu.memory_space<vmem>> -> memref<1x1x128xi32, #tpu.memory_space<vmem>>
        %dma_start3A_758 = tpu.memref_squeeze %dma_start3A_757 : memref<1x1x128xi32, #tpu.memory_space<vmem>> -> memref<128xi32, #tpu.memory_space<vmem>>
        %dma_start3A_759 = arith.constant 0 : i32
        %dma_start3A_760 = arith.constant 0 : i32
        %dma_start3A_761 = tpu.memref_slice %arg2[%dma_start3A_759, %dma_start3A_760] : memref<160000x32xf32, #tpu.memory_space<hbm>> -> memref<160000x32xf32, #tpu.memory_space<hbm>>
        tpu.enqueue_indirect_dma source(%dma_start3A_761 : memref<160000x32xf32, #tpu.memory_space<hbm>>) target(%dma_start3A_755 : memref<128x32xf32, #tpu.memory_space<vmem>>) offsets(%dma_start3A_758 : memref<128xi32, #tpu.memory_space<vmem>>) semaphore(%arg11 : memref<!tpu.dma_semaphore, #tpu.memory_space<semaphore_mem>>)
      } else {
      }
      %add3A_634 = arith.constant 2 : i32
      %add3A_635 = arith.addi %scan3A_351, %add3A_634 : i32
      %lt3A_636 = arith.constant 11 : i32
      %lt3A_637 = arith.cmpi slt, %add3A_635, %lt3A_636 : i32
      %convert_element_type3A_638 = arith.extui %lt3A_637 : i1 to i32
      %cond3A_639 = arith.constant 0 : i32
      %cond3A_640 = arith.cmpi ne, %convert_element_type3A_638, %cond3A_639 : i32
      scf.if %cond3A_640 {
        %add3A_642 = arith.constant 2 : i32
        %add3A_643 = arith.addi %scan3A_351, %add3A_642 : i32
        %mul3A_644 = arith.constant 1408 : i32
        %mul3A_645 = arith.muli %add3A, %mul3A_644 : i32
        %mul3A_646 = arith.constant 128 : i32
        %mul3A_647 = arith.muli %add3A_643, %mul3A_646 : i32
        %add3A_648 = arith.addi %mul3A_645, %mul3A_647 : i32
        %multiple_of3A_649 = tpu.assume_multiple %add3A_648, 128 : i32
        %mul3A_650 = arith.constant 24 : i32
        %mul3A_651 = arith.muli %multiple_of3A_649, %mul3A_650 : i32
        %jit3A_652 = arith.constant 128 : i32
        %div3A_653 = arith.divsi %mul3A_651, %jit3A_652 : i32
        %sign3A_654 = arith.constant 0 : i32
        %sign3A_655 = arith.cmpi sgt, %mul3A_651, %sign3A_654 : i32
        %sign3A_656 = arith.extui %sign3A_655 : i1 to i32
        %sign3A_657 = arith.constant 0 : i32
        %sign3A_658 = arith.cmpi slt, %mul3A_651, %sign3A_657 : i32
        %sign3A_659 = arith.extui %sign3A_658 : i1 to i32
        %sign3A_660 = arith.subi %sign3A_656, %sign3A_659 : i32
        %sign3A_661 = arith.constant 0 : i32
        %sign3A_662 = arith.cmpi sgt, %jit3A_652, %sign3A_661 : i32
        %sign3A_663 = arith.extui %sign3A_662 : i1 to i32
        %sign3A_664 = arith.constant 0 : i32
        %sign3A_665 = arith.cmpi slt, %jit3A_652, %sign3A_664 : i32
        %sign3A_666 = arith.extui %sign3A_665 : i1 to i32
        %sign3A_667 = arith.subi %sign3A_663, %sign3A_666 : i32
        %ne3A_668 = arith.cmpi ne, %sign3A_660, %sign3A_667 : i32
        %rem3A_669 = arith.remsi %mul3A_651, %jit3A_652 : i32
        %ne3A_670 = arith.constant 0 : i32
        %ne3A_671 = arith.cmpi ne, %rem3A_669, %ne3A_670 : i32
        %and3A_672 = arith.andi %ne3A_668, %ne3A_671 : i1
        %sub3A_673 = arith.constant 1 : i32
        %sub3A_674 = arith.subi %div3A_653, %sub3A_673 : i32
        %select_n3A_675 = arith.select %and3A_672, %sub3A_674, %div3A_653 : i32
        %multiple_of3A_676 = tpu.assume_multiple %select_n3A_675, 8 : i32
        %dma_start3A_677 = arith.constant 0 : i32
        %dma_start3A_678 = arith.constant 0 : i32
        %dma_start3A_679 = tpu.memref_slice %arg6[%and3A_354, %dma_start3A_677, %dma_start3A_678] : memref<2x24x128xi32, #tpu.memory_space<vmem>> -> memref<1x24x128xi32, #tpu.memory_space<vmem>>
        %dma_start3A_680 = tpu.memref_squeeze %dma_start3A_679 : memref<1x24x128xi32, #tpu.memory_space<vmem>> -> memref<24x128xi32, #tpu.memory_space<vmem>>
        %dma_start3A_681 = arith.constant 0 : i32
        %dma_start3A_682 = tpu.memref_slice %arg3[%multiple_of3A_676, %dma_start3A_681] : memref<8448x128xi32, #tpu.memory_space<hbm>> -> memref<24x128xi32, #tpu.memory_space<hbm>>
        %dma_start3A_683 = arith.constant 0 : i32
        %dma_start3A_684 = arith.constant 0 : i32
        %dma_start3A_685 = tpu.memref_slice %arg6[%and3A_354, %dma_start3A_683, %dma_start3A_684] : memref<2x24x128xi32, #tpu.memory_space<vmem>> -> memref<1x24x128xi32, #tpu.memory_space<vmem>>
        %dma_start3A_686 = tpu.memref_squeeze %dma_start3A_685 : memref<1x24x128xi32, #tpu.memory_space<vmem>> -> memref<24x128xi32, #tpu.memory_space<vmem>>
        %dma_start3A_687 = arith.constant 0 : i32
        %dma_start3A_688 = tpu.memref_slice %arg3[%multiple_of3A_676, %dma_start3A_687] : memref<8448x128xi32, #tpu.memory_space<hbm>> -> memref<24x128xi32, #tpu.memory_space<hbm>>
        tpu.enqueue_dma source(%dma_start3A_688 : memref<24x128xi32, #tpu.memory_space<hbm>>) target(%dma_start3A_686 : memref<24x128xi32, #tpu.memory_space<vmem>>) target_semaphore(%arg12 : memref<!tpu.dma_semaphore, #tpu.memory_space<semaphore_mem>>)
        %mul3A_689 = arith.constant 24 : i32
        %mul3A_690 = arith.muli %multiple_of3A_649, %mul3A_689 : i32
        %dma_start3A_691 = arith.constant 0 : i32
        %dma_start3A_692 = tpu.memref_slice %arg7[%and3A_354, %dma_start3A_691] : memref<2x3072xf32, #tpu.memory_space<vmem>> -> memref<1x3072xf32, #tpu.memory_space<vmem>>
        %dma_start3A_693 = tpu.memref_squeeze %dma_start3A_692 : memref<1x3072xf32, #tpu.memory_space<vmem>> -> memref<3072xf32, #tpu.memory_space<vmem>>
        %dma_start3A_694 = tpu.memref_slice %arg4[%mul3A_690] : memref<1081344xf32, #tpu.memory_space<hbm>> -> memref<3072xf32, #tpu.memory_space<hbm>>
        %dma_start3A_695 = arith.constant 0 : i32
        %dma_start3A_696 = tpu.memref_slice %arg7[%and3A_354, %dma_start3A_695] : memref<2x3072xf32, #tpu.memory_space<vmem>> -> memref<1x3072xf32, #tpu.memory_space<vmem>>
        %dma_start3A_697 = tpu.memref_squeeze %dma_start3A_696 : memref<1x3072xf32, #tpu.memory_space<vmem>> -> memref<3072xf32, #tpu.memory_space<vmem>>
        %dma_start3A_698 = tpu.memref_slice %arg4[%mul3A_690] : memref<1081344xf32, #tpu.memory_space<hbm>> -> memref<3072xf32, #tpu.memory_space<hbm>>
        tpu.enqueue_dma source(%dma_start3A_698 : memref<3072xf32, #tpu.memory_space<hbm>>) target(%dma_start3A_697 : memref<3072xf32, #tpu.memory_space<vmem>>) target_semaphore(%arg12 : memref<!tpu.dma_semaphore, #tpu.memory_space<semaphore_mem>>)
      } else {
      }
      %scan3A_641 = arith.constant 0 : i32
      scf.yield %scan3A_641 : i32
    }
    %scan3A_350 = arith.constant 11 : i32
    return
  }
}

module attributes {stable_mosaic.version = 14 : i64} {
  func.func @_prep_kernel(%arg0: i32, %arg1: memref<1x256x2700xf32, #tpu.memory_space<vmem>>, %arg2: memref<1x2x2700xf32, #tpu.memory_space<vmem>>, %arg3: memref<96x256xf32, #tpu.memory_space<vmem>>, %arg4: memref<96x1xf32, #tpu.memory_space<vmem>>, %arg5: memref<48x256xf32, #tpu.memory_space<vmem>>, %arg6: memref<48x1xf32, #tpu.memory_space<vmem>>, %arg7: memref<1x4x48x2700xi32, #tpu.memory_space<vmem>>, %arg8: memref<1x4x48x2700xf32, #tpu.memory_space<vmem>>) attributes {dimension_semantics = [#tpu.dimension_semantics<arbitrary>], iteration_bounds = array<i64: 2>, scalar_prefetch = 0 : i64, scratch_operands = 0 : i64, tpu.core_type = #tpu.core_type<tc>, window_params = [{transform_indices = @transform_0, window_bounds = array<i64: 1, 256, 2700>}, {transform_indices = @transform_1, window_bounds = array<i64: 1, 2, 2700>}, {pipeline_mode = #tpu.pipeline_mode<synchronous>, transform_indices = @transform_2, window_bounds = array<i64: 96, 256>}, {pipeline_mode = #tpu.pipeline_mode<synchronous>, transform_indices = @transform_3, window_bounds = array<i64: 96, 1>}, {pipeline_mode = #tpu.pipeline_mode<synchronous>, transform_indices = @transform_4, window_bounds = array<i64: 48, 256>}, {pipeline_mode = #tpu.pipeline_mode<synchronous>, transform_indices = @transform_5, window_bounds = array<i64: 48, 1>}, {transform_indices = @transform_6, window_bounds = array<i64: 1, 4, 48, 2700>}, {transform_indices = @transform_7, window_bounds = array<i64: 1, 4, 48, 2700>}]} {
    %get3A = arith.constant 0 : index
    %get3A_0 = arith.constant 0 : index
    %get3A_1 = arith.constant 0 : index
    %get3A_2 = vector.load %arg1[%get3A, %get3A_0, %get3A_1] : memref<1x256x2700xf32, #tpu.memory_space<vmem>>, vector<1x256x2700xf32>
    %get3A_3 = vector.shape_cast %get3A_2 : vector<1x256x2700xf32> to vector<256x2700xf32>
    %get3A_4 = arith.constant 0 : index
    %get3A_5 = arith.constant 0 : index
    %get3A_6 = vector.load %arg3[%get3A_4, %get3A_5] : memref<96x256xf32, #tpu.memory_space<vmem>>, vector<96x256xf32>
    %dot_general3A = arith.constant dense<0.000000e+00> : vector<96x2700xf32>
    %dot_general3A_7 = tpu.matmul %get3A_6, %get3A_3, %dot_general3A {dimension_numbers = #tpu.dot_dimension_numbers<[1], [0], [0], [1], [0, 0, 1, 1], [], []>, transpose_lhs_hint = false} : vector<96x256xf32>, vector<256x2700xf32>, vector<96x2700xf32> -> vector<96x2700xf32>
    %get3A_8 = arith.constant 0 : index
    %get3A_9 = arith.constant 0 : index
    %get3A_10 = vector.load %arg4[%get3A_8, %get3A_9] : memref<96x1xf32, #tpu.memory_space<vmem>>, vector<96x1xf32>
    %add3A = vector.broadcast %get3A_10 : vector<96x1xf32> to vector<96x2700xf32>
    %add3A_11 = arith.addf %dot_general3A_7, %add3A : vector<96x2700xf32>
    %get3A_12 = arith.constant 0 : index
    %get3A_13 = arith.constant 0 : index
    %get3A_14 = vector.load %arg5[%get3A_12, %get3A_13] : memref<48x256xf32, #tpu.memory_space<vmem>>, vector<48x256xf32>
    %dot_general3A_15 = arith.constant dense<0.000000e+00> : vector<48x2700xf32>
    %dot_general3A_16 = tpu.matmul %get3A_14, %get3A_3, %dot_general3A_15 {dimension_numbers = #tpu.dot_dimension_numbers<[1], [0], [0], [1], [0, 0, 1, 1], [], []>, transpose_lhs_hint = false} : vector<48x256xf32>, vector<256x2700xf32>, vector<48x2700xf32> -> vector<48x2700xf32>
    %get3A_17 = arith.constant 0 : index
    %get3A_18 = arith.constant 0 : index
    %get3A_19 = vector.load %arg6[%get3A_17, %get3A_18] : memref<48x1xf32, #tpu.memory_space<vmem>>, vector<48x1xf32>
    %add3A_20 = vector.broadcast %get3A_19 : vector<48x1xf32> to vector<48x2700xf32>
    %add3A_21 = arith.addf %dot_general3A_16, %add3A_20 : vector<48x2700xf32>
    %reshape3A = vector.shape_cast %add3A_21 : vector<48x2700xf32> to vector<8x6x2700xf32>
    %reduce_max3A = arith.constant dense<0xFF800000> : vector<8x2700xf32>
    %reduce_max3A_22 = vector.multi_reduction <maximumf>, %reshape3A, %reduce_max3A [1] : vector<8x6x2700xf32> to vector<8x2700xf32>
    %broadcast_in_dim3A = vector.shape_cast %reduce_max3A_22 : vector<8x2700xf32> to vector<8x1x2700xf32>
    %sub3A = vector.broadcast %broadcast_in_dim3A : vector<8x1x2700xf32> to vector<8x6x2700xf32>
    %sub3A_23 = arith.subf %reshape3A, %sub3A : vector<8x6x2700xf32>
    %exp3A = math.exp %sub3A_23 : vector<8x6x2700xf32>
    %reduce_sum3A = arith.constant dense<0.000000e+00> : vector<8x2700xf32>
    %reduce_sum3A_24 = vector.multi_reduction <add>, %exp3A, %reduce_sum3A [1] : vector<8x6x2700xf32> to vector<8x2700xf32>
    %broadcast_in_dim3A_25 = vector.shape_cast %reduce_sum3A_24 : vector<8x2700xf32> to vector<8x1x2700xf32>
    %div3A = vector.broadcast %broadcast_in_dim3A_25 : vector<8x1x2700xf32> to vector<8x6x2700xf32>
    %div3A_26 = arith.divf %exp3A, %div3A : vector<8x6x2700xf32>
    %reshape3A_27 = vector.shape_cast %div3A_26 : vector<8x6x2700xf32> to vector<48x2700xf32>
    %get3A_28 = arith.constant 0 : index
    %get3A_29 = arith.constant 0 : index
    %get3A_30 = arith.constant 0 : index
    %get3A_31 = vector.load %arg2[%get3A_28, %get3A_29, %get3A_30] : memref<1x2x2700xf32, #tpu.memory_space<vmem>>, vector<1x1x2700xf32>
    %get3A_32 = vector.shape_cast %get3A_31 : vector<1x1x2700xf32> to vector<1x2700xf32>
    %get3A_33 = arith.constant 0 : index
    %get3A_34 = arith.constant 1 : index
    %get3A_35 = arith.constant 0 : index
    %get3A_36 = vector.load %arg2[%get3A_33, %get3A_34, %get3A_35] : memref<1x2x2700xf32, #tpu.memory_space<vmem>>, vector<1x1x2700xf32>
    %get3A_37 = vector.shape_cast %get3A_36 : vector<1x1x2700xf32> to vector<1x2700xf32>
    %slice3A = vector.extract_strided_slice %add3A_11 {offsets = [0, 0], sizes = [48, 2700], strides = [1, 1]} : vector<96x2700xf32> to vector<48x2700xf32>
    %div3A_38 = arith.constant 1.000000e+02 : f32
    %div3A_39 = vector.broadcast %div3A_38 : f32 to vector<48x2700xf32>
    %div3A_40 = arith.divf %slice3A, %div3A_39 : vector<48x2700xf32>
    %add3A_41 = vector.broadcast %get3A_32 : vector<1x2700xf32> to vector<48x2700xf32>
    %add3A_42 = arith.addf %add3A_41, %div3A_40 : vector<48x2700xf32>
    %mul3A = arith.constant 1.000000e+02 : f32
    %mul3A_43 = vector.broadcast %mul3A : f32 to vector<48x2700xf32>
    %mul3A_44 = arith.mulf %add3A_42, %mul3A_43 : vector<48x2700xf32>
    %sub3A_45 = arith.constant 5.000000e-01 : f32
    %sub3A_46 = vector.broadcast %sub3A_45 : f32 to vector<48x2700xf32>
    %sub3A_47 = arith.subf %mul3A_44, %sub3A_46 : vector<48x2700xf32>
    %slice3A_48 = vector.extract_strided_slice %add3A_11 {offsets = [48, 0], sizes = [48, 2700], strides = [1, 1]} : vector<96x2700xf32> to vector<48x2700xf32>
    %div3A_49 = arith.constant 1.000000e+02 : f32
    %div3A_50 = vector.broadcast %div3A_49 : f32 to vector<48x2700xf32>
    %div3A_51 = arith.divf %slice3A_48, %div3A_50 : vector<48x2700xf32>
    %add3A_52 = vector.broadcast %get3A_37 : vector<1x2700xf32> to vector<48x2700xf32>
    %add3A_53 = arith.addf %add3A_52, %div3A_51 : vector<48x2700xf32>
    %mul3A_54 = arith.constant 1.000000e+02 : f32
    %mul3A_55 = vector.broadcast %mul3A_54 : f32 to vector<48x2700xf32>
    %mul3A_56 = arith.mulf %add3A_53, %mul3A_55 : vector<48x2700xf32>
    %sub3A_57 = arith.constant 5.000000e-01 : f32
    %sub3A_58 = vector.broadcast %sub3A_57 : f32 to vector<48x2700xf32>
    %sub3A_59 = arith.subf %mul3A_56, %sub3A_58 : vector<48x2700xf32>
    %floor3A = math.floor %sub3A_47 : vector<48x2700xf32>
    %floor3A_60 = math.floor %sub3A_59 : vector<48x2700xf32>
    %sub3A_61 = arith.subf %sub3A_47, %floor3A : vector<48x2700xf32>
    %sub3A_62 = arith.constant 1.000000e+00 : f32
    %sub3A_63 = vector.broadcast %sub3A_62 : f32 to vector<48x2700xf32>
    %sub3A_64 = arith.subf %sub3A_63, %sub3A_61 : vector<48x2700xf32>
    %sub3A_65 = arith.subf %sub3A_59, %floor3A_60 : vector<48x2700xf32>
    %sub3A_66 = arith.constant 1.000000e+00 : f32
    %sub3A_67 = vector.broadcast %sub3A_66 : f32 to vector<48x2700xf32>
    %sub3A_68 = arith.subf %sub3A_67, %sub3A_65 : vector<48x2700xf32>
    %iota3A = tpu.iota {dimensions = array<i32: 0>} : vector<48x2700xi32>
    %jit3A = arith.constant 6 : i32
    %div3A_69 = vector.broadcast %jit3A : i32 to vector<48x2700xi32>
    %div3A_70 = arith.divsi %iota3A, %div3A_69 : vector<48x2700xi32>
    %sign3A = arith.constant 0 : i32
    %sign3A_71 = vector.broadcast %sign3A : i32 to vector<48x2700xi32>
    %sign3A_72 = arith.cmpi sgt, %iota3A, %sign3A_71 : vector<48x2700xi32>
    %sign3A_73 = arith.extui %sign3A_72 : vector<48x2700xi1> to vector<48x2700xi32>
    %sign3A_74 = arith.constant 0 : i32
    %sign3A_75 = vector.broadcast %sign3A_74 : i32 to vector<48x2700xi32>
    %sign3A_76 = arith.cmpi slt, %iota3A, %sign3A_75 : vector<48x2700xi32>
    %sign3A_77 = arith.extui %sign3A_76 : vector<48x2700xi1> to vector<48x2700xi32>
    %sign3A_78 = arith.subi %sign3A_73, %sign3A_77 : vector<48x2700xi32>
    %sign3A_79 = arith.constant 0 : i32
    %sign3A_80 = arith.cmpi sgt, %jit3A, %sign3A_79 : i32
    %sign3A_81 = arith.extui %sign3A_80 : i1 to i32
    %sign3A_82 = arith.constant 0 : i32
    %sign3A_83 = arith.cmpi slt, %jit3A, %sign3A_82 : i32
    %sign3A_84 = arith.extui %sign3A_83 : i1 to i32
    %sign3A_85 = arith.subi %sign3A_81, %sign3A_84 : i32
    %ne3A = vector.broadcast %sign3A_85 : i32 to vector<48x2700xi32>
    %ne3A_86 = arith.cmpi ne, %sign3A_78, %ne3A : vector<48x2700xi32>
    %rem3A = vector.broadcast %jit3A : i32 to vector<48x2700xi32>
    %rem3A_87 = arith.remsi %iota3A, %rem3A : vector<48x2700xi32>
    %ne3A_88 = arith.constant 0 : i32
    %ne3A_89 = vector.broadcast %ne3A_88 : i32 to vector<48x2700xi32>
    %ne3A_90 = arith.cmpi ne, %rem3A_87, %ne3A_89 : vector<48x2700xi32>
    %and3A = arith.andi %ne3A_86, %ne3A_90 : vector<48x2700xi1>
    %sub3A_91 = arith.constant 1 : i32
    %sub3A_92 = vector.broadcast %sub3A_91 : i32 to vector<48x2700xi32>
    %sub3A_93 = arith.subi %div3A_70, %sub3A_92 : vector<48x2700xi32>
    %select_n3A = arith.select %and3A, %sub3A_93, %div3A_70 : vector<48x2700xi1>, vector<48x2700xi32>
    %add3A_94 = arith.constant 0.000000e+00 : f32
    %add3A_95 = vector.broadcast %add3A_94 : f32 to vector<48x2700xf32>
    %add3A_96 = arith.addf %floor3A_60, %add3A_95 : vector<48x2700xf32>
    %add3A_97 = arith.constant 0.000000e+00 : f32
    %add3A_98 = vector.broadcast %add3A_97 : f32 to vector<48x2700xf32>
    %add3A_99 = arith.addf %floor3A, %add3A_98 : vector<48x2700xf32>
    %convert_element_type3A = arith.fptosi %add3A_96 : vector<48x2700xf32> to vector<48x2700xi32>
    %jit3A_100 = arith.constant 0 : i32
    %jit3A_101 = arith.constant 99 : i32
    %max3A = vector.broadcast %jit3A_100 : i32 to vector<48x2700xi32>
    %max3A_102 = arith.maxsi %max3A, %convert_element_type3A : vector<48x2700xi32>
    %min3A = vector.broadcast %jit3A_101 : i32 to vector<48x2700xi32>
    %min3A_103 = arith.minsi %min3A, %max3A_102 : vector<48x2700xi32>
    %convert_element_type3A_104 = arith.fptosi %add3A_99 : vector<48x2700xf32> to vector<48x2700xi32>
    %jit3A_105 = arith.constant 0 : i32
    %jit3A_106 = arith.constant 99 : i32
    %max3A_107 = vector.broadcast %jit3A_105 : i32 to vector<48x2700xi32>
    %max3A_108 = arith.maxsi %max3A_107, %convert_element_type3A_104 : vector<48x2700xi32>
    %min3A_109 = vector.broadcast %jit3A_106 : i32 to vector<48x2700xi32>
    %min3A_110 = arith.minsi %min3A_109, %max3A_108 : vector<48x2700xi32>
    %ge3A = arith.constant 0.000000e+00 : f32
    %ge3A_111 = vector.broadcast %ge3A : f32 to vector<48x2700xf32>
    %ge3A_112 = arith.cmpf oge, %add3A_96, %ge3A_111 : vector<48x2700xf32>
    %le3A = arith.constant 9.900000e+01 : f32
    %le3A_113 = vector.broadcast %le3A : f32 to vector<48x2700xf32>
    %le3A_114 = arith.cmpf ole, %add3A_96, %le3A_113 : vector<48x2700xf32>
    %and3A_115 = arith.andi %ge3A_112, %le3A_114 : vector<48x2700xi1>
    %ge3A_116 = arith.constant 0.000000e+00 : f32
    %ge3A_117 = vector.broadcast %ge3A_116 : f32 to vector<48x2700xf32>
    %ge3A_118 = arith.cmpf oge, %add3A_99, %ge3A_117 : vector<48x2700xf32>
    %and3A_119 = arith.andi %and3A_115, %ge3A_118 : vector<48x2700xi1>
    %le3A_120 = arith.constant 9.900000e+01 : f32
    %le3A_121 = vector.broadcast %le3A_120 : f32 to vector<48x2700xf32>
    %le3A_122 = arith.cmpf ole, %add3A_99, %le3A_121 : vector<48x2700xf32>
    %and3A_123 = arith.andi %and3A_119, %le3A_122 : vector<48x2700xi1>
    %mul3A_124 = arith.constant 10000 : i32
    %mul3A_125 = arith.muli %arg0, %mul3A_124 : i32
    %mul3A_126 = arith.constant 100 : i32
    %mul3A_127 = vector.broadcast %mul3A_126 : i32 to vector<48x2700xi32>
    %mul3A_128 = arith.muli %min3A_103, %mul3A_127 : vector<48x2700xi32>
    %add3A_129 = vector.broadcast %mul3A_125 : i32 to vector<48x2700xi32>
    %add3A_130 = arith.addi %add3A_129, %mul3A_128 : vector<48x2700xi32>
    %add3A_131 = arith.addi %add3A_130, %min3A_110 : vector<48x2700xi32>
    %mul3A_132 = arith.constant 8 : i32
    %mul3A_133 = vector.broadcast %mul3A_132 : i32 to vector<48x2700xi32>
    %mul3A_134 = arith.muli %add3A_131, %mul3A_133 : vector<48x2700xi32>
    %add3A_135 = arith.addi %mul3A_134, %select_n3A : vector<48x2700xi32>
    %swap3A = arith.constant 0 : index
    %swap3A_136 = arith.constant 0 : index
    %swap3A_137 = arith.constant 0 : index
    %swap3A_138 = arith.constant 0 : index
    %swap3A_139 = vector.load %arg7[%swap3A, %swap3A_136, %swap3A_137, %swap3A_138] : memref<1x4x48x2700xi32, #tpu.memory_space<vmem>>, vector<1x1x48x2700xi32>
    %swap3A_140 = vector.shape_cast %swap3A_139 : vector<1x1x48x2700xi32> to vector<48x2700xi32>
    %swap3A_141 = vector.shape_cast %add3A_135 : vector<48x2700xi32> to vector<1x1x48x2700xi32>
    tpu.vector_store %arg7[%swap3A, %swap3A_136, %swap3A_137, %swap3A_138], %swap3A_141 {strides = array<i32>} : memref<1x4x48x2700xi32, #tpu.memory_space<vmem>>, vector<1x1x48x2700xi32>,
    %mul3A_142 = arith.mulf %sub3A_68, %sub3A_64 : vector<48x2700xf32>
    %convert_element_type3A_143 = arith.extui %and3A_123 : vector<48x2700xi1> to vector<48x2700xi32>
    %convert_element_type3A_144 = arith.sitofp %convert_element_type3A_143 : vector<48x2700xi32> to vector<48x2700xf32>
    %mul3A_145 = arith.mulf %mul3A_142, %convert_element_type3A_144 : vector<48x2700xf32>
    %mul3A_146 = arith.mulf %mul3A_145, %reshape3A_27 : vector<48x2700xf32>
    %swap3A_147 = arith.constant 0 : index
    %swap3A_148 = arith.constant 0 : index
    %swap3A_149 = arith.constant 0 : index
    %swap3A_150 = arith.constant 0 : index
    %swap3A_151 = vector.load %arg8[%swap3A_147, %swap3A_148, %swap3A_149, %swap3A_150] : memref<1x4x48x2700xf32, #tpu.memory_space<vmem>>, vector<1x1x48x2700xf32>
    %swap3A_152 = vector.shape_cast %swap3A_151 : vector<1x1x48x2700xf32> to vector<48x2700xf32>
    %swap3A_153 = vector.shape_cast %mul3A_146 : vector<48x2700xf32> to vector<1x1x48x2700xf32>
    tpu.vector_store %arg8[%swap3A_147, %swap3A_148, %swap3A_149, %swap3A_150], %swap3A_153 {strides = array<i32>} : memref<1x4x48x2700xf32, #tpu.memory_space<vmem>>, vector<1x1x48x2700xf32>,
    %add3A_154 = arith.constant 0.000000e+00 : f32
    %add3A_155 = vector.broadcast %add3A_154 : f32 to vector<48x2700xf32>
    %add3A_156 = arith.addf %floor3A_60, %add3A_155 : vector<48x2700xf32>
    %add3A_157 = arith.constant 1.000000e+00 : f32
    %add3A_158 = vector.broadcast %add3A_157 : f32 to vector<48x2700xf32>
    %add3A_159 = arith.addf %floor3A, %add3A_158 : vector<48x2700xf32>
    %convert_element_type3A_160 = arith.fptosi %add3A_156 : vector<48x2700xf32> to vector<48x2700xi32>
    %jit3A_161 = arith.constant 0 : i32
    %jit3A_162 = arith.constant 99 : i32
    %max3A_163 = vector.broadcast %jit3A_161 : i32 to vector<48x2700xi32>
    %max3A_164 = arith.maxsi %max3A_163, %convert_element_type3A_160 : vector<48x2700xi32>
    %min3A_165 = vector.broadcast %jit3A_162 : i32 to vector<48x2700xi32>
    %min3A_166 = arith.minsi %min3A_165, %max3A_164 : vector<48x2700xi32>
    %convert_element_type3A_167 = arith.fptosi %add3A_159 : vector<48x2700xf32> to vector<48x2700xi32>
    %jit3A_168 = arith.constant 0 : i32
    %jit3A_169 = arith.constant 99 : i32
    %max3A_170 = vector.broadcast %jit3A_168 : i32 to vector<48x2700xi32>
    %max3A_171 = arith.maxsi %max3A_170, %convert_element_type3A_167 : vector<48x2700xi32>
    %min3A_172 = vector.broadcast %jit3A_169 : i32 to vector<48x2700xi32>
    %min3A_173 = arith.minsi %min3A_172, %max3A_171 : vector<48x2700xi32>
    %ge3A_174 = arith.constant 0.000000e+00 : f32
    %ge3A_175 = vector.broadcast %ge3A_174 : f32 to vector<48x2700xf32>
    %ge3A_176 = arith.cmpf oge, %add3A_156, %ge3A_175 : vector<48x2700xf32>
    %le3A_177 = arith.constant 9.900000e+01 : f32
    %le3A_178 = vector.broadcast %le3A_177 : f32 to vector<48x2700xf32>
    %le3A_179 = arith.cmpf ole, %add3A_156, %le3A_178 : vector<48x2700xf32>
    %and3A_180 = arith.andi %ge3A_176, %le3A_179 : vector<48x2700xi1>
    %ge3A_181 = arith.constant 0.000000e+00 : f32
    %ge3A_182 = vector.broadcast %ge3A_181 : f32 to vector<48x2700xf32>
    %ge3A_183 = arith.cmpf oge, %add3A_159, %ge3A_182 : vector<48x2700xf32>
    %and3A_184 = arith.andi %and3A_180, %ge3A_183 : vector<48x2700xi1>
    %le3A_185 = arith.constant 9.900000e+01 : f32
    %le3A_186 = vector.broadcast %le3A_185 : f32 to vector<48x2700xf32>
    %le3A_187 = arith.cmpf ole, %add3A_159, %le3A_186 : vector<48x2700xf32>
    %and3A_188 = arith.andi %and3A_184, %le3A_187 : vector<48x2700xi1>
    %mul3A_189 = arith.constant 10000 : i32
    %mul3A_190 = arith.muli %arg0, %mul3A_189 : i32
    %mul3A_191 = arith.constant 100 : i32
    %mul3A_192 = vector.broadcast %mul3A_191 : i32 to vector<48x2700xi32>
    %mul3A_193 = arith.muli %min3A_166, %mul3A_192 : vector<48x2700xi32>
    %add3A_194 = vector.broadcast %mul3A_190 : i32 to vector<48x2700xi32>
    %add3A_195 = arith.addi %add3A_194, %mul3A_193 : vector<48x2700xi32>
    %add3A_196 = arith.addi %add3A_195, %min3A_173 : vector<48x2700xi32>
    %mul3A_197 = arith.constant 8 : i32
    %mul3A_198 = vector.broadcast %mul3A_197 : i32 to vector<48x2700xi32>
    %mul3A_199 = arith.muli %add3A_196, %mul3A_198 : vector<48x2700xi32>
    %add3A_200 = arith.addi %mul3A_199, %select_n3A : vector<48x2700xi32>
    %swap3A_201 = arith.constant 0 : index
    %swap3A_202 = arith.constant 1 : index
    %swap3A_203 = arith.constant 0 : index
    %swap3A_204 = arith.constant 0 : index
    %swap3A_205 = vector.load %arg7[%swap3A_201, %swap3A_202, %swap3A_203, %swap3A_204] : memref<1x4x48x2700xi32, #tpu.memory_space<vmem>>, vector<1x1x48x2700xi32>
    %swap3A_206 = vector.shape_cast %swap3A_205 : vector<1x1x48x2700xi32> to vector<48x2700xi32>
    %swap3A_207 = vector.shape_cast %add3A_200 : vector<48x2700xi32> to vector<1x1x48x2700xi32>
    tpu.vector_store %arg7[%swap3A_201, %swap3A_202, %swap3A_203, %swap3A_204], %swap3A_207 {strides = array<i32>} : memref<1x4x48x2700xi32, #tpu.memory_space<vmem>>, vector<1x1x48x2700xi32>,
    %mul3A_208 = arith.mulf %sub3A_68, %sub3A_61 : vector<48x2700xf32>
    %convert_element_type3A_209 = arith.extui %and3A_188 : vector<48x2700xi1> to vector<48x2700xi32>
    %convert_element_type3A_210 = arith.sitofp %convert_element_type3A_209 : vector<48x2700xi32> to vector<48x2700xf32>
    %mul3A_211 = arith.mulf %mul3A_208, %convert_element_type3A_210 : vector<48x2700xf32>
    %mul3A_212 = arith.mulf %mul3A_211, %reshape3A_27 : vector<48x2700xf32>
    %swap3A_213 = arith.constant 0 : index
    %swap3A_214 = arith.constant 1 : index
    %swap3A_215 = arith.constant 0 : index
    %swap3A_216 = arith.constant 0 : index
    %swap3A_217 = vector.load %arg8[%swap3A_213, %swap3A_214, %swap3A_215, %swap3A_216] : memref<1x4x48x2700xf32, #tpu.memory_space<vmem>>, vector<1x1x48x2700xf32>
    %swap3A_218 = vector.shape_cast %swap3A_217 : vector<1x1x48x2700xf32> to vector<48x2700xf32>
    %swap3A_219 = vector.shape_cast %mul3A_212 : vector<48x2700xf32> to vector<1x1x48x2700xf32>
    tpu.vector_store %arg8[%swap3A_213, %swap3A_214, %swap3A_215, %swap3A_216], %swap3A_219 {strides = array<i32>} : memref<1x4x48x2700xf32, #tpu.memory_space<vmem>>, vector<1x1x48x2700xf32>,
    %add3A_220 = arith.constant 1.000000e+00 : f32
    %add3A_221 = vector.broadcast %add3A_220 : f32 to vector<48x2700xf32>
    %add3A_222 = arith.addf %floor3A_60, %add3A_221 : vector<48x2700xf32>
    %add3A_223 = arith.constant 0.000000e+00 : f32
    %add3A_224 = vector.broadcast %add3A_223 : f32 to vector<48x2700xf32>
    %add3A_225 = arith.addf %floor3A, %add3A_224 : vector<48x2700xf32>
    %convert_element_type3A_226 = arith.fptosi %add3A_222 : vector<48x2700xf32> to vector<48x2700xi32>
    %jit3A_227 = arith.constant 0 : i32
    %jit3A_228 = arith.constant 99 : i32
    %max3A_229 = vector.broadcast %jit3A_227 : i32 to vector<48x2700xi32>
    %max3A_230 = arith.maxsi %max3A_229, %convert_element_type3A_226 : vector<48x2700xi32>
    %min3A_231 = vector.broadcast %jit3A_228 : i32 to vector<48x2700xi32>
    %min3A_232 = arith.minsi %min3A_231, %max3A_230 : vector<48x2700xi32>
    %convert_element_type3A_233 = arith.fptosi %add3A_225 : vector<48x2700xf32> to vector<48x2700xi32>
    %jit3A_234 = arith.constant 0 : i32
    %jit3A_235 = arith.constant 99 : i32
    %max3A_236 = vector.broadcast %jit3A_234 : i32 to vector<48x2700xi32>
    %max3A_237 = arith.maxsi %max3A_236, %convert_element_type3A_233 : vector<48x2700xi32>
    %min3A_238 = vector.broadcast %jit3A_235 : i32 to vector<48x2700xi32>
    %min3A_239 = arith.minsi %min3A_238, %max3A_237 : vector<48x2700xi32>
    %ge3A_240 = arith.constant 0.000000e+00 : f32
    %ge3A_241 = vector.broadcast %ge3A_240 : f32 to vector<48x2700xf32>
    %ge3A_242 = arith.cmpf oge, %add3A_222, %ge3A_241 : vector<48x2700xf32>
    %le3A_243 = arith.constant 9.900000e+01 : f32
    %le3A_244 = vector.broadcast %le3A_243 : f32 to vector<48x2700xf32>
    %le3A_245 = arith.cmpf ole, %add3A_222, %le3A_244 : vector<48x2700xf32>
    %and3A_246 = arith.andi %ge3A_242, %le3A_245 : vector<48x2700xi1>
    %ge3A_247 = arith.constant 0.000000e+00 : f32
    %ge3A_248 = vector.broadcast %ge3A_247 : f32 to vector<48x2700xf32>
    %ge3A_249 = arith.cmpf oge, %add3A_225, %ge3A_248 : vector<48x2700xf32>
    %and3A_250 = arith.andi %and3A_246, %ge3A_249 : vector<48x2700xi1>
    %le3A_251 = arith.constant 9.900000e+01 : f32
    %le3A_252 = vector.broadcast %le3A_251 : f32 to vector<48x2700xf32>
    %le3A_253 = arith.cmpf ole, %add3A_225, %le3A_252 : vector<48x2700xf32>
    %and3A_254 = arith.andi %and3A_250, %le3A_253 : vector<48x2700xi1>
    %mul3A_255 = arith.constant 10000 : i32
    %mul3A_256 = arith.muli %arg0, %mul3A_255 : i32
    %mul3A_257 = arith.constant 100 : i32
    %mul3A_258 = vector.broadcast %mul3A_257 : i32 to vector<48x2700xi32>
    %mul3A_259 = arith.muli %min3A_232, %mul3A_258 : vector<48x2700xi32>
    %add3A_260 = vector.broadcast %mul3A_256 : i32 to vector<48x2700xi32>
    %add3A_261 = arith.addi %add3A_260, %mul3A_259 : vector<48x2700xi32>
    %add3A_262 = arith.addi %add3A_261, %min3A_239 : vector<48x2700xi32>
    %mul3A_263 = arith.constant 8 : i32
    %mul3A_264 = vector.broadcast %mul3A_263 : i32 to vector<48x2700xi32>
    %mul3A_265 = arith.muli %add3A_262, %mul3A_264 : vector<48x2700xi32>
    %add3A_266 = arith.addi %mul3A_265, %select_n3A : vector<48x2700xi32>
    %swap3A_267 = arith.constant 0 : index
    %swap3A_268 = arith.constant 2 : index
    %swap3A_269 = arith.constant 0 : index
    %swap3A_270 = arith.constant 0 : index
    %swap3A_271 = vector.load %arg7[%swap3A_267, %swap3A_268, %swap3A_269, %swap3A_270] : memref<1x4x48x2700xi32, #tpu.memory_space<vmem>>, vector<1x1x48x2700xi32>
    %swap3A_272 = vector.shape_cast %swap3A_271 : vector<1x1x48x2700xi32> to vector<48x2700xi32>
    %swap3A_273 = vector.shape_cast %add3A_266 : vector<48x2700xi32> to vector<1x1x48x2700xi32>
    tpu.vector_store %arg7[%swap3A_267, %swap3A_268, %swap3A_269, %swap3A_270], %swap3A_273 {strides = array<i32>} : memref<1x4x48x2700xi32, #tpu.memory_space<vmem>>, vector<1x1x48x2700xi32>,
    %mul3A_274 = arith.mulf %sub3A_65, %sub3A_64 : vector<48x2700xf32>
    %convert_element_type3A_275 = arith.extui %and3A_254 : vector<48x2700xi1> to vector<48x2700xi32>
    %convert_element_type3A_276 = arith.sitofp %convert_element_type3A_275 : vector<48x2700xi32> to vector<48x2700xf32>
    %mul3A_277 = arith.mulf %mul3A_274, %convert_element_type3A_276 : vector<48x2700xf32>
    %mul3A_278 = arith.mulf %mul3A_277, %reshape3A_27 : vector<48x2700xf32>
    %swap3A_279 = arith.constant 0 : index
    %swap3A_280 = arith.constant 2 : index
    %swap3A_281 = arith.constant 0 : index
    %swap3A_282 = arith.constant 0 : index
    %swap3A_283 = vector.load %arg8[%swap3A_279, %swap3A_280, %swap3A_281, %swap3A_282] : memref<1x4x48x2700xf32, #tpu.memory_space<vmem>>, vector<1x1x48x2700xf32>
    %swap3A_284 = vector.shape_cast %swap3A_283 : vector<1x1x48x2700xf32> to vector<48x2700xf32>
    %swap3A_285 = vector.shape_cast %mul3A_278 : vector<48x2700xf32> to vector<1x1x48x2700xf32>
    tpu.vector_store %arg8[%swap3A_279, %swap3A_280, %swap3A_281, %swap3A_282], %swap3A_285 {strides = array<i32>} : memref<1x4x48x2700xf32, #tpu.memory_space<vmem>>, vector<1x1x48x2700xf32>,
    %add3A_286 = arith.constant 1.000000e+00 : f32
    %add3A_287 = vector.broadcast %add3A_286 : f32 to vector<48x2700xf32>
    %add3A_288 = arith.addf %floor3A_60, %add3A_287 : vector<48x2700xf32>
    %add3A_289 = arith.constant 1.000000e+00 : f32
    %add3A_290 = vector.broadcast %add3A_289 : f32 to vector<48x2700xf32>
    %add3A_291 = arith.addf %floor3A, %add3A_290 : vector<48x2700xf32>
    %convert_element_type3A_292 = arith.fptosi %add3A_288 : vector<48x2700xf32> to vector<48x2700xi32>
    %jit3A_293 = arith.constant 0 : i32
    %jit3A_294 = arith.constant 99 : i32
    %max3A_295 = vector.broadcast %jit3A_293 : i32 to vector<48x2700xi32>
    %max3A_296 = arith.maxsi %max3A_295, %convert_element_type3A_292 : vector<48x2700xi32>
    %min3A_297 = vector.broadcast %jit3A_294 : i32 to vector<48x2700xi32>
    %min3A_298 = arith.minsi %min3A_297, %max3A_296 : vector<48x2700xi32>
    %convert_element_type3A_299 = arith.fptosi %add3A_291 : vector<48x2700xf32> to vector<48x2700xi32>
    %jit3A_300 = arith.constant 0 : i32
    %jit3A_301 = arith.constant 99 : i32
    %max3A_302 = vector.broadcast %jit3A_300 : i32 to vector<48x2700xi32>
    %max3A_303 = arith.maxsi %max3A_302, %convert_element_type3A_299 : vector<48x2700xi32>
    %min3A_304 = vector.broadcast %jit3A_301 : i32 to vector<48x2700xi32>
    %min3A_305 = arith.minsi %min3A_304, %max3A_303 : vector<48x2700xi32>
    %ge3A_306 = arith.constant 0.000000e+00 : f32
    %ge3A_307 = vector.broadcast %ge3A_306 : f32 to vector<48x2700xf32>
    %ge3A_308 = arith.cmpf oge, %add3A_288, %ge3A_307 : vector<48x2700xf32>
    %le3A_309 = arith.constant 9.900000e+01 : f32
    %le3A_310 = vector.broadcast %le3A_309 : f32 to vector<48x2700xf32>
    %le3A_311 = arith.cmpf ole, %add3A_288, %le3A_310 : vector<48x2700xf32>
    %and3A_312 = arith.andi %ge3A_308, %le3A_311 : vector<48x2700xi1>
    %ge3A_313 = arith.constant 0.000000e+00 : f32
    %ge3A_314 = vector.broadcast %ge3A_313 : f32 to vector<48x2700xf32>
    %ge3A_315 = arith.cmpf oge, %add3A_291, %ge3A_314 : vector<48x2700xf32>
    %and3A_316 = arith.andi %and3A_312, %ge3A_315 : vector<48x2700xi1>
    %le3A_317 = arith.constant 9.900000e+01 : f32
    %le3A_318 = vector.broadcast %le3A_317 : f32 to vector<48x2700xf32>
    %le3A_319 = arith.cmpf ole, %add3A_291, %le3A_318 : vector<48x2700xf32>
    %and3A_320 = arith.andi %and3A_316, %le3A_319 : vector<48x2700xi1>
    %mul3A_321 = arith.constant 10000 : i32
    %mul3A_322 = arith.muli %arg0, %mul3A_321 : i32
    %mul3A_323 = arith.constant 100 : i32
    %mul3A_324 = vector.broadcast %mul3A_323 : i32 to vector<48x2700xi32>
    %mul3A_325 = arith.muli %min3A_298, %mul3A_324 : vector<48x2700xi32>
    %add3A_326 = vector.broadcast %mul3A_322 : i32 to vector<48x2700xi32>
    %add3A_327 = arith.addi %add3A_326, %mul3A_325 : vector<48x2700xi32>
    %add3A_328 = arith.addi %add3A_327, %min3A_305 : vector<48x2700xi32>
    %mul3A_329 = arith.constant 8 : i32
    %mul3A_330 = vector.broadcast %mul3A_329 : i32 to vector<48x2700xi32>
    %mul3A_331 = arith.muli %add3A_328, %mul3A_330 : vector<48x2700xi32>
    %add3A_332 = arith.addi %mul3A_331, %select_n3A : vector<48x2700xi32>
    %swap3A_333 = arith.constant 0 : index
    %swap3A_334 = arith.constant 3 : index
    %swap3A_335 = arith.constant 0 : index
    %swap3A_336 = arith.constant 0 : index
    %swap3A_337 = vector.load %arg7[%swap3A_333, %swap3A_334, %swap3A_335, %swap3A_336] : memref<1x4x48x2700xi32, #tpu.memory_space<vmem>>, vector<1x1x48x2700xi32>
    %swap3A_338 = vector.shape_cast %swap3A_337 : vector<1x1x48x2700xi32> to vector<48x2700xi32>
    %swap3A_339 = vector.shape_cast %add3A_332 : vector<48x2700xi32> to vector<1x1x48x2700xi32>
    tpu.vector_store %arg7[%swap3A_333, %swap3A_334, %swap3A_335, %swap3A_336], %swap3A_339 {strides = array<i32>} : memref<1x4x48x2700xi32, #tpu.memory_space<vmem>>, vector<1x1x48x2700xi32>,
    %mul3A_340 = arith.mulf %sub3A_65, %sub3A_61 : vector<48x2700xf32>
    %convert_element_type3A_341 = arith.extui %and3A_320 : vector<48x2700xi1> to vector<48x2700xi32>
    %convert_element_type3A_342 = arith.sitofp %convert_element_type3A_341 : vector<48x2700xi32> to vector<48x2700xf32>
    %mul3A_343 = arith.mulf %mul3A_340, %convert_element_type3A_342 : vector<48x2700xf32>
    %mul3A_344 = arith.mulf %mul3A_343, %reshape3A_27 : vector<48x2700xf32>
    %swap3A_345 = arith.constant 0 : index
    %swap3A_346 = arith.constant 3 : index
    %swap3A_347 = arith.constant 0 : index
    %swap3A_348 = arith.constant 0 : index
    %swap3A_349 = vector.load %arg8[%swap3A_345, %swap3A_346, %swap3A_347, %swap3A_348] : memref<1x4x48x2700xf32, #tpu.memory_space<vmem>>, vector<1x1x48x2700xf32>
    %swap3A_350 = vector.shape_cast %swap3A_349 : vector<1x1x48x2700xf32> to vector<48x2700xf32>
    %swap3A_351 = vector.shape_cast %mul3A_344 : vector<48x2700xf32> to vector<1x1x48x2700xf32>
    tpu.vector_store %arg8[%swap3A_345, %swap3A_346, %swap3A_347, %swap3A_348], %swap3A_351 {strides = array<i32>} : memref<1x4x48x2700xf32, #tpu.memory_space<vmem>>, vector<1x1x48x2700xf32>,
    return
  }
  func.func @transform_0(%arg0: i32) -> (i32, i32, i32) {
    %c0_i32 = arith.constant 0 : i32
    %c0_i32_0 = arith.constant 0 : i32
    %c0_i32_1 = arith.constant 0 : i32
    return %arg0, %c0_i32, %c0_i32_0 : i32, i32, i32
  }
  func.func @transform_1(%arg0: i32) -> (i32, i32, i32) {
    %c0_i32 = arith.constant 0 : i32
    %c0_i32_0 = arith.constant 0 : i32
    %c0_i32_1 = arith.constant 0 : i32
    return %arg0, %c0_i32, %c0_i32_0 : i32, i32, i32
  }
  func.func @transform_2(%arg0: i32) -> (i32, i32) {
    %c0_i32 = arith.constant 0 : i32
    %c0_i32_0 = arith.constant 0 : i32
    %c0_i32_1 = arith.constant 0 : i32
    return %c0_i32, %c0_i32_0 : i32, i32
  }
  func.func @transform_3(%arg0: i32) -> (i32, i32) {
    %c0_i32 = arith.constant 0 : i32
    %c0_i32_0 = arith.constant 0 : i32
    %c0_i32_1 = arith.constant 0 : i32
    return %c0_i32, %c0_i32_0 : i32, i32
  }
  func.func @transform_4(%arg0: i32) -> (i32, i32) {
    %c0_i32 = arith.constant 0 : i32
    %c0_i32_0 = arith.constant 0 : i32
    %c0_i32_1 = arith.constant 0 : i32
    return %c0_i32, %c0_i32_0 : i32, i32
  }
  func.func @transform_5(%arg0: i32) -> (i32, i32) {
    %c0_i32 = arith.constant 0 : i32
    %c0_i32_0 = arith.constant 0 : i32
    %c0_i32_1 = arith.constant 0 : i32
    return %c0_i32, %c0_i32_0 : i32, i32
  }
  func.func @transform_6(%arg0: i32) -> (i32, i32, i32, i32) {
    %c0_i32 = arith.constant 0 : i32
    %c0_i32_0 = arith.constant 0 : i32
    %c0_i32_1 = arith.constant 0 : i32
    %c0_i32_2 = arith.constant 0 : i32
    return %arg0, %c0_i32, %c0_i32_0, %c0_i32_1 : i32, i32, i32, i32
  }
  func.func @transform_7(%arg0: i32) -> (i32, i32, i32, i32) {
    %c0_i32 = arith.constant 0 : i32
    %c0_i32_0 = arith.constant 0 : i32
    %c0_i32_1 = arith.constant 0 : i32
    %c0_i32_2 = arith.constant 0 : i32
    return %arg0, %c0_i32, %c0_i32_0, %c0_i32_1 : i32, i32, i32, i32
  }
}

module attributes {stable_mosaic.version = 14 : i64} {
  func.func @_value_kernel(%arg0: i32, %arg1: i32, %arg2: memref<1x2000x256xf32, #tpu.memory_space<vmem>>, %arg3: memref<256x256xf32, #tpu.memory_space<vmem>>, %arg4: memref<256xf32, #tpu.memory_space<vmem>>, %arg5: memref<1x2000x256xf32, #tpu.memory_space<vmem>>) attributes {dimension_semantics = [#tpu.dimension_semantics<arbitrary>, #tpu.dimension_semantics<arbitrary>], iteration_bounds = array<i64: 2, 5>, scalar_prefetch = 0 : i64, scratch_operands = 0 : i64, tpu.core_type = #tpu.core_type<tc>, window_params = [{transform_indices = @transform_0, window_bounds = array<i64: 1, 2000, 256>}, {pipeline_mode = #tpu.pipeline_mode<synchronous>, transform_indices = @transform_1, window_bounds = array<i64: 256, 256>}, {pipeline_mode = #tpu.pipeline_mode<synchronous>, transform_indices = @transform_2, window_bounds = array<i64: 256>}, {transform_indices = @transform_3, window_bounds = array<i64: 1, 2000, 256>}]} {
    %get3A = arith.constant 0 : index
    %get3A_0 = arith.constant 0 : index
    %get3A_1 = arith.constant 0 : index
    %get3A_2 = vector.load %arg2[%get3A, %get3A_0, %get3A_1] : memref<1x2000x256xf32, #tpu.memory_space<vmem>>, vector<1x2000x256xf32>
    %get3A_3 = vector.shape_cast %get3A_2 : vector<1x2000x256xf32> to vector<2000x256xf32>
    %get3A_4 = arith.constant 0 : index
    %get3A_5 = arith.constant 0 : index
    %get3A_6 = vector.load %arg3[%get3A_4, %get3A_5] : memref<256x256xf32, #tpu.memory_space<vmem>>, vector<256x256xf32>
    %dot_general3A = arith.constant dense<0.000000e+00> : vector<2000x256xf32>
    %dot_general3A_7 = tpu.matmul %get3A_3, %get3A_6, %dot_general3A {dimension_numbers = #tpu.dot_dimension_numbers<[1], [0], [0], [1], [0, 0, 1, 1], [], []>, transpose_lhs_hint = false} : vector<2000x256xf32>, vector<256x256xf32>, vector<2000x256xf32> -> vector<2000x256xf32>
    %get3A_8 = arith.constant 0 : index
    %get3A_9 = vector.load %arg4[%get3A_8] : memref<256xf32, #tpu.memory_space<vmem>>, vector<256xf32>
    %broadcast_in_dim3A = vector.shape_cast %get3A_9 : vector<256xf32> to vector<1x256xf32>
    %add3A = vector.broadcast %broadcast_in_dim3A : vector<1x256xf32> to vector<2000x256xf32>
    %add3A_10 = arith.addf %dot_general3A_7, %add3A : vector<2000x256xf32>
    %swap3A = arith.constant 0 : index
    %swap3A_11 = arith.constant 0 : index
    %swap3A_12 = arith.constant 0 : index
    %swap3A_13 = vector.load %arg5[%swap3A, %swap3A_11, %swap3A_12] : memref<1x2000x256xf32, #tpu.memory_space<vmem>>, vector<1x2000x256xf32>
    %swap3A_14 = vector.shape_cast %swap3A_13 : vector<1x2000x256xf32> to vector<2000x256xf32>
    %swap3A_15 = vector.shape_cast %add3A_10 : vector<2000x256xf32> to vector<1x2000x256xf32>
    tpu.vector_store %arg5[%swap3A, %swap3A_11, %swap3A_12], %swap3A_15 {strides = array<i32>} : memref<1x2000x256xf32, #tpu.memory_space<vmem>>, vector<1x2000x256xf32>,
    return
  }
  func.func @transform_0(%arg0: i32, %arg1: i32) -> (i32, i32, i32) {
    %c0_i32 = arith.constant 0 : i32
    %c0_i32_0 = arith.constant 0 : i32
    return %arg0, %arg1, %c0_i32 : i32, i32, i32
  }
  func.func @transform_1(%arg0: i32, %arg1: i32) -> (i32, i32) {
    %c0_i32 = arith.constant 0 : i32
    %c0_i32_0 = arith.constant 0 : i32
    %c0_i32_1 = arith.constant 0 : i32
    return %c0_i32, %c0_i32_0 : i32, i32
  }
  func.func @transform_2(%arg0: i32, %arg1: i32) -> i32 {
    %c0_i32 = arith.constant 0 : i32
    %c0_i32_0 = arith.constant 0 : i32
    return %c0_i32 : i32
  }
  func.func @transform_3(%arg0: i32, %arg1: i32) -> (i32, i32, i32) {
    %c0_i32 = arith.constant 0 : i32
    %c0_i32_0 = arith.constant 0 : i32
    return %arg0, %arg1, %c0_i32 : i32, i32, i32
  }
}

module attributes {stable_mosaic.version = 14 : i64} {
  func.func @_final_kernel(%arg0: i32, %arg1: memref<1x2700x256xf32, #tpu.memory_space<vmem>>, %arg2: memref<256x256xf32, #tpu.memory_space<vmem>>, %arg3: memref<256xf32, #tpu.memory_space<vmem>>, %arg4: memref<1x2700x256xf32, #tpu.memory_space<vmem>>) attributes {dimension_semantics = [#tpu.dimension_semantics<arbitrary>], iteration_bounds = array<i64: 2>, scalar_prefetch = 0 : i64, scratch_operands = 0 : i64, tpu.core_type = #tpu.core_type<tc>, window_params = [{transform_indices = @transform_0, window_bounds = array<i64: 1, 2700, 256>}, {pipeline_mode = #tpu.pipeline_mode<synchronous>, transform_indices = @transform_1, window_bounds = array<i64: 256, 256>}, {pipeline_mode = #tpu.pipeline_mode<synchronous>, transform_indices = @transform_2, window_bounds = array<i64: 256>}, {transform_indices = @transform_3, window_bounds = array<i64: 1, 2700, 256>}]} {
    %get3A = arith.constant 0 : index
    %get3A_0 = arith.constant 0 : index
    %get3A_1 = arith.constant 0 : index
    %get3A_2 = vector.load %arg1[%get3A, %get3A_0, %get3A_1] : memref<1x2700x256xf32, #tpu.memory_space<vmem>>, vector<1x2700x256xf32>
    %get3A_3 = vector.shape_cast %get3A_2 : vector<1x2700x256xf32> to vector<2700x256xf32>
    %get3A_4 = arith.constant 0 : index
    %get3A_5 = arith.constant 0 : index
    %get3A_6 = vector.load %arg2[%get3A_4, %get3A_5] : memref<256x256xf32, #tpu.memory_space<vmem>>, vector<256x256xf32>
    %dot_general3A = arith.constant dense<0.000000e+00> : vector<2700x256xf32>
    %dot_general3A_7 = tpu.matmul %get3A_3, %get3A_6, %dot_general3A {dimension_numbers = #tpu.dot_dimension_numbers<[1], [0], [0], [1], [0, 0, 1, 1], [], []>, transpose_lhs_hint = false} : vector<2700x256xf32>, vector<256x256xf32>, vector<2700x256xf32> -> vector<2700x256xf32>
    %get3A_8 = arith.constant 0 : index
    %get3A_9 = vector.load %arg3[%get3A_8] : memref<256xf32, #tpu.memory_space<vmem>>, vector<256xf32>
    %broadcast_in_dim3A = vector.shape_cast %get3A_9 : vector<256xf32> to vector<1x256xf32>
    %add3A = vector.broadcast %broadcast_in_dim3A : vector<1x256xf32> to vector<2700x256xf32>
    %add3A_10 = arith.addf %dot_general3A_7, %add3A : vector<2700x256xf32>
    %swap3A = arith.constant 0 : index
    %swap3A_11 = arith.constant 0 : index
    %swap3A_12 = arith.constant 0 : index
    %swap3A_13 = vector.load %arg4[%swap3A, %swap3A_11, %swap3A_12] : memref<1x2700x256xf32, #tpu.memory_space<vmem>>, vector<1x2700x256xf32>
    %swap3A_14 = vector.shape_cast %swap3A_13 : vector<1x2700x256xf32> to vector<2700x256xf32>
    %swap3A_15 = vector.shape_cast %add3A_10 : vector<2700x256xf32> to vector<1x2700x256xf32>
    tpu.vector_store %arg4[%swap3A, %swap3A_11, %swap3A_12], %swap3A_15 {strides = array<i32>} : memref<1x2700x256xf32, #tpu.memory_space<vmem>>, vector<1x2700x256xf32>,
    return
  }
  func.func @transform_0(%arg0: i32) -> (i32, i32, i32) {
    %c0_i32 = arith.constant 0 : i32
    %c0_i32_0 = arith.constant 0 : i32
    %c0_i32_1 = arith.constant 0 : i32
    return %arg0, %c0_i32, %c0_i32_0 : i32, i32, i32
  }
  func.func @transform_1(%arg0: i32) -> (i32, i32) {
    %c0_i32 = arith.constant 0 : i32
    %c0_i32_0 = arith.constant 0 : i32
    %c0_i32_1 = arith.constant 0 : i32
    return %c0_i32, %c0_i32_0 : i32, i32
  }
  func.func @transform_2(%arg0: i32) -> i32 {
    %c0_i32 = arith.constant 0 : i32
    %c0_i32_0 = arith.constant 0 : i32
    return %c0_i32 : i32
  }
  func.func @transform_3(%arg0: i32) -> (i32, i32, i32) {
    %c0_i32 = arith.constant 0 : i32
    %c0_i32_0 = arith.constant 0 : i32
    %c0_i32_1 = arith.constant 0 : i32
    return %arg0, %c0_i32, %c0_i32_0 : i32, i32, i32
  }
}

</mosaic_0001>

<sc_bundles>
// kernel: _run.6.cloned.1.call-start
scs
__scs_entry_jumppad:
0x0: {  	(pc) =	sbr.rel $0x88, $3  }
0x1: {  	(tag) =	ssettag $0x0;
	lr =	simm.s32 $0x1  }
0x2: {  	[smem:$0x3F96] =	sst lr;
	_ =	strace $0xD0000000  }
0x3: {  	_ = 	snop  }
0x4: {  	_ = 	snop  }
0x5: {  	_ = 	snop  }
0x6: {  	_ = 	snop  }
0x7: {  	_ = 	snop  }
__scs_overlays_trampoline_lowered:
0x8: {  	[smem:$0x3FA5] =	sst s0  }
0x9: {  	[smem:$0x3FA6] =	sst s1  }
0xa: {  	[smem:$0x3FA7] =	sst s2  }
0xb: {  	[smem:$0x3FA8] =	sst s3  }
0xc: {  	[smem:$0x3FA9] =	sst s4  }
0xd: {  	[smem:$0x3FAA] =	sst s5  }
0xe: {  	[smem:$0x3FAB] =	sst s6  }
0xf: {  	[smem:$0x3FAC] =	sst s7  }
0x10: {  	[smem:$0x3FAD] =	sst s8  }
0x11: {  	[smem:$0x3FAE] =	sst s9;
	s0 =	simm.s32 @!p0 $0x0  }
0x12: {  	s1 =	sld [smem:$0x3F94];
	s0 =	simm.s32 @p0 $0x1  }
0x13: {  	[smem:$0x3FAF] =	sst s0;
	s0 =	simm.s32 @!p1 $0x0  }
0x14: {  	s2 =	sld [smem:$0x3F93];
	s0 =	simm.s32 @p1 $0x1  }
0x15: {  	[smem:$0x3FB0] =	sst s0;
	s0 =	simm.s32 @!p2 $0x0  }
0x16: {  	s3 =	sld [smem:$0x3FDB];
	s0 =	simm.s32 @p2 $0x1  }
0x17: {  	s4 =	simm.s32 $0x1BF5;
	[smem:$0x3FB2] =	sst s0  }
0x18: {  	s0 =	sld [smem:$0x3F95];
	_ =	swait.ge [sflag:s4], $0x0  }
0x19: {  	s7 =	sld [smem:$0x3F96]  }
0x1a: {  	s8 =	sadd.s32 $0xFFFFE003, lr  }
0x1b: {  	s9 =	sadd.s32 $0xFFFFFEF7, lr;
	s5 =	simm.s32 $0xFFFFFFFF;
	p2 =	slt.u32 s8, $0xFFFFF086  }
0x1c: {  	p1 =	slt.u32 s9, $0xF7A;
	s5 =	simm.s32 @!p2 $0x0  }
0x1d: {  	s5 =	simm.s32 @p1 $0x1;
	p0 =	seq.s32 s7, s2  }
0x1e: {  	s7 =	smul.u32 @!p0 $0xF7A, s2;
	p2 =	seq.s32 @!p0 s5, $0x0  }
0x1f: {  	s9 =	smul.u32 $0xF7A, s1;
	s8 =	simm.s32 @!p0 $0x1BF5;
	p2 =	por !p2, p0  }
0x20: {  	[sflag:s8] =	ssyncset.s32 @!p0 $0xFFFFF086;
	s6 =	sadd.s32 @!p0 s3, s7;
	s7 =	simm.s32 @!p0 $0x108  }
0x21: {  	s3 =	sadd.s32 s3, s9;
	s6 =	sadd.s32 @!p0 $0x88, s6;
	s7 =	simm.s32 @p2 $0x1082  }
0x22: {  	[simem:s7], [sflag:s8] =	dma.local @!p0 [hbm:s6], $0xF7A  }
0x23: {  	s9 =	sor.u32 $0xD0000000, s2;
	s6 =	simm.s32 $0x108;
	_ =	swait.ge @!p0 [sflag:s8], $0x0  }
0x24: {  	s3 =	sadd.s32 $0x88, s3;
	s6 =	simm.s32 @!p1 $0x1082;
	[sflag:s4] =	ssyncset.s32 $0xFFFFF086  }
0x25: {  	[simem:s6], [sflag:s4] =	dma.local [hbm:s3], $0xF7A  }
0x26: {  	[smem:$0x3F96] =	sst s1;
	(tag) =	ssettag s2;
	_ =	strace s9  }
0x27: {  	s1 =	sld [smem:$0x3FA6]  }
0x28: {  	s2 =	sld [smem:$0x3FA7]  }
0x29: {  	s4 =	sld [smem:$0x3FA9]  }
0x2a: {  	p0 =	seq.s32 s5, $0x0;
	s5 =	sld [smem:$0x3FAA]  }
0x2b: {  	s6 =	sld [smem:$0x3FAB]  }
0x2c: {  	s7 =	sld [smem:$0x3FAC]  }
0x2d: {  	s3 =	simm.s32 $0x108;
	s8 =	sld [smem:$0x3FAD]  }
0x2e: {  	s3 =	simm.s32 @!p0 $0x1082;
	s9 =	sld [smem:$0x3FAE]  }
0x2f: {  	lr =	sadd.s32 s0, s3;
	s0 =	sld [smem:$0x3FA5]  }
0x30: {  	s3 =	sld [smem:$0x3FA8]  }
0x31: {  	[smem:$0x3FB1] =	sst s10  }
0x32: {  	s10 =	sld [smem:$0x3FAF];
	_ =	sdelay $0x3  }
0x33: {  	p0 =	seq.s32 s10, $0x1;
	s10 =	sld [smem:$0x3FB1];
	_ =	sdelay $0x3  }
0x34: {  	[smem:$0x3FB1] =	sst s10  }
0x35: {  	s10 =	sld [smem:$0x3FB0];
	_ =	sdelay $0x3  }
0x36: {  	p1 =	seq.s32 s10, $0x1;
	s10 =	sld [smem:$0x3FB1];
	_ =	sdelay $0x3  }
0x37: {  	[smem:$0x3FB1] =	sst s10  }
0x38: {  	s10 =	sld [smem:$0x3FB2]  }
0x39: {  	_ = 	snop;
	(pc) =	sbr.ind lr, $3  }
0x3a: {  	_ = 	snop  }
0x3b: {  	_ = 	snop  }
0x3c: {  	p2 =	seq.s32 s10, $0x1;
	s10 =	sld [smem:$0x3FB1]  }
0x3d: {  	_ =	shalt  }
0x3e: {  	_ =	shalt  }
0x3f: {  	_ =	shalt  }
0x40: {  	_ =	shalt  }
0x41: {  	_ =	shalt  }
0x42: {  	_ =	shalt  }
0x43: {  	_ =	shalt  }
0x44: {  	_ =	shalt  }
0x45: {  	_ =	shalt  }
0x46: {  	_ =	shalt  }
0x47: {  	_ =	shalt  }
0x48: {  	_ =	shalt  }
0x49: {  	_ =	shalt  }
0x4a: {  	_ =	shalt  }
0x4b: {  	_ =	shalt  }
0x4c: {  	_ =	shalt  }
0x4d: {  	_ =	shalt  }
0x4e: {  	_ =	shalt  }
0x4f: {  	_ =	shalt  }
0x50: {  	_ =	shalt  }
0x51: {  	_ =	shalt  }
0x52: {  	_ =	shalt  }
0x53: {  	_ =	shalt  }
0x54: {  	_ =	shalt  }
0x55: {  	_ =	shalt  }
0x56: {  	_ =	shalt  }
0x57: {  	_ =	shalt  }
0x58: {  	_ =	shalt  }
0x59: {  	_ =	shalt  }
0x5a: {  	_ =	shalt  }
0x5b: {  	_ =	shalt  }
0x5c: {  	_ =	shalt  }
0x5d: {  	_ =	shalt  }
0x5e: {  	_ =	shalt  }
0x5f: {  	_ =	shalt  }
0x60: {  	_ =	shalt  }
0x61: {  	_ =	shalt  }
0x62: {  	_ =	shalt  }
0x63: {  	_ =	shalt  }
0x64: {  	_ =	shalt  }
0x65: {  	_ =	shalt  }
0x66: {  	_ =	shalt  }
0x67: {  	_ =	shalt  }
0x68: {  	_ =	shalt  }
0x69: {  	_ =	shalt  }
0x6a: {  	_ =	shalt  }
0x6b: {  	_ =	shalt  }
0x6c: {  	_ =	shalt  }
0x6d: {  	_ =	shalt  }
0x6e: {  	_ =	shalt  }
0x6f: {  	_ =	shalt  }
0x70: {  	_ =	shalt  }
0x71: {  	_ =	shalt  }
0x72: {  	_ =	shalt  }
0x73: {  	_ =	shalt  }
0x74: {  	_ =	shalt  }
0x75: {  	_ =	shalt  }
0x76: {  	_ =	shalt  }
0x77: {  	_ =	shalt  }
0x78: {  	_ =	shalt  }
0x79: {  	_ =	shalt  }
0x7a: {  	_ =	shalt  }
0x7b: {  	_ =	shalt  }
0x7c: {  	_ =	shalt  }
0x7d: {  	_ =	shalt  }
0x7e: {  	_ =	shalt  }
0x7f: {  	_ =	shalt  }
0x80: {  	_ =	shalt  }
0x81: {  	_ =	shalt  }
0x82: {  	_ =	shalt  }
0x83: {  	_ =	shalt  }
0x84: {  	_ =	shalt  }
0x85: {  	_ =	shalt  }
0x86: {  	_ =	shalt  }
0x87: {  	_ =	shalt  }
.Lfunc_end0:
.L_simem_size_0:
called_computation_lowered:
.L_overlay_start_0:
0x88: {  	s2 =	sld [smem:$0x3FD9]  }
0x89: {  	s3 =	sld [smem:$0x3FFE];
	_ =	sdelay $0x1  }
0x8a: {  	s1 =	srdreg.scid  }
0x8b: {  	s0 =	sand.u32 $0x1, s1  }
0x8c: {  	s17 =	sshll.u32 s0, $0xA;
	s2 =	sadd.s32 s3, s2  }
0x8d: {  	s2 =	sadd.s32 s2, s17  }
0x8e: {  	[smem:$0x3FBD] =	sst s2  }
0x8f: {  	_ = 	snop  }
0x90: {  	s2 =	sld [smem:$0x3FD0];
	(tm) =	ssettm $0x1  }
0x91: {  	s18 =	sld [smem:$0x3FFB];
	_ =	sdelay $0x3  }
0x92: {  	_ =	strace s18  }
0x93: {  	s3 =	sld [smem:$0x3FFC];
	_ =	sdelay $0x3  }
0x94: {  	_ =	strace s3  }
0x95: {  	s3 =	sld [smem:$0x3FFD];
	_ =	sdelay $0x3  }
0x96: {  	_ =	strace s3  }
0x97: {  	_ =	strace $0x8FFFFFFF  }
0x98: {  	s19 =	sld [smem:$0x3FDB];
	_ =	sdelay $0x1  }
0x99: {  	s4 =	simm.s32 $_scs_section_size  }
0x9a: {  	s5 =	simm.s32 $_size__tile_overlayer_lowered;
	s6 =	simm.s32 $_tile_overlayer_lowered  }
0x9b: {  	s22 =	simm.s32 $0x1BFF;
	s21 =	sshll.u32 s6, $0x1;
	s3 =	sadd.s32 s4, s19  }
0x9c: {  	s7 =	simm.s32 $0x0;
	s20 =	sshll.u32 s5, $0x1;
	s5 =	sadd.s32 s21, s3  }
0x9d: {  	[timem:s7], [sflag:s22] =	dma.local [hbm:s5], s20  }
0x9e: {  	_ =	swait.ge [sflag:s22], s20  }
0x9f: {  	s4 =	ssub.s32 $0x0, s20;
	[sflag:s22] =	ssyncset.done $0x0  }
0xa0: {  	[sflag:s22] =	ssyncadd.s32 s4;
	_ =	sdelay $0x1  }
0xa1: {  	s23 =	simm.s32 $0x1B8B  }
0xa2: {  	_ =	swait.ge [sflag:s23], $0x1  }
0xa3: {  	[sflag:s23] =	ssyncset.done $0x0  }
0xa4: {  	s25 =	simm.s32 $0x1B8E;
	s24 =	sld [smem:$0x3FFE];
	[sflag:s23] =	ssyncadd.s32 $0xFFFFFFFF  }
0xa5: {  	s26 =	simm.s32 $execute0_lowered;
	[smem:$0x3FD2] =	sst s25  }
0xa6: {  	s5 =	sshll.u32 s26, $0x1;
	_ =	strace $0x80000046;
	[dreg:$0x1] =	wrdreg $0xFFFFFFFF  }
0xa7: {  	s28 =	simm.s32 $_size_execute0_lowered;
	s3 =	sadd.s32 s3, s5;
	[dreg:$0x0] =	wrdreg $0x0  }
0xa8: {  	s5 =	sshll.u32 s28, $0x1;
	[dreg:$0x2] =	wrdreg s3  }
0xa9: {  	[dreg:$0x3] =	wrdreg s5  }
0xaa: {  	[dreg:$0x4] =	wrdreg $0xC0  }
0xab: {  	_ =	task [dreg:s7], $0x5FFFF  }
0xac: {  	[dreg:$0x1] =	wrdreg $0xFFFFFFFF  }
0xad: {  	[dreg:$0x0] =	wrdreg $0x60  }
0xae: {  	[dreg:$0x2] =	wrdreg s24  }
0xaf: {  	[dreg:$0x3] =	wrdreg s2  }
0xb0: {  	[dreg:$0x4] =	wrdreg $0x9  }
0xb1: {  	_ =	task.clear_ibuf [dreg:s7], $0x5FFFF;
	_ =	strace $0x90000046  }
0xb2: {  	s29 =	simm.s32 $0x9;
	_ =	strace $0x80000048  }
0xb3: {  	_ =	swait.ge [sflag:s29], $0x1  }
0xb4: {  	[sflag:s29] =	ssyncadd.s32 $0xFFFFFFFF  }
0xb5: {  	_ =	strace $0x90000048  }
0xb6: {  	_ =	sfence  }
0xb7: {  	s30 =	sld [smem:$0x0];
	_ =	sdelay $0x2  }
0xb8: {  	s31 =	sshll.u32 s1, $0xD;
	s1 =	sshrl.u32 s1, $0x2  }
0xb9: {  	s3 =	sand.u32 $0x4000, s31;
	s1 =	sadd.s32 s1, s30  }
0xba: {  	s0 =	sor.u32 s3, s0;
	s1 =	sshll.u32 s1, $0x11  }
0xbb: {  	s0 =	sor.u32 s1, s0  }
0xbc: {  	s0 =	sadd.s32 $0x8F2B, s0  }
0xbd: {  	[sflag:s0] =	ssyncadd.remote.s32 $0x1  }
0xbe: {  	_ =	sfence.sel $0xFFFF  }
0xbf: {  	[dreg:$0x0] =	wrdreg $0xFFFFFFFF;
	(pc) =	sbr.abs _section_cstart, $3  }
0xc0: {  	[dreg:$0x1] =	wrdreg $0xFFFFFFFF  }
0xc1: {  	_ =	task.clear_ibuf [dreg:s7], $0x2FFFF;
	_ =	strace $0x9FFFFFFF  }
0xc2: {  	(tm) =	ssettm $0x7FFFFFFF  }
0xc3: {  	_ =	shalt  }
tec
execute0_lowered:
.L_overlay_start_1:
0x0: {  	(tag) =	ssettag $0x1  }
0x1: {  	s0 =	rddreg [dreg:$0x0];
	s1 =	srdreg.scid  }
0x2: {  	s3 =	stileid.u32;
	s2 =	rddreg [dreg:$0x1];
	s14 =	simm.s32 $0x4  }
0x3: {  	s16 =	simm.s32 $0x80;
	s30 =	simm.s32 $0xC00;
	s31 =	simm.s32 $0x2400  }
0x4: {  	s15 =	simm.s32 $0x1B000;
	s1 =	sand.u32 $0x1, s1;
	s4 =	sshll.u32 s3, $0x1  }
0x5: {  	s17 =	simm.s32 $0x0;
	s3 =	simm.s32 $0x0;
	s11 =	sor.u32 s1, s4  }
0x6: {  	s5 =	sadd.s32 $0x9DC00, s0;
	[smem:$0x7FF] =	sst s3;
	s6 =	smul.u32 $0x8400, s11  }
0x7: {  	s4 =	sadd.s32 $0x1800, s0;
	s1 =	ssub.s32 $0x2, s1;
	s29 =	smul.u32 $0x580, s11  }
0x8: {  	_ =	strace $0x80000047;
	s7 =	sshrl.u32 s1, $0x1;
	s11 =	smul.u32 $0xB000, s11  }
0x9: {  	s28 =	ssub.s32 s1, s7;
	s1 =	simm.s32 $0x1;
	s9 =	sshrl.u32 s6, $0x3  }
0xa: {  	s6 =	sadd.s32 $0xBEC00, s0;
	s12 =	sadd.s32 $0x100, s29;
	s13 =	smax.u32 s28, $0x1  }
0xb: {  	s0 =	simm.s32 $0x2;
	s7 =	sadd.s32 s2, s9;
	s10 =	sadd.s32 $0x180, s9  }
0xc: {  	s8 =	sadd.s32 s5, s9;
	s9 =	sadd.s32 s2, s10;
	s10 =	sadd.s32 s5, s10  }
.LBB2_1:
0xd: {  	[tilespmem:s3], [sflag:$0x4] =	stream.linear.gather [hbm4b:s7+s3], $0xC00, $0x38;
	[tilespmem:$0x1C000] =	vst v63  }
0xe: {  	_ =	swait.ge [sflag:s14], $0xC00  }
0xf: {  	[sflag:s14] =	ssyncset.done $0x0  }
0x10: {  	s18 =	simm.s32 $0x1800;
	[sflag:s14] =	ssyncadd.s32 $0xFFFFF400  }
0x11: {  	[tilespmem:s18], [sflag:$0x4] =	stream.linear.gather [hbm4b:s8+s3], $0xC00, $0x38;
	[tilespmem:$0x1C000] =	vst v63  }
0x12: {  	_ =	swait.ge [sflag:s14], $0xC00  }
0x13: {  	[sflag:s14] =	ssyncset.done $0x0  }
0x14: {  	s24 =	simm.s32 $0x3000;
	[sflag:s14] =	ssyncadd.s32 $0xFFFFF400  }
0x15: {  	[tilespmem:s24], [sflag:$0x1] =	stream.indirect.gather [hbm4b:s4+s16], $0x20, s3, s16, $0xb8;
	[tilespmem:$0x1C000] =	vst v63  }
0x16: {  	s25 =	simm.s32 $0x4000  }
0x17: {  	[tilespmem:s25], [sflag:$0x1] =	stream.indirect.gather [hbm4b:s4+s16], $0x20, s16, s16, $0xb8;
	[tilespmem:$0x1C000] =	vst v63  }
0x18: {  	s26 =	simm.s32 $0x100;
	s19 =	simm.s32 $0x5000  }
0x19: {  	[tilespmem:s19], [sflag:$0x1] =	stream.indirect.gather [hbm4b:s4+s16], $0x20, s26, s16, $0xb8;
	[tilespmem:$0x1C000] =	vst v63  }
0x1a: {  	s28 =	simm.s32 $0x180;
	s29 =	simm.s32 $0x6000  }
0x1b: {  	[tilespmem:s29], [sflag:$0x1] =	stream.indirect.gather [hbm4b:s4+s16], $0x20, s28, s16, $0xb8;
	[tilespmem:$0x1C000] =	vst v63  }
0x1c: {  	s20 =	simm.s32 $0x7000;
	s19 =	simm.s32 $0x200  }
0x1d: {  	[tilespmem:s20], [sflag:$0x1] =	stream.indirect.gather [hbm4b:s4+s16], $0x20, s19, s16, $0xb8;
	[tilespmem:$0x1C000] =	vst v63  }
0x1e: {  	s21 =	simm.s32 $0x280;
	s22 =	simm.s32 $0x8000  }
0x1f: {  	[tilespmem:s22], [sflag:$0x1] =	stream.indirect.gather [hbm4b:s4+s16], $0x20, s21, s16, $0xb8;
	[tilespmem:$0x1C000] =	vst v63  }
0x20: {  	s23 =	simm.s32 $0x300;
	s24 =	simm.s32 $0x9000  }
0x21: {  	[tilespmem:s24], [sflag:$0x1] =	stream.indirect.gather [hbm4b:s4+s16], $0x20, s23, s16, $0xb8;
	[tilespmem:$0x1C000] =	vst v63  }
0x22: {  	s25 =	simm.s32 $0x380;
	s26 =	simm.s32 $0xA000  }
0x23: {  	[tilespmem:s26], [sflag:$0x1] =	stream.indirect.gather [hbm4b:s4+s16], $0x20, s25, s16, $0xb8;
	[tilespmem:$0x1C000] =	vst v63  }
0x24: {  	s28 =	simm.s32 $0x400;
	s29 =	simm.s32 $0xB000  }
0x25: {  	[tilespmem:s29], [sflag:$0x1] =	stream.indirect.gather [hbm4b:s4+s16], $0x20, s28, s16, $0xb8;
	[tilespmem:$0x1C000] =	vst v63  }
0x26: {  	s19 =	simm.s32 $0x480;
	s20 =	simm.s32 $0xC000  }
0x27: {  	[tilespmem:s20], [sflag:$0x1] =	stream.indirect.gather [hbm4b:s4+s16], $0x20, s19, s16, $0xb8;
	[tilespmem:$0x1C000] =	vst v63  }
0x28: {  	s21 =	simm.s32 $0x500;
	s22 =	simm.s32 $0xD000  }
0x29: {  	[tilespmem:s22], [sflag:$0x1] =	stream.indirect.gather [hbm4b:s4+s16], $0x20, s21, s16, $0xb8;
	[tilespmem:$0x1C000] =	vst v63  }
0x2a: {  	s23 =	simm.s32 $0x580;
	s24 =	simm.s32 $0xE000  }
0x2b: {  	[tilespmem:s24], [sflag:$0x1] =	stream.indirect.gather [hbm4b:s4+s16], $0x20, s23, s16, $0xb8;
	[tilespmem:$0x1C000] =	vst v63  }
0x2c: {  	s25 =	simm.s32 $0x600;
	s26 =	simm.s32 $0xF000  }
0x2d: {  	[tilespmem:s26], [sflag:$0x2] =	stream.indirect.gather [hbm4b:s4+s16], $0x20, s25, s16, $0xb8;
	[tilespmem:$0x1C000] =	vst v63  }
0x2e: {  	s28 =	simm.s32 $0x680;
	s29 =	simm.s32 $0x10000  }
0x2f: {  	[tilespmem:s29], [sflag:$0x2] =	stream.indirect.gather [hbm4b:s4+s16], $0x20, s28, s16, $0xb8;
	[tilespmem:$0x1C000] =	vst v63  }
0x30: {  	s19 =	simm.s32 $0x700;
	s20 =	simm.s32 $0x11000  }
0x31: {  	[tilespmem:s20], [sflag:$0x2] =	stream.indirect.gather [hbm4b:s4+s16], $0x20, s19, s16, $0xb8;
	[tilespmem:$0x1C000] =	vst v63  }
0x32: {  	s21 =	simm.s32 $0x780;
	s22 =	simm.s32 $0x12000  }
0x33: {  	[tilespmem:s22], [sflag:$0x2] =	stream.indirect.gather [hbm4b:s4+s16], $0x20, s21, s16, $0xb8;
	[tilespmem:$0x1C000] =	vst v63  }
0x34: {  	s23 =	simm.s32 $0x800;
	s24 =	simm.s32 $0x13000  }
0x35: {  	[tilespmem:s24], [sflag:$0x2] =	stream.indirect.gather [hbm4b:s4+s16], $0x20, s23, s16, $0xb8;
	[tilespmem:$0x1C000] =	vst v63  }
0x36: {  	s25 =	simm.s32 $0x880;
	s26 =	simm.s32 $0x14000  }
0x37: {  	[tilespmem:s26], [sflag:$0x2] =	stream.indirect.gather [hbm4b:s4+s16], $0x20, s25, s16, $0xb8;
	[tilespmem:$0x1C000] =	vst v63  }
0x38: {  	s28 =	simm.s32 $0x900;
	s29 =	simm.s32 $0x15000  }
0x39: {  	[tilespmem:s29], [sflag:$0x2] =	stream.indirect.gather [hbm4b:s4+s16], $0x20, s28, s16, $0xb8;
	[tilespmem:$0x1C000] =	vst v63  }
0x3a: {  	s19 =	simm.s32 $0x980;
	s20 =	simm.s32 $0x16000  }
0x3b: {  	[tilespmem:s20], [sflag:$0x2] =	stream.indirect.gather [hbm4b:s4+s16], $0x20, s19, s16, $0xb8;
	[tilespmem:$0x1C000] =	vst v63  }
0x3c: {  	s21 =	simm.s32 $0xA00;
	s22 =	simm.s32 $0x17000  }
0x3d: {  	[tilespmem:s22], [sflag:$0x2] =	stream.indirect.gather [hbm4b:s4+s16], $0x20, s21, s16, $0xb8;
	[tilespmem:$0x1C000] =	vst v63  }
0x3e: {  	s23 =	simm.s32 $0xA80;
	s24 =	simm.s32 $0x18000  }
0x3f: {  	[tilespmem:s24], [sflag:$0x2] =	stream.indirect.gather [hbm4b:s4+s16], $0x20, s23, s16, $0xb8;
	[tilespmem:$0x1C000] =	vst v63  }
0x40: {  	s25 =	simm.s32 $0xB00;
	s26 =	simm.s32 $0x19000  }
0x41: {  	[tilespmem:s26], [sflag:$0x2] =	stream.indirect.gather [hbm4b:s4+s16], $0x20, s25, s16, $0xb8;
	[tilespmem:$0x1C000] =	vst v63  }
0x42: {  	s28 =	simm.s32 $0xB80;
	s29 =	simm.s32 $0x1A000  }
0x43: {  	[tilespmem:s29], [sflag:$0x2] =	stream.indirect.gather [hbm4b:s4+s16], $0x20, s28, s16, $0xb8;
	[tilespmem:$0x1C000] =	vst v63  }
0x44: {  	_ = 	snop  }
0x45: {  	[tilespmem:s30], [sflag:$0x3] =	stream.linear.gather [hbm4b:s9+s3], $0xC00, $0x38;
	[tilespmem:$0x1C000] =	vst v63  }
0x46: {  	p0 =	por $0x0, $0x0;
	s18 =	simm.s32 $0x0  }
0x47: {  	[tilespmem:s31], [sflag:$0x3] =	stream.linear.gather [hbm4b:s10+s3], $0xC00, $0x38;
	[tilespmem:$0x1C000] =	vst v63  }
.LBB2_2:
0x48: {  	_ =	swait.ge [sflag:s1], $0x1000  }
0x49: {  	[sflag:s1] =	ssyncset.done $0x0  }
0x4a: {  	[sflag:s1] =	ssyncadd.s32 $0xFFFFF000  }
0x4b: {  	_ =	swait.ge [sflag:s1], $0x1000  }
0x4c: {  	[sflag:s1] =	ssyncset.done $0x0  }
0x4d: {  	[sflag:s1] =	ssyncadd.s32 $0xFFFFF000  }
0x4e: {  	_ =	swait.ge [sflag:s1], $0x1000  }
0x4f: {  	[sflag:s1] =	ssyncset.done $0x0  }
0x50: {  	[sflag:s1] =	ssyncadd.s32 $0xFFFFF000  }
0x51: {  	_ =	swait.ge [sflag:s1], $0x1000  }
0x52: {  	[sflag:s1] =	ssyncset.done $0x0  }
0x53: {  	[sflag:s1] =	ssyncadd.s32 $0xFFFFF000  }
0x54: {  	_ =	swait.ge [sflag:s1], $0x1000  }
0x55: {  	[sflag:s1] =	ssyncset.done $0x0  }
0x56: {  	[sflag:s1] =	ssyncadd.s32 $0xFFFFF000  }
0x57: {  	_ =	swait.ge [sflag:s1], $0x1000  }
0x58: {  	[sflag:s1] =	ssyncset.done $0x0  }
0x59: {  	[sflag:s1] =	ssyncadd.s32 $0xFFFFF000  }
0x5a: {  	_ =	swait.ge [sflag:s1], $0x1000  }
0x5b: {  	[sflag:s1] =	ssyncset.done $0x0  }
0x5c: {  	[sflag:s1] =	ssyncadd.s32 $0xFFFFF000  }
0x5d: {  	_ =	swait.ge [sflag:s1], $0x1000  }
0x5e: {  	[sflag:s1] =	ssyncset.done $0x0  }
0x5f: {  	[sflag:s1] =	ssyncadd.s32 $0xFFFFF000  }
0x60: {  	_ =	swait.ge [sflag:s1], $0x1000  }
0x61: {  	[sflag:s1] =	ssyncset.done $0x0  }
0x62: {  	[sflag:s1] =	ssyncadd.s32 $0xFFFFF000  }
0x63: {  	_ =	swait.ge [sflag:s1], $0x1000  }
0x64: {  	[sflag:s1] =	ssyncset.done $0x0  }
0x65: {  	[sflag:s1] =	ssyncadd.s32 $0xFFFFF000  }
0x66: {  	_ =	swait.ge [sflag:s1], $0x1000  }
0x67: {  	s19 =	simm.s32 $0x1;
	[sflag:s1] =	ssyncset.done $0x0  }
0x68: {  	s19 =	simm.s32 @!p0 $0x0;
	[sflag:s1] =	ssyncadd.s32 $0xFFFFF000  }
0x69: {  	s19 =	smul.u32 $0x3000, s19;
	_ =	swait.ge [sflag:s1], $0x1000  }
0x6a: {  	p1 =	seq.s32 s18, $0xA;
	[sflag:s1] =	ssyncset.done $0x0  }
0x6b: {  	s20 =	simm.s32 @!p1 $0x3;
	s19 =	sshrl.u32 s19, $0x2;
	[sflag:s1] =	ssyncadd.s32 $0xFFFFF000  }
0x6c: {  	s21 =	sadd.s32 $0x1800, s19;
	_ =	swait.ge @!p1 [sflag:s20], $0xC00  }
0x6d: {  	v1 =	vmov s21;
	[sflag:s20] =	ssyncset.done @!p1 $0x0  }
0x6e: {  	[sflag:s20] =	ssyncadd.s32 @!p1 $0xFFFFF400  }
0x6f: {  	_ =	swait.ge @!p1 [sflag:s20], $0xC00  }
0x70: {  	[sflag:s20] =	ssyncset.done @!p1 $0x0  }
0x71: {  	s29 =	simm.s32 $0x8;
	[sflag:s20] =	ssyncadd.s32 @!p1 $0xFFFFF400  }
0x72: {  	v2 =	vld.idx.msk [tilespmem:v1+s29+$0xFFFFFFF8 ss:$0x1], $0xffff  }
0x73: {  	s22 =	simm.s32 $0x3180;
	v0 =	vld.idx.msk [tilespmem:v1+s29+$0x0 ss:$0x1], $0xffff  }
0x74: {  	v3 =	vld [tilespmem:s22+$0xFFFFFE80]  }
0x75: {  	v4 =	vld [tilespmem:s22+$0xFFFFFE90]  }
0x76: {  	v5 =	vld [tilespmem:s22+$0xFFFFFEB0]  }
0x77: {  	v6 =	vld [tilespmem:s22+$0xFFFFFEA0]  }
0x78: {  	v9 =	vld [tilespmem:s22+$0xFFFFFED0];
	v7 =	vbroadcast v2, $0x0;
	v8 =	vbroadcast v2, $0x1  }
0x79: {  	v10 =	vld [tilespmem:s22+$0xFFFFFEC0];
	v11 =	vbroadcast v2, $0x2;
	v12 =	vbroadcast v2, $0x3  }
0x7a: {  	v3 =	vmul.f32 v3, v7;
	v4 =	vmul.f32 v4, v7;
	v7 =	vld [tilespmem:s22+$0xFFFFFEF0]  }
0x7b: {  	v13 =	vld [tilespmem:s22+$0xFFFFFEE0];
	v14 =	vbroadcast v2, $0x4;
	v5 =	vmul.f32 v5, v8  }
0x7c: {  	v6 =	vmul.f32 v6, v8;
	v8 =	vld [tilespmem:s22+$0xFFFFFF10];
	v3 =	vadd.f32 $0.0e+00, v3;
	v4 =	vadd.f32 $0.0e+00, v4  }
0x7d: {  	v15 =	vld [tilespmem:s22+$0xFFFFFF00];
	v16 =	vbroadcast v2, $0x5;
	v9 =	vmul.f32 v9, v11  }
0x7e: {  	v3 =	vadd.f32 v6, v3;
	v4 =	vadd.f32 v5, v4;
	v5 =	vmul.f32 v10, v11;
	v6 =	vld [tilespmem:s22+$0xFFFFFF30]  }
0x7f: {  	v63 =	vbroadcast v2, $0x9;
	v10 =	vld [tilespmem:s22+$0xFFFFFF20];
	v7 =	vmul.f32 v7, v12  }
0x80: {  	v3 =	vadd.f32 v5, v3;
	v4 =	vadd.f32 v9, v4;
	v5 =	vmul.f32 v13, v12;
	v9 =	vld [tilespmem:s22+$0xFFFFFF50]  }
0x81: {  	v11 =	vbroadcast v2, $0x6;
	v8 =	vmul.f32 v8, v14;
	v12 =	vld [tilespmem:s22+$0xFFFFFF40]  }
0x82: {  	v3 =	vadd.f32 v5, v3;
	v4 =	vadd.f32 v7, v4;
	v5 =	vmul.f32 v15, v14;
	v7 =	vld [tilespmem:s22+$0xFFFFFF70]  }
0x83: {  	v13 =	vbroadcast v2, $0x7;
	v14 =	vld [tilespmem:s22+$0xFFFFFF60];
	v6 =	vmul.f32 v6, v16  }
0x84: {  	v3 =	vadd.f32 v5, v3;
	v4 =	vadd.f32 v8, v4;
	v5 =	vmul.f32 v10, v16;
	v10 =	vld [tilespmem:s22+$0xFFFFFF90]  }
0x85: {  	v15 =	vbroadcast v2, $0x8;
	v8 =	vmul.f32 v9, v11;
	v9 =	vld [tilespmem:s22+$0xFFFFFF80]  }
0x86: {  	v5 =	vadd.f32 v5, v3;
	v4 =	vadd.f32 v6, v4;
	v6 =	vmul.f32 v12, v11;
	v11 =	vld [tilespmem:s22+$0xFFFFFFB0]  }
0x87: {  	v17 =	vld [tilespmem:s22+$0xFFFFFFA0];
	v3 =	vbroadcast v2, $0xA;
	v7 =	vmul.f32 v7, v13  }
0x88: {  	v13 =	vmul.f32 v14, v13;
	v5 =	vadd.f32 v6, v5;
	v12 =	vadd.f32 v8, v4;
	v8 =	vld [tilespmem:s22+$0xFFFFFFD0]  }
0x89: {  	v6 =	vld [tilespmem:s22+$0xFFFFFFC0];
	v4 =	vbroadcast v2, $0xB;
	v10 =	vmul.f32 v10, v15  }
0x8a: {  	s25 =	simm.s32 $0x1B010;
	s26 =	simm.s32 $0x80;
	v13 =	vadd.f32 v13, v5;
	v12 =	vadd.f32 v7, v12;
	v14 =	vmul.f32 v9, v15;
	v7 =	vld [tilespmem:s22+$0xFFFFFFF0]  }
0x8b: {  	s28 =	simm.s32 $0x3180;
	s24 =	simm.s32 $0x1B010;
	s20 =	sand.u32 $0x1, s18;
	v9 =	vld [tilespmem:s22+$0xFFFFFFE0];
	v5 =	vbroadcast v2, $0xC;
	v11 =	vmul.f32 v11, v63  }
0x8c: {  	s21 =	sadd.s32 $0x1E08, s19;
	s19 =	sadd.s32 $0x1, s18;
	s23 =	sxor.u32 $0x1, s20;
	v13 =	vadd.f32 v14, v13;
	v12 =	vadd.f32 v10, v12;
	v14 =	vmul.f32 v17, v63;
	v10 =	vld [tilespmem:s22+$0x10]  }
.LBB2_3:
0x8d: {  	p2 =	sne.s32 s26, $0x17C0;
	v8 =	vmul.f32 v8, v3;
	v15 =	vld [tilespmem:s22+$0x0];
	v16 =	vbroadcast v2, $0xD;
	s25 =	sadd.s32 $0x20, s25;
	s28 =	sadd.s32 $0x300, s28  }
0x8e: {  	s29 =	sshra.s32 s26, $0x2;
	s26 =	sadd.s32 $0x60, s26;
	v13 =	vadd.f32 v14, v13;
	v11 =	vadd.f32 v11, v12;
	v3 =	vmul.f32 v6, v3;
	v6 =	vld [tilespmem:s22+$0x30]  }
0x8f: {  	v14 =	vbroadcast v2, $0xE;
	v7 =	vmul.f32 v7, v4;
	v12 =	vld [tilespmem:s22+$0x20]  }
0x90: {  	v3 =	vadd.f32 v3, v13;
	v8 =	vadd.f32 v8, v11;
	v4 =	vmul.f32 v9, v4;
	v9 =	vld [tilespmem:s22+$0x50]  }
0x91: {  	v2 =	vbroadcast v2, $0xF;
	v10 =	vmul.f32 v10, v5;
	v11 =	vld [tilespmem:s22+$0x40]  }
0x92: {  	v3 =	vadd.f32 v4, v3;
	v4 =	vadd.f32 v7, v8;
	v5 =	vmul.f32 v15, v5;
	v7 =	vld [tilespmem:s22+$0x70]  }
0x93: {  	v13 =	vbroadcast v0, $0x8;
	v6 =	vmul.f32 v6, v16;
	v8 =	vld [tilespmem:s22+$0x60]  }
0x94: {  	v3 =	vadd.f32 v5, v3;
	v4 =	vadd.f32 v10, v4;
	v5 =	vmul.f32 v12, v16;
	v10 =	vld [tilespmem:s22+$0x90]  }
0x95: {  	v15 =	vbroadcast v0, $0x9;
	v9 =	vmul.f32 v9, v14;
	v12 =	vld [tilespmem:s22+$0x80]  }
0x96: {  	v3 =	vadd.f32 v5, v3;
	v4 =	vadd.f32 v6, v4;
	v5 =	vmul.f32 v11, v14;
	v6 =	vld [tilespmem:s22+$0xB0]  }
0x97: {  	v14 =	vbroadcast v0, $0xA;
	v7 =	vmul.f32 v7, v2;
	v11 =	vld [tilespmem:s22+$0xA0]  }
0x98: {  	v3 =	vadd.f32 v5, v3;
	v4 =	vadd.f32 v9, v4;
	v2 =	vmul.f32 v8, v2;
	v5 =	vld [tilespmem:s22+$0xD0]  }
0x99: {  	v8 =	vmul.f32 v10, v13;
	v9 =	vld [tilespmem:s22+$0xC0];
	v10 =	vbroadcast v0, $0xB  }
0x9a: {  	v2 =	vadd.f32 v2, v3;
	v3 =	vadd.f32 v7, v4;
	v4 =	vmul.f32 v12, v13;
	v7 =	vld [tilespmem:s22+$0xF0]  }
0x9b: {  	v13 =	vbroadcast v0, $0xC;
	v6 =	vmul.f32 v6, v15;
	v12 =	vld [tilespmem:s22+$0xE0]  }
0x9c: {  	v2 =	vadd.f32 v4, v2;
	v3 =	vadd.f32 v8, v3;
	v4 =	vmul.f32 v11, v15;
	v8 =	vld [tilespmem:s22+$0x110]  }
0x9d: {  	v15 =	vbroadcast v0, $0xD;
	v5 =	vmul.f32 v5, v14;
	v11 =	vld [tilespmem:s22+$0x100]  }
0x9e: {  	v2 =	vadd.f32 v4, v2;
	v3 =	vadd.f32 v6, v3;
	v4 =	vmul.f32 v9, v14;
	v6 =	vld [tilespmem:s22+$0x130]  }
0x9f: {  	v14 =	vbroadcast v0, $0xE;
	v7 =	vmul.f32 v7, v10;
	v9 =	vld [tilespmem:s22+$0x120]  }
0xa0: {  	v2 =	vadd.f32 v4, v2;
	v3 =	vadd.f32 v5, v3;
	v4 =	vmul.f32 v12, v10;
	v5 =	vld [tilespmem:s22+$0x150]  }
0xa1: {  	v0 =	vbroadcast v0, $0xF;
	v8 =	vmul.f32 v8, v13;
	v10 =	vld [tilespmem:s22+$0x140]  }
0xa2: {  	v2 =	vadd.f32 v4, v2;
	v3 =	vadd.f32 v7, v3;
	v4 =	vmul.f32 v11, v13;
	v7 =	vld [tilespmem:s22+$0x170]  }
0xa3: {  	v6 =	vmul.f32 v6, v15;
	v11 =	vld [tilespmem:s22+$0x160];
	s22 =	smov.u32 s28  }
0xa4: {  	v2 =	vadd.f32 v4, v2;
	v3 =	vadd.f32 v8, v3;
	v4 =	vmul.f32 v9, v15  }
0xa5: {  	v5 =	vmul.f32 v5, v14  }
0xa6: {  	v2 =	vadd.f32 v4, v2;
	v3 =	vadd.f32 v6, v3;
	v4 =	vmul.f32 v10, v14  }
0xa7: {  	v6 =	vmul.f32 v7, v0  }
0xa8: {  	v2 =	vadd.f32 v4, v2;
	v3 =	vadd.f32 v5, v3;
	v0 =	vmul.f32 v11, v0;
	_ =	sdelay $0x1  }
0xa9: {  	v0 =	vadd.f32 v0, v2;
	v2 =	vadd.f32 v6, v3;
	_ =	sdelay $0x1  }
0xaa: {  	[tilespmem:s24+$0xFFFFFFF0] =	vst v0  }
0xab: {  	[tilespmem:s24+$0x0] =	vst v2;
	s24 =	smov.u32 s25  }
0xac: {  	v2 =	vld.idx.msk [tilespmem:v1+s29+$0xFFFFFFF8 ss:$0x1], $0xffff  }
0xad: {  	v0 =	vld.idx.msk [tilespmem:v1+s29+$0x0 ss:$0x1], $0xffff  }
0xae: {  	v3 =	vld [tilespmem:s28+$0xFFFFFE80]  }
0xaf: {  	v4 =	vld [tilespmem:s28+$0xFFFFFE90]  }
0xb0: {  	v5 =	vld [tilespmem:s28+$0xFFFFFEB0]  }
0xb1: {  	v6 =	vld [tilespmem:s28+$0xFFFFFEA0]  }
0xb2: {  	v7 =	vbroadcast v2, $0x0;
	v8 =	vbroadcast v2, $0x1;
	v9 =	vld [tilespmem:s28+$0xFFFFFED0]  }
0xb3: {  	v11 =	vbroadcast v2, $0x2;
	v12 =	vbroadcast v2, $0x3;
	v10 =	vld [tilespmem:s28+$0xFFFFFEC0]  }
0xb4: {  	v3 =	vmul.f32 v3, v7;
	v4 =	vmul.f32 v4, v7;
	v7 =	vld [tilespmem:s28+$0xFFFFFEF0]  }
0xb5: {  	v14 =	vbroadcast v2, $0x4;
	v5 =	vmul.f32 v5, v8;
	v13 =	vld [tilespmem:s28+$0xFFFFFEE0]  }
0xb6: {  	v3 =	vadd.f32 $0.0e+00, v3;
	v4 =	vadd.f32 $0.0e+00, v4;
	v6 =	vmul.f32 v6, v8;
	v8 =	vld [tilespmem:s28+$0xFFFFFF10]  }
0xb7: {  	v16 =	vbroadcast v2, $0x5;
	v9 =	vmul.f32 v9, v11;
	v15 =	vld [tilespmem:s28+$0xFFFFFF00]  }
0xb8: {  	v3 =	vadd.f32 v6, v3;
	v4 =	vadd.f32 v5, v4;
	v5 =	vmul.f32 v10, v11;
	v6 =	vld [tilespmem:s28+$0xFFFFFF30]  }
0xb9: {  	v11 =	vbroadcast v2, $0x6;
	v7 =	vmul.f32 v7, v12;
	v10 =	vld [tilespmem:s28+$0xFFFFFF20]  }
0xba: {  	v3 =	vadd.f32 v5, v3;
	v4 =	vadd.f32 v9, v4;
	v5 =	vmul.f32 v13, v12;
	v9 =	vld [tilespmem:s28+$0xFFFFFF50]  }
0xbb: {  	v13 =	vbroadcast v2, $0x7;
	v8 =	vmul.f32 v8, v14;
	v12 =	vld [tilespmem:s28+$0xFFFFFF40]  }
0xbc: {  	v3 =	vadd.f32 v5, v3;
	v4 =	vadd.f32 v7, v4;
	v5 =	vmul.f32 v15, v14;
	v7 =	vld [tilespmem:s28+$0xFFFFFF70]  }
0xbd: {  	v15 =	vbroadcast v2, $0x8;
	v6 =	vmul.f32 v6, v16;
	v14 =	vld [tilespmem:s28+$0xFFFFFF60]  }
0xbe: {  	v3 =	vadd.f32 v5, v3;
	v4 =	vadd.f32 v8, v4;
	v5 =	vmul.f32 v10, v16;
	v10 =	vld [tilespmem:s28+$0xFFFFFF90]  }
0xbf: {  	v16 =	vbroadcast v2, $0x9;
	v8 =	vmul.f32 v9, v11;
	v9 =	vld [tilespmem:s28+$0xFFFFFF80]  }
0xc0: {  	v5 =	vadd.f32 v5, v3;
	v4 =	vadd.f32 v6, v4;
	v6 =	vmul.f32 v12, v11;
	v11 =	vld [tilespmem:s28+$0xFFFFFFB0]  }
0xc1: {  	v3 =	vbroadcast v2, $0xA;
	v7 =	vmul.f32 v7, v13;
	v17 =	vld [tilespmem:s28+$0xFFFFFFA0]  }
.Ltmp0:
0xc2: {  	v5 =	vadd.f32 v6, v5;
	v12 =	vadd.f32 v8, v4;
	v13 =	vmul.f32 v14, v13;
	v8 =	vld [tilespmem:s28+$0xFFFFFFD0];
	(pc) =	sbr.rel @p2 .LBB2_3-.Ltmp0, $4  }
0xc3: {  	v4 =	vbroadcast v2, $0xB;
	v10 =	vmul.f32 v10, v15;
	v6 =	vld [tilespmem:s28+$0xFFFFFFC0]  }
0xc4: {  	v13 =	vadd.f32 v13, v5;
	v12 =	vadd.f32 v7, v12;
	v14 =	vmul.f32 v9, v15;
	v7 =	vld [tilespmem:s28+$0xFFFFFFF0]  }
0xc5: {  	v5 =	vbroadcast v2, $0xC;
	v11 =	vmul.f32 v11, v16;
	v9 =	vld [tilespmem:s28+$0xFFFFFFE0]  }
0xc6: {  	v13 =	vadd.f32 v14, v13;
	v12 =	vadd.f32 v10, v12;
	v14 =	vmul.f32 v17, v16;
	v10 =	vld [tilespmem:s28+$0x10]  }
0xc7: {  	v1 =	vld [tilespmem:s22+$0x0]  }
0xc8: {  	v13 =	vadd.f32 v14, v13;
	v6 =	vmul.f32 v6, v3  }
0xc9: {  	v35 =	vld [tilespmem:s22+$0x20];
	v3 =	vmul.f32 v8, v3;
	v34 =	vadd.f32 v11, v12  }
0xca: {  	v36 =	vld [tilespmem:s22+$0x30];
	v6 =	vadd.f32 v6, v13;
	v9 =	vmul.f32 v9, v4  }
0xcb: {  	v38 =	vld [tilespmem:s22+$0x40];
	v37 =	vmul.f32 v7, v4;
	v3 =	vadd.f32 v3, v34  }
0xcc: {  	v39 =	vbroadcast v2, $0xD;
	v40 =	vld [tilespmem:s22+$0x50];
	v6 =	vadd.f32 v9, v6;
	v1 =	vmul.f32 v1, v5  }
0xcd: {  	v42 =	vld [tilespmem:s22+$0x60];
	v41 =	vmul.f32 v10, v5;
	v3 =	vadd.f32 v37, v3  }
0xce: {  	v43 =	vbroadcast v2, $0xE;
	v44 =	vld [tilespmem:s22+$0x70];
	v45 =	vmul.f32 v35, v39;
	v1 =	vadd.f32 v1, v6  }
0xcf: {  	v46 =	vld [tilespmem:s22+$0x80];
	v8 =	vmul.f32 v36, v39;
	v3 =	vadd.f32 v41, v3  }
0xd0: {  	v2 =	vbroadcast v2, $0xF;
	v47 =	vld [tilespmem:s22+$0x90];
	v48 =	vmul.f32 v38, v43;
	v1 =	vadd.f32 v45, v1  }
0xd1: {  	v50 =	vld [tilespmem:s22+$0xA0];
	v49 =	vmul.f32 v40, v43;
	v3 =	vadd.f32 v8, v3  }
0xd2: {  	v51 =	vbroadcast v0, $0x8;
	v52 =	vld [tilespmem:s22+$0xB0];
	v4 =	vmul.f32 v42, v2;
	v1 =	vadd.f32 v48, v1  }
0xd3: {  	v53 =	vld [tilespmem:s22+$0xC0];
	v2 =	vmul.f32 v44, v2;
	v3 =	vadd.f32 v49, v3  }
0xd4: {  	v54 =	vbroadcast v0, $0x9;
	v55 =	vld [tilespmem:s22+$0xD0];
	v56 =	vmul.f32 v46, v51;
	v1 =	vadd.f32 v4, v1  }
0xd5: {  	v57 =	vmul.f32 v47, v51;
	v2 =	vadd.f32 v2, v3;
	v3 =	vld [tilespmem:s22+$0xE0]  }
0xd6: {  	v58 =	vbroadcast v0, $0xA;
	v59 =	vld [tilespmem:s22+$0xF0];
	v60 =	vmul.f32 v50, v54;
	v1 =	vadd.f32 v56, v1  }
0xd7: {  	v61 =	vld [tilespmem:s22+$0x100];
	v7 =	vmul.f32 v52, v54;
	v2 =	vadd.f32 v57, v2  }
0xd8: {  	v62 =	vbroadcast v0, $0xB;
	v63 =	vld [tilespmem:s22+$0x110];
	v14 =	vmul.f32 v53, v58;
	v1 =	vadd.f32 v60, v1  }
0xd9: {  	v16 =	vld [tilespmem:s22+$0x120];
	v15 =	vmul.f32 v55, v58;
	v2 =	vadd.f32 v7, v2  }
0xda: {  	v17 =	vbroadcast v0, $0xC;
	v18 =	vld [tilespmem:s22+$0x130];
	v3 =	vmul.f32 v3, v62;
	v1 =	vadd.f32 v14, v1  }
0xdb: {  	v20 =	vld [tilespmem:s22+$0x140];
	v19 =	vmul.f32 v59, v62;
	v2 =	vadd.f32 v15, v2  }
0xdc: {  	v21 =	vbroadcast v0, $0xD;
	v22 =	vld [tilespmem:s22+$0x150];
	v1 =	vadd.f32 v3, v1;
	v3 =	vmul.f32 v61, v17  }
0xdd: {  	v24 =	vld [tilespmem:s22+$0x160];
	v23 =	vmul.f32 v63, v17;
	v2 =	vadd.f32 v19, v2  }
0xde: {  	v25 =	vbroadcast v0, $0xE;
	v26 =	vld [tilespmem:s22+$0x170];
	v1 =	vadd.f32 v3, v1;
	v3 =	vmul.f32 v16, v21  }
0xdf: {  	v27 =	vmul.f32 v18, v21;
	v2 =	vadd.f32 v23, v2  }
0xe0: {  	v0 =	vbroadcast v0, $0xF;
	v1 =	vadd.f32 v3, v1;
	v3 =	vmul.f32 v20, v25  }
0xe1: {  	v28 =	vmul.f32 v22, v25;
	v2 =	vadd.f32 v27, v2  }
0xe2: {  	v1 =	vadd.f32 v3, v1;
	v3 =	vmul.f32 v24, v0  }
0xe3: {  	v0 =	vmul.f32 v26, v0;
	v2 =	vadd.f32 v28, v2  }
0xe4: {  	v1 =	vadd.f32 v3, v1  }
0xe5: {  	s22 =	smul.u32 @!p1 $0x3000, s23;
	v0 =	vadd.f32 v0, v2  }
0xe6: {  	[tilespmem:s24+$0xFFFFFFF0] =	vst v1  }
0xe7: {  	s23 =	simm.s32 @!p1 $0x80;
	s22 =	sshrl.u32 @!p1 s22, $0x2;
	[tilespmem:s24+$0x0] =	vst v0;
	s24 =	simm.s32 @!p1 $0x3000  }
0xe8: {  	[tilespmem:s24], [sflag:$0x1] =	stream.indirect.gather @!p1 [hbm4b:s4+s23], $0x20, s22, s23, $0xb8;
	[tilespmem:$0x1C000] =	vst v63  }
0xe9: {  	s25 =	simm.s32 @!p1 $0x4000;
	s24 =	sor.u32 @!p1 $0x80, s22  }
0xea: {  	[tilespmem:s25], [sflag:$0x1] =	stream.indirect.gather @!p1 [hbm4b:s4+s23], $0x20, s24, s23, $0xb8;
	[tilespmem:$0x1C000] =	vst v63  }
0xeb: {  	s24 =	sor.u32 @!p1 $0x100, s22;
	s25 =	simm.s32 @!p1 $0x5000  }
0xec: {  	[tilespmem:s25], [sflag:$0x1] =	stream.indirect.gather @!p1 [hbm4b:s4+s23], $0x20, s24, s23, $0xb8;
	[tilespmem:$0x1C000] =	vst v63  }
0xed: {  	s24 =	sor.u32 @!p1 $0x180, s22;
	s25 =	simm.s32 @!p1 $0x6000  }
0xee: {  	[tilespmem:s25], [sflag:$0x1] =	stream.indirect.gather @!p1 [hbm4b:s4+s23], $0x20, s24, s23, $0xb8;
	[tilespmem:$0x1C000] =	vst v63  }
0xef: {  	s24 =	sor.u32 @!p1 $0x200, s22;
	s25 =	simm.s32 @!p1 $0x7000  }
0xf0: {  	[tilespmem:s25], [sflag:$0x1] =	stream.indirect.gather @!p1 [hbm4b:s4+s23], $0x20, s24, s23, $0xb8;
	[tilespmem:$0x1C000] =	vst v63  }
0xf1: {  	s24 =	sor.u32 @!p1 $0x280, s22;
	s25 =	simm.s32 @!p1 $0x8000  }
0xf2: {  	[tilespmem:s25], [sflag:$0x1] =	stream.indirect.gather @!p1 [hbm4b:s4+s23], $0x20, s24, s23, $0xb8;
	[tilespmem:$0x1C000] =	vst v63  }
0xf3: {  	s24 =	sor.u32 @!p1 $0x300, s22;
	s25 =	simm.s32 @!p1 $0x9000  }
0xf4: {  	[tilespmem:s25], [sflag:$0x1] =	stream.indirect.gather @!p1 [hbm4b:s4+s23], $0x20, s24, s23, $0xb8;
	[tilespmem:$0x1C000] =	vst v63  }
0xf5: {  	s24 =	sor.u32 @!p1 $0x380, s22;
	s25 =	simm.s32 @!p1 $0xA000  }
0xf6: {  	[tilespmem:s25], [sflag:$0x1] =	stream.indirect.gather @!p1 [hbm4b:s4+s23], $0x20, s24, s23, $0xb8;
	[tilespmem:$0x1C000] =	vst v63  }
0xf7: {  	s24 =	sadd.s32 @!p1 $0x400, s22;
	s25 =	simm.s32 @!p1 $0xB000  }
0xf8: {  	[tilespmem:s25], [sflag:$0x1] =	stream.indirect.gather @!p1 [hbm4b:s4+s23], $0x20, s24, s23, $0xb8;
	[tilespmem:$0x1C000] =	vst v63  }
0xf9: {  	s24 =	sadd.s32 @!p1 $0x480, s22;
	s25 =	simm.s32 @!p1 $0xC000  }
0xfa: {  	[tilespmem:s25], [sflag:$0x1] =	stream.indirect.gather @!p1 [hbm4b:s4+s23], $0x20, s24, s23, $0xb8;
	[tilespmem:$0x1C000] =	vst v63  }
0xfb: {  	s24 =	sadd.s32 @!p1 $0x500, s22;
	s25 =	simm.s32 @!p1 $0xD000  }
0xfc: {  	[tilespmem:s25], [sflag:$0x1] =	stream.indirect.gather @!p1 [hbm4b:s4+s23], $0x20, s24, s23, $0xb8;
	[tilespmem:$0x1C000] =	vst v63  }
0xfd: {  	s24 =	sadd.s32 @!p1 $0x580, s22;
	s25 =	simm.s32 @!p1 $0xE000  }
0xfe: {  	[tilespmem:s25], [sflag:$0x1] =	stream.indirect.gather @!p1 [hbm4b:s4+s23], $0x20, s24, s23, $0xb8;
	[tilespmem:$0x1C000] =	vst v63  }
0xff: {  	_ =	swait.ge [sflag:s0], $0x1000  }
0x100: {  	[sflag:s0] =	ssyncset.done $0x0  }
0x101: {  	[sflag:s0] =	ssyncadd.s32 $0xFFFFF000  }
0x102: {  	_ =	swait.ge [sflag:s0], $0x1000  }
0x103: {  	[sflag:s0] =	ssyncset.done $0x0  }
0x104: {  	[sflag:s0] =	ssyncadd.s32 $0xFFFFF000  }
0x105: {  	_ =	swait.ge [sflag:s0], $0x1000  }
0x106: {  	[sflag:s0] =	ssyncset.done $0x0  }
0x107: {  	[sflag:s0] =	ssyncadd.s32 $0xFFFFF000  }
0x108: {  	_ =	swait.ge [sflag:s0], $0x1000  }
0x109: {  	[sflag:s0] =	ssyncset.done $0x0  }
0x10a: {  	[sflag:s0] =	ssyncadd.s32 $0xFFFFF000  }
0x10b: {  	_ =	swait.ge [sflag:s0], $0x1000  }
0x10c: {  	[sflag:s0] =	ssyncset.done $0x0  }
0x10d: {  	[sflag:s0] =	ssyncadd.s32 $0xFFFFF000  }
0x10e: {  	_ =	swait.ge [sflag:s0], $0x1000  }
0x10f: {  	[sflag:s0] =	ssyncset.done $0x0  }
0x110: {  	[sflag:s0] =	ssyncadd.s32 $0xFFFFF000  }
0x111: {  	_ =	swait.ge [sflag:s0], $0x1000  }
0x112: {  	[sflag:s0] =	ssyncset.done $0x0  }
0x113: {  	[sflag:s0] =	ssyncadd.s32 $0xFFFFF000  }
0x114: {  	_ =	swait.ge [sflag:s0], $0x1000  }
0x115: {  	[sflag:s0] =	ssyncset.done $0x0  }
0x116: {  	[sflag:s0] =	ssyncadd.s32 $0xFFFFF000  }
0x117: {  	_ =	swait.ge [sflag:s0], $0x1000  }
0x118: {  	[sflag:s0] =	ssyncset.done $0x0  }
0x119: {  	[sflag:s0] =	ssyncadd.s32 $0xFFFFF000  }
0x11a: {  	_ =	swait.ge [sflag:s0], $0x1000  }
0x11b: {  	[sflag:s0] =	ssyncset.done $0x0  }
0x11c: {  	[sflag:s0] =	ssyncadd.s32 $0xFFFFF000  }
0x11d: {  	_ =	swait.ge [sflag:s0], $0x1000  }
0x11e: {  	[sflag:s0] =	ssyncset.done $0x0  }
0x11f: {  	[sflag:s0] =	ssyncadd.s32 $0xFFFFF000  }
0x120: {  	_ =	swait.ge [sflag:s0], $0x1000  }
0x121: {  	[sflag:s0] =	ssyncset.done $0x0  }
0x122: {  	[sflag:s0] =	ssyncadd.s32 $0xFFFFF000  }
0x123: {  	v0 =	vld [tilespmem:s21+$0x0]  }
0x124: {  	s29 =	simm.s32 $0x0;
	v1 =	vld [tilespmem:s21+$0xFFFFFFF8]  }
0x125: {  	v2 =	vld [tilespmem:s29+$0xF010]  }
0x126: {  	v3 =	vld [tilespmem:s29+$0xF000]  }
0x127: {  	v29 =	vld [tilespmem:s29+$0xF030]  }
0x128: {  	v30 =	vld [tilespmem:s29+$0xF020]  }
0x129: {  	v32 =	vld [tilespmem:s29+$0xF050];
	v31 =	vbroadcast v1, $0x0  }
0x12a: {  	v34 =	vld [tilespmem:s29+$0xF040];
	v33 =	vbroadcast v1, $0x1  }
0x12b: {  	v35 =	vld [tilespmem:s29+$0xF070];
	v3 =	vmul.f32 v3, v31;
	v2 =	vmul.f32 v2, v31  }
0x12c: {  	v37 =	vld [tilespmem:s29+$0xF060];
	v36 =	vbroadcast v1, $0x2;
	v4 =	vmul.f32 v29, v33  }
0x12d: {  	v38 =	vld [tilespmem:s29+$0xF090];
	v5 =	vmul.f32 v30, v33;
	v3 =	vadd.f32 $0.0e+00, v3;
	v2 =	vadd.f32 $0.0e+00, v2  }
0x12e: {  	v40 =	vld [tilespmem:s29+$0xF080];
	v39 =	vbroadcast v1, $0x3;
	v7 =	vmul.f32 v32, v36  }
0x12f: {  	v44 =	vld [tilespmem:s29+$0xF0A0];
	v41 =	vmul.f32 v34, v36;
	v3 =	vadd.f32 v5, v3;
	v2 =	vadd.f32 v4, v2  }
0x130: {  	v42 =	vld [tilespmem:s29+$0xF0B0];
	v43 =	vbroadcast v1, $0x4;
	v6 =	vmul.f32 v35, v39  }
0x131: {  	v48 =	vld [tilespmem:s29+$0xF0C0];
	v45 =	vmul.f32 v37, v39;
	v3 =	vadd.f32 v41, v3;
	v2 =	vadd.f32 v7, v2  }
0x132: {  	v46 =	vld [tilespmem:s29+$0xF0D0];
	v47 =	vbroadcast v1, $0x5;
	v8 =	vmul.f32 v38, v43  }
0x133: {  	v52 =	vld [tilespmem:s29+$0xF0E0];
	v49 =	vmul.f32 v40, v43;
	v3 =	vadd.f32 v45, v3;
	v2 =	vadd.f32 v6, v2  }
0x134: {  	v50 =	vld [tilespmem:s29+$0xF0F0];
	v51 =	vbroadcast v1, $0x6;
	v53 =	vmul.f32 v44, v47  }
0x135: {  	v56 =	vld [tilespmem:s29+$0xF100];
	v5 =	vmul.f32 v42, v47;
	v3 =	vadd.f32 v49, v3;
	v2 =	vadd.f32 v8, v2  }
0x136: {  	v54 =	vld [tilespmem:s29+$0xF110];
	v55 =	vbroadcast v1, $0x7;
	v57 =	vmul.f32 v48, v51  }
0x137: {  	v60 =	vld [tilespmem:s29+$0xF120];
	v7 =	vmul.f32 v46, v51;
	v3 =	vadd.f32 v53, v3;
	v2 =	vadd.f32 v5, v2  }
0x138: {  	v58 =	vld [tilespmem:s29+$0xF130];
	v59 =	vbroadcast v1, $0x8;
	v61 =	vmul.f32 v52, v55  }
0x139: {  	v16 =	vld [tilespmem:s29+$0xF140];
	v6 =	vmul.f32 v50, v55;
	v3 =	vadd.f32 v57, v3;
	v2 =	vadd.f32 v7, v2  }
0x13a: {  	v62 =	vld [tilespmem:s29+$0xF150];
	v63 =	vbroadcast v1, $0x9;
	v17 =	vmul.f32 v56, v59  }
0x13b: {  	v20 =	vld [tilespmem:s29+$0xF160];
	v8 =	vmul.f32 v54, v59;
	v3 =	vadd.f32 v61, v3;
	v2 =	vadd.f32 v6, v2  }
0x13c: {  	v18 =	vld [tilespmem:s29+$0xF170];
	v19 =	vbroadcast v1, $0xA;
	v21 =	vmul.f32 v60, v63  }
0x13d: {  	v24 =	vld [tilespmem:s29+$0xF180];
	v5 =	vmul.f32 v58, v63;
	v3 =	vadd.f32 v17, v3;
	v2 =	vadd.f32 v8, v2  }
0x13e: {  	v22 =	vld [tilespmem:s29+$0xF190];
	v23 =	vbroadcast v1, $0xB;
	v25 =	vmul.f32 v16, v19  }
0x13f: {  	v28 =	vld [tilespmem:s29+$0xF1A0];
	v7 =	vmul.f32 v62, v19;
	v3 =	vadd.f32 v21, v3;
	v2 =	vadd.f32 v5, v2  }
0x140: {  	v26 =	vld [tilespmem:s29+$0xF1B0];
	v27 =	vbroadcast v1, $0xC;
	v29 =	vmul.f32 v20, v23  }
0x141: {  	v32 =	vld [tilespmem:s29+$0xF1C0];
	v6 =	vmul.f32 v18, v23;
	v3 =	vadd.f32 v25, v3;
	v2 =	vadd.f32 v7, v2  }
0x142: {  	v30 =	vld [tilespmem:s29+$0xF1D0];
	v31 =	vbroadcast v1, $0xD;
	v33 =	vmul.f32 v24, v27  }
0x143: {  	v34 =	vld [tilespmem:s29+$0xF1F0];
	v8 =	vmul.f32 v22, v27;
	v3 =	vadd.f32 v29, v3;
	v2 =	vadd.f32 v6, v2  }
0x144: {  	v35 =	vbroadcast v1, $0xE;
	v36 =	vld [tilespmem:s29+$0xF1E0];
	v37 =	vmul.f32 v28, v31  }
0x145: {  	v38 =	vld [tilespmem:s29+$0xF210];
	v5 =	vmul.f32 v26, v31;
	v3 =	vadd.f32 v33, v3;
	v2 =	vadd.f32 v8, v2  }
0x146: {  	v1 =	vbroadcast v1, $0xF;
	v39 =	vld [tilespmem:s29+$0xF200];
	v40 =	vmul.f32 v32, v35  }
0x147: {  	v41 =	vld [tilespmem:s29+$0xF230];
	v7 =	vmul.f32 v30, v35;
	v3 =	vadd.f32 v37, v3;
	v2 =	vadd.f32 v5, v2  }
0x148: {  	v43 =	vld [tilespmem:s29+$0xF220];
	v42 =	vbroadcast v0, $0x8;
	v6 =	vmul.f32 v34, v1  }
0x149: {  	v44 =	vld [tilespmem:s29+$0xF250];
	v1 =	vmul.f32 v36, v1;
	v3 =	vadd.f32 v40, v3;
	v2 =	vadd.f32 v7, v2  }
0x14a: {  	v47 =	vld [tilespmem:s29+$0xF240];
	v46 =	vbroadcast v0, $0x9;
	v45 =	vmul.f32 v38, v42  }
0x14b: {  	v48 =	vld [tilespmem:s29+$0xF270];
	v1 =	vadd.f32 v1, v3;
	v2 =	vadd.f32 v6, v2;
	v3 =	vmul.f32 v39, v42  }
0x14c: {  	v50 =	vld [tilespmem:s29+$0xF260];
	v49 =	vbroadcast v0, $0xA;
	v5 =	vmul.f32 v41, v46  }
0x14d: {  	v51 =	vld [tilespmem:s29+$0xF290];
	v1 =	vadd.f32 v3, v1;
	v2 =	vadd.f32 v45, v2;
	v3 =	vmul.f32 v43, v46  }
0x14e: {  	v52 =	vbroadcast v0, $0xB;
	v4 =	vmul.f32 v44, v49;
	v53 =	vld [tilespmem:s29+$0xF280]  }
0x14f: {  	v54 =	vld [tilespmem:s29+$0xF2B0];
	v1 =	vadd.f32 v3, v1;
	v2 =	vadd.f32 v5, v2;
	v3 =	vmul.f32 v47, v49  }
0x150: {  	v56 =	vld [tilespmem:s29+$0xF2A0];
	v55 =	vbroadcast v0, $0xC;
	v6 =	vmul.f32 v48, v52  }
0x151: {  	v57 =	vld [tilespmem:s29+$0xF2D0];
	v1 =	vadd.f32 v3, v1;
	v2 =	vadd.f32 v4, v2;
	v3 =	vmul.f32 v50, v52  }
0x152: {  	v59 =	vld [tilespmem:s29+$0xF2C0];
	v58 =	vbroadcast v0, $0xD;
	v7 =	vmul.f32 v51, v55  }
0x153: {  	v60 =	vld [tilespmem:s29+$0xF2F0];
	v1 =	vadd.f32 v3, v1;
	v2 =	vadd.f32 v6, v2;
	v3 =	vmul.f32 v53, v55  }
0x154: {  	v62 =	vld [tilespmem:s29+$0xF2E0];
	v61 =	vbroadcast v0, $0xE;
	v5 =	vmul.f32 v54, v58  }
0x155: {  	v1 =	vadd.f32 v3, v1;
	v2 =	vadd.f32 v7, v2;
	v3 =	vmul.f32 v56, v58  }
0x156: {  	v0 =	vbroadcast v0, $0xF;
	v4 =	vmul.f32 v57, v61  }
0x157: {  	v1 =	vadd.f32 v3, v1;
	v2 =	vadd.f32 v5, v2;
	v3 =	vmul.f32 v59, v61  }
0x158: {  	v63 =	vmul.f32 v60, v0  }
0x159: {  	v0 =	vmul.f32 v62, v0;
	v1 =	vadd.f32 v3, v1;
	v2 =	vadd.f32 v4, v2;
	_ =	sdelay $0x1  }
0x15a: {  	s23 =	simm.s32 $0x1B810;
	s24 =	simm.s32 $0xC00;
	s25 =	simm.s32 $0x1B810;
	v1 =	vadd.f32 v0, v1;
	v0 =	vadd.f32 v63, v2  }
.LBB2_5:
0x15b: {  	_ = 	snop  }
0x15c: {  	p2 =	sne.s32 s24, $0x2F400;
	s25 =	sadd.s32 $0x20, s25;
	s21 =	sadd.s32 $0x18, s21;
	[tilespmem:s23+$0xFFFFFFF0] =	vst v1  }
0x15d: {  	s26 =	smov.u32 s24;
	s24 =	sadd.s32 $0xC00, s24;
	[tilespmem:s23+$0x0] =	vst v0;
	s23 =	smov.u32 s25  }
0x15e: {  	v0 =	vld [tilespmem:s21+$0x0]  }
0x15f: {  	s26 =	sshra.s32 s26, $0x2;
	v3 =	vld [tilespmem:s21+$0xFFFFFFF8]  }
0x160: {  	v4 =	vld [tilespmem:s26+$0xF010]  }
0x161: {  	v5 =	vld [tilespmem:s26+$0xF000]  }
0x162: {  	v6 =	vld [tilespmem:s26+$0xF030]  }
0x163: {  	v7 =	vld [tilespmem:s26+$0xF020];
	v2 =	vbroadcast v0, $0x8;
	v1 =	vbroadcast v0, $0xB  }
0x164: {  	v8 =	vbroadcast v3, $0x0;
	v9 =	vbroadcast v3, $0x1;
	v10 =	vld [tilespmem:s26+$0xF050]  }
0x165: {  	v12 =	vbroadcast v3, $0x2;
	v13 =	vbroadcast v3, $0x3;
	v11 =	vld [tilespmem:s26+$0xF040]  }
0x166: {  	v5 =	vmul.f32 v5, v8;
	v4 =	vmul.f32 v4, v8;
	v8 =	vld [tilespmem:s26+$0xF070]  }
0x167: {  	v15 =	vbroadcast v3, $0x4;
	v6 =	vmul.f32 v6, v9;
	v14 =	vld [tilespmem:s26+$0xF060]  }
0x168: {  	v5 =	vadd.f32 $0.0e+00, v5;
	v4 =	vadd.f32 $0.0e+00, v4;
	v7 =	vmul.f32 v7, v9;
	v9 =	vld [tilespmem:s26+$0xF090]  }
0x169: {  	v17 =	vbroadcast v3, $0x5;
	v10 =	vmul.f32 v10, v12;
	v16 =	vld [tilespmem:s26+$0xF080]  }
0x16a: {  	v5 =	vadd.f32 v7, v5;
	v4 =	vadd.f32 v6, v4;
	v6 =	vmul.f32 v11, v12;
	v7 =	vld [tilespmem:s26+$0xF0B0]  }
0x16b: {  	v12 =	vbroadcast v3, $0x6;
	v8 =	vmul.f32 v8, v13;
	v11 =	vld [tilespmem:s26+$0xF0A0]  }
0x16c: {  	v5 =	vadd.f32 v6, v5;
	v4 =	vadd.f32 v10, v4;
	v6 =	vmul.f32 v14, v13;
	v10 =	vld [tilespmem:s26+$0xF0D0]  }
0x16d: {  	v14 =	vbroadcast v3, $0x7;
	v9 =	vmul.f32 v9, v15;
	v13 =	vld [tilespmem:s26+$0xF0C0]  }
0x16e: {  	v5 =	vadd.f32 v6, v5;
	v4 =	vadd.f32 v8, v4;
	v6 =	vmul.f32 v16, v15;
	v8 =	vld [tilespmem:s26+$0xF0F0]  }
0x16f: {  	v16 =	vbroadcast v3, $0x8;
	v7 =	vmul.f32 v7, v17;
	v15 =	vld [tilespmem:s26+$0xF0E0]  }
0x170: {  	v5 =	vadd.f32 v6, v5;
	v4 =	vadd.f32 v9, v4;
	v6 =	vmul.f32 v11, v17;
	v9 =	vld [tilespmem:s26+$0xF110]  }
0x171: {  	v17 =	vbroadcast v3, $0x9;
	v10 =	vmul.f32 v10, v12;
	v11 =	vld [tilespmem:s26+$0xF100]  }
0x172: {  	v5 =	vadd.f32 v6, v5;
	v4 =	vadd.f32 v7, v4;
	v6 =	vmul.f32 v13, v12;
	v7 =	vld [tilespmem:s26+$0xF130]  }
0x173: {  	v13 =	vbroadcast v3, $0xA;
	v8 =	vmul.f32 v8, v14;
	v12 =	vld [tilespmem:s26+$0xF120]  }
0x174: {  	v5 =	vadd.f32 v6, v5;
	v4 =	vadd.f32 v10, v4;
	v6 =	vmul.f32 v15, v14;
	v10 =	vld [tilespmem:s26+$0xF150]  }
0x175: {  	v15 =	vbroadcast v3, $0xB;
	v9 =	vmul.f32 v9, v16;
	v14 =	vld [tilespmem:s26+$0xF140]  }
0x176: {  	v5 =	vadd.f32 v6, v5;
	v4 =	vadd.f32 v8, v4;
	v6 =	vmul.f32 v11, v16;
	v8 =	vld [tilespmem:s26+$0xF170]  }
0x177: {  	v16 =	vbroadcast v3, $0xC;
	v7 =	vmul.f32 v7, v17;
	v11 =	vld [tilespmem:s26+$0xF160]  }
0x178: {  	v5 =	vadd.f32 v6, v5;
	v4 =	vadd.f32 v9, v4;
	v6 =	vmul.f32 v12, v17;
	v9 =	vld [tilespmem:s26+$0xF190]  }
0x179: {  	v17 =	vbroadcast v3, $0xD;
	v10 =	vmul.f32 v10, v13;
	v12 =	vld [tilespmem:s26+$0xF180]  }
0x17a: {  	v5 =	vadd.f32 v6, v5;
	v4 =	vadd.f32 v7, v4;
	v6 =	vmul.f32 v14, v13;
	v7 =	vld [tilespmem:s26+$0xF1B0]  }
0x17b: {  	v14 =	vbroadcast v3, $0xE;
	v8 =	vmul.f32 v8, v15;
	v13 =	vld [tilespmem:s26+$0xF1A0]  }
0x17c: {  	v5 =	vadd.f32 v6, v5;
	v4 =	vadd.f32 v10, v4;
	v6 =	vmul.f32 v11, v15;
	v10 =	vld [tilespmem:s26+$0xF1D0]  }
0x17d: {  	v3 =	vbroadcast v3, $0xF;
	v9 =	vmul.f32 v9, v16;
	v11 =	vld [tilespmem:s26+$0xF1C0]  }
0x17e: {  	v5 =	vadd.f32 v6, v5;
	v4 =	vadd.f32 v8, v4;
	v6 =	vmul.f32 v12, v16;
	v8 =	vld [tilespmem:s26+$0xF1F0]  }
0x17f: {  	v15 =	vbroadcast v0, $0xD;
	v7 =	vmul.f32 v7, v17;
	v12 =	vld [tilespmem:s26+$0xF1E0]  }
0x180: {  	v5 =	vadd.f32 v6, v5;
	v4 =	vadd.f32 v9, v4;
	v6 =	vmul.f32 v13, v17;
	v9 =	vld [tilespmem:s26+$0xF210]  }
0x181: {  	v16 =	vbroadcast v0, $0xF;
	v10 =	vmul.f32 v10, v14;
	v13 =	vld [tilespmem:s26+$0xF200]  }
0x182: {  	v5 =	vadd.f32 v6, v5;
	v4 =	vadd.f32 v7, v4;
	v6 =	vmul.f32 v11, v14;
	v7 =	vld [tilespmem:s26+$0xF230]  }
0x183: {  	v8 =	vmul.f32 v8, v3;
	v11 =	vld [tilespmem:s26+$0xF220]  }
0x184: {  	v5 =	vadd.f32 v6, v5;
	v4 =	vadd.f32 v10, v4;
	v3 =	vmul.f32 v12, v3;
	v6 =	vld [tilespmem:s26+$0xF250]  }
0x185: {  	v10 =	vbroadcast v0, $0x9;
	v9 =	vmul.f32 v9, v2;
	v12 =	vld [tilespmem:s26+$0xF240]  }
0x186: {  	v3 =	vadd.f32 v3, v5;
	v4 =	vadd.f32 v8, v4;
	v2 =	vmul.f32 v13, v2;
	v5 =	vld [tilespmem:s26+$0xF270]  }
0x187: {  	v8 =	vbroadcast v0, $0xA;
	v7 =	vmul.f32 v7, v10;
	v13 =	vld [tilespmem:s26+$0xF260]  }
0x188: {  	v2 =	vadd.f32 v2, v3;
	v3 =	vadd.f32 v9, v4;
	v4 =	vmul.f32 v11, v10;
	v9 =	vld [tilespmem:s26+$0xF290]  }
0x189: {  	v6 =	vmul.f32 v6, v8;
	v10 =	vld [tilespmem:s26+$0xF280]  }
0x18a: {  	v2 =	vadd.f32 v4, v2;
	v3 =	vadd.f32 v7, v3;
	v4 =	vmul.f32 v12, v8;
	v7 =	vld [tilespmem:s26+$0xF2B0]  }
0x18b: {  	v8 =	vbroadcast v0, $0xC;
	v5 =	vmul.f32 v5, v1;
	v11 =	vld [tilespmem:s26+$0xF2A0]  }
0x18c: {  	v2 =	vadd.f32 v4, v2;
	v3 =	vadd.f32 v6, v3;
	v1 =	vmul.f32 v13, v1;
	v4 =	vld [tilespmem:s26+$0xF2D0]  }
0x18d: {  	v6 =	vmul.f32 v9, v8;
	v9 =	vld [tilespmem:s26+$0xF2C0]  }
0x18e: {  	v1 =	vadd.f32 v1, v2;
	v2 =	vadd.f32 v5, v3;
	v3 =	vmul.f32 v10, v8;
	v5 =	vld [tilespmem:s26+$0xF2F0]  }
0x18f: {  	v0 =	vbroadcast v0, $0xE;
	v7 =	vmul.f32 v7, v15;
	v8 =	vld [tilespmem:s26+$0xF2E0]  }
0x190: {  	v1 =	vadd.f32 v3, v1;
	v2 =	vadd.f32 v6, v2;
	v3 =	vmul.f32 v11, v15  }
0x191: {  	v4 =	vmul.f32 v4, v0  }
.Ltmp1:
0x192: {  	v1 =	vadd.f32 v3, v1;
	v2 =	vadd.f32 v7, v2;
	v0 =	vmul.f32 v9, v0;
	(pc) =	sbr.rel @p2 .LBB2_5-.Ltmp1, $3  }
0x193: {  	v3 =	vmul.f32 v5, v16  }
0x194: {  	v0 =	vadd.f32 v0, v1;
	v2 =	vadd.f32 v4, v2;
	v1 =	vmul.f32 v8, v16;
	_ =	sdelay $0x1  }
0x195: {  	v1 =	vadd.f32 v1, v0;
	v0 =	vadd.f32 v3, v2  }
0x196: {  	s21 =	sshll.u32 s18, $0xC  }
0x197: {  	s21 =	sadd.s32 s11, s21  }
0x198: {  	[tilespmem:s23+$0xFFFFFFF0] =	vst v1;
	s21 =	sshrl.u32 s21, $0x3  }
0x199: {  	[tilespmem:s23+$0x0] =	vst v0;
	s21 =	sadd.s32 s6, s21  }
0x19a: {  	[hbm4b:s21+s3] =	stream.linear.scatter [tilespmem:s15], [sflag:$0x4], $0x1000, $0x38;
	[tilespmem:$0x1C000] =	vst v63  }
0x19b: {  	_ =	swait.ge [sflag:s14], $0x1000  }
0x19c: {  	s24 =	simm.s32 @!p1 $0xF000;
	[sflag:s14] =	ssyncset.done $0x0  }
0x19d: {  	s23 =	simm.s32 @!p1 $0x80;
	s21 =	sadd.s32 @!p1 $0x600, s22;
	[sflag:s14] =	ssyncadd.s32 $0xFFFFF000  }
0x19e: {  	[tilespmem:s24], [sflag:$0x2] =	stream.indirect.gather @!p1 [hbm4b:s4+s23], $0x20, s21, s23, $0xb8;
	[tilespmem:$0x1C000] =	vst v63  }
0x19f: {  	s21 =	sadd.s32 @!p1 $0x680, s22;
	s24 =	simm.s32 @!p1 $0x10000  }
0x1a0: {  	[tilespmem:s24], [sflag:$0x2] =	stream.indirect.gather @!p1 [hbm4b:s4+s23], $0x20, s21, s23, $0xb8;
	[tilespmem:$0x1C000] =	vst v63  }
0x1a1: {  	s21 =	sadd.s32 @!p1 $0x700, s22;
	s24 =	simm.s32 @!p1 $0x11000  }
0x1a2: {  	[tilespmem:s24], [sflag:$0x2] =	stream.indirect.gather @!p1 [hbm4b:s4+s23], $0x20, s21, s23, $0xb8;
	[tilespmem:$0x1C000] =	vst v63  }
0x1a3: {  	s21 =	sadd.s32 @!p1 $0x780, s22;
	s24 =	simm.s32 @!p1 $0x12000  }
0x1a4: {  	[tilespmem:s24], [sflag:$0x2] =	stream.indirect.gather @!p1 [hbm4b:s4+s23], $0x20, s21, s23, $0xb8;
	[tilespmem:$0x1C000] =	vst v63  }
0x1a5: {  	s21 =	sadd.s32 @!p1 $0x800, s22;
	s24 =	simm.s32 @!p1 $0x13000  }
0x1a6: {  	[tilespmem:s24], [sflag:$0x2] =	stream.indirect.gather @!p1 [hbm4b:s4+s23], $0x20, s21, s23, $0xb8;
	[tilespmem:$0x1C000] =	vst v63  }
0x1a7: {  	s21 =	sadd.s32 @!p1 $0x880, s22;
	s24 =	simm.s32 @!p1 $0x14000  }
0x1a8: {  	[tilespmem:s24], [sflag:$0x2] =	stream.indirect.gather @!p1 [hbm4b:s4+s23], $0x20, s21, s23, $0xb8;
	[tilespmem:$0x1C000] =	vst v63  }
0x1a9: {  	p2 =	sgt.u32 @!p1 s18, $0x8;
	s21 =	sadd.s32 @!p1 $0x900, s22;
	s24 =	simm.s32 @!p1 $0x15000  }
0x1aa: {  	[tilespmem:s24], [sflag:$0x2] =	stream.indirect.gather @!p1 [hbm4b:s4+s23], $0x20, s21, s23, $0xb8;
	[tilespmem:$0x1C000] =	vst v63  }
0x1ab: {  	p2 =	por p2, p1;
	s21 =	sadd.s32 @!p1 $0x980, s22;
	s24 =	simm.s32 @!p1 $0x16000  }
0x1ac: {  	[tilespmem:s24], [sflag:$0x2] =	stream.indirect.gather @!p1 [hbm4b:s4+s23], $0x20, s21, s23, $0xb8;
	[tilespmem:$0x1C000] =	vst v63  }
0x1ad: {  	s18 =	sshll.u32 @!p2 s18, $0x7;
	s21 =	sadd.s32 @!p1 $0xA00, s22;
	s24 =	simm.s32 @!p1 $0x17000  }
0x1ae: {  	[tilespmem:s24], [sflag:$0x2] =	stream.indirect.gather @!p1 [hbm4b:s4+s23], $0x20, s21, s23, $0xb8;
	[tilespmem:$0x1C000] =	vst v63  }
0x1af: {  	s20 =	smul.u32 @!p2 $0xC00, s20;
	s21 =	sadd.s32 @!p1 $0xA80, s22;
	s24 =	simm.s32 @!p1 $0x18000  }
0x1b0: {  	[tilespmem:s24], [sflag:$0x2] =	stream.indirect.gather @!p1 [hbm4b:s4+s23], $0x20, s21, s23, $0xb8;
	[tilespmem:$0x1C000] =	vst v63  }
0x1b1: {  	s18 =	sadd.s32 @!p2 s18, s12;
	s21 =	sadd.s32 @!p1 $0xB00, s22;
	s24 =	simm.s32 @!p1 $0x19000  }
0x1b2: {  	[tilespmem:s24], [sflag:$0x2] =	stream.indirect.gather @!p1 [hbm4b:s4+s23], $0x20, s21, s23, $0xb8;
	[tilespmem:$0x1C000] =	vst v63  }
0x1b3: {  	s18 =	smul.u32 @!p2 $0x3, s18;
	s21 =	sadd.s32 @!p1 $0xB80, s22;
	s22 =	simm.s32 @!p1 $0x1A000  }
0x1b4: {  	[tilespmem:s22], [sflag:$0x2] =	stream.indirect.gather @!p1 [hbm4b:s4+s23], $0x20, s21, s23, $0xb8;
	[tilespmem:$0x1C000] =	vst v63  }
0x1b5: {  	s21 =	sadd.s32 @!p2 s2, s18;
	s22 =	simm.s32 @!p2 $0x0  }
0x1b6: {  	[tilespmem:s20], [sflag:$0x3] =	stream.linear.gather @!p2 [hbm4b:s21+s22], $0xC00, $0x38;
	[tilespmem:$0x1C000] =	vst v63  }
0x1b7: {  	s18 =	sadd.s32 @!p2 s5, s18;
	s20 =	sadd.s32 @!p2 $0x1800, s20  }
0x1b8: {  	[tilespmem:s20], [sflag:$0x3] =	stream.linear.gather @!p2 [hbm4b:s18+s22], $0xC00, $0x38;
	[tilespmem:$0x1C000] =	vst v63  }
0x1b9: {  	p2 =	sne.s32 @!p1 s19, $0xB  }
0x1ba: {  	p2 =	por p1, !p2  }
.Ltmp2:
0x1bb: {  	_ = 	snop;
	(pc) =	sbr.rel @!p2 .LBB2_2-.Ltmp2, $2  }
0x1bc: {  	_ =	sdelay $0x2  }
0x1bd: {  	p0 =	por @!p1 !p0, !p0;
	s18 =	smov.u32 s19  }
0x1be: {  	s17 =	sadd.s32 $0x1, s17  }
0x1bf: {  	p0 =	sne.s32 s17, s13  }
.Ltmp3:
0x1c0: {  	_ = 	snop;
	(pc) =	sbr.rel @p0 .LBB2_1-.Ltmp3, $1  }
0x1c1: {  	_ =	sdelay $0x3  }
0x1c2: {  	_ =	sfence.sel $0x180000  }
0x1c3: {  	[bflag:$0x0] =	sbarrier.arrive $0xFFFF  }
0x1c4: {  	_ =	strace $0x90000047  }
0x1c5: {  	s0 =	stileid.u32;
	[bflag:$0x2] =	sbarrier.arrive $0xFFFF  }
0x1c6: {  	p0 =	sne.s32 s0, $0x0;
	s0 =	rddreg [dreg:$0x2]  }
0x1c7: {  	s0 =	sadd.s32 @!p0 $0x100000, s0  }
0x1c8: {  	[sflag:s0] =	ssyncadd.tile.s32 @!p0 $0x1;
	_ =	shalt  }
.Lfunc_end2:
_tile_overlayer_lowered:
.L_overlay_start_2:
0x1c9: {  	(tag) =	ssettag $0x2  }
0x1ca: {  	s0 =	rddreg [dreg:$0x0];
	s2 =	stileid.u32  }
0x1cb: {  	s1 =	rddreg [dreg:$0x1];
	p0 =	sne.s32 s2, $0x0  }
0x1cc: {  	s3 =	rddreg [dreg:$0x2];
	[bflag:$0x3] =	sbarrier.arrive $0xFFFF;
	s2 =	simm.s32 @!p0 $0x1C04  }
0x1cd: {  	[timem:s3], [sflag:s2] =	dma.local @!p0 [hbm:s0], s1  }
0x1ce: {  	s0 =	simm.s32 @!p0 $0x4  }
0x1cf: {  	_ =	swait.ge @!p0 [sflag:s0], s1  }
0x1d0: {  	s1 =	ssub.s32 @!p0 $0x0, s1;
	[sflag:s0] =	ssyncset.done @!p0 $0x0  }
0x1d1: {  	[sflag:s0] =	ssyncadd.s32 @!p0 s1  }
0x1d2: {  	[bflag:$0x3] =	sbarrier.arrive $0xFFFF  }
0x1d3: {  	_ =	shalt  }

</sc_bundles>
